<compile_context>
chip_gen: v7x
topology: tpu7x:2x2x1
jax: 0.10.2.dev20260603
libtpu: 0.0.44.dev20260713+nightly
codegen_flags: <defaults>
</compile_context>

<pallas_src>
import functools

import jax
import jax.numpy as jnp
from jax import lax
from jax.experimental import pallas as pl
from jax.experimental.pallas import tpu as pltpu
from jax.experimental.pallas import tpu_sc as plsc

BATCH = 4096
SEQ_LEN = 200
EMBED_DIM = 64
HALF_V = 503808
PAIR_W = 2 * EMBED_DIM
CHUNK_A = 96
CHUNK_B = SEQ_LEN - CHUNK_A
NC = 2
NS = 16
NW = NC * NS
SPW = BATCH // NW
TPW = SPW * SEQ_LEN
LANES = 16


def _fire(emb2_hbm, pv_v, s, buf, sem):
  base = s * SEQ_LEN
  pltpu.async_copy(emb2_hbm.at[pv_v.at[pl.ds(base, CHUNK_A)]],
                   buf.at[pl.ds(0, CHUNK_A)], sem)
  pltpu.async_copy(emb2_hbm.at[pv_v.at[pl.ds(base + CHUNK_A, CHUNK_B)]],
                   buf.at[pl.ds(CHUNK_A, CHUNK_B)], sem)


def _drain(emb2_hbm, buf, sem):
  pltpu.make_async_copy(emb2_hbm.at[pl.ds(0, SEQ_LEN)], buf, sem).wait()


def _accum(buf, ov_v, acc_v, s):
  zero = jnp.zeros((LANES,), jnp.float32)
  tbase = s * SEQ_LEN

  def rows(carry, base, offs, n):
    a0, a1, a2, a3 = carry
    for k in range(n):
      row = base + k
      off = offs[k]
      a0 = a0 + buf[row, pl.ds(off + 0 * LANES, LANES)]
      a1 = a1 + buf[row, pl.ds(off + 1 * LANES, LANES)]
      a2 = a2 + buf[row, pl.ds(off + 2 * LANES, LANES)]
      a3 = a3 + buf[row, pl.ds(off + 3 * LANES, LANES)]
    return (a0, a1, a2, a3)

  def gbody(g, carry):
    offs = (ov_v[pl.ds(tbase + g * LANES, LANES)] & 1) * EMBED_DIM
    return rows(carry, g * LANES, offs, LANES)

  nfull = SEQ_LEN // LANES
  carry = lax.fori_loop(0, nfull, gbody, (zero, zero, zero, zero))
  toffs = (ov_v[pl.ds(tbase + nfull * LANES, LANES)] & 1) * EMBED_DIM
  a0, a1, a2, a3 = rows(carry, nfull * LANES, toffs, SEQ_LEN % LANES)
  obase = s * EMBED_DIM
  acc_v[pl.ds(obase + 0 * LANES, LANES)] = a0
  acc_v[pl.ds(obase + 1 * LANES, LANES)] = a1
  acc_v[pl.ds(obase + 2 * LANES, LANES)] = a2
  acc_v[pl.ds(obase + 3 * LANES, LANES)] = a3


@functools.partial(
    pl.kernel,
    mesh=plsc.VectorSubcoreMesh(core_axis_name="c", subcore_axis_name="s"),
    out_type=jax.ShapeDtypeStruct((BATCH * EMBED_DIM,), jnp.float32),
    scratch_types=[
        pltpu.VMEM((TPW,), jnp.int32),
        pltpu.VMEM((TPW + LANES,), jnp.int32),
        pltpu.VMEM((SEQ_LEN, PAIR_W), jnp.float32),
        pltpu.VMEM((SEQ_LEN, PAIR_W), jnp.float32),
        pltpu.VMEM((SPW * EMBED_DIM,), jnp.float32),
        pltpu.SemaphoreType.DMA,
        pltpu.SemaphoreType.DMA,
    ],
)
def _pool_sum(x_hbm, emb2_hbm, m_hbm, pv_v, ov_v, buf_a, buf_b, acc_v,
              sem_a, sem_b):
  wid = lax.axis_index("s") * NC + lax.axis_index("c")
  pltpu.sync_copy(x_hbm.at[pl.ds(wid * TPW, TPW)], pv_v)

  def tbody(j, _):
    for k in range(4):
      o = (4 * j + k) * LANES
      t = pv_v[pl.ds(o, LANES)]
      lo = lax.shift_right_logical(t - HALF_V, 31)
      ov_v[pl.ds(o, LANES)] = 1 - lo
      pv_v[pl.ds(o, LANES)] = t - HALF_V + ((-lo) & HALF_V)
    return 0

  lax.fori_loop(0, TPW // (4 * LANES), tbody, 0)

  _fire(emb2_hbm, pv_v, 0, buf_a, sem_a)

  def body(i, _):
    s = 2 * i

    @pl.when(s + 1 < SPW)
    def _():
      _fire(emb2_hbm, pv_v, s + 1, buf_b, sem_b)

    _drain(emb2_hbm, buf_a, sem_a)
    _accum(buf_a, ov_v, acc_v, s)

    @pl.when(s + 2 < SPW)
    def _():
      _fire(emb2_hbm, pv_v, s + 2, buf_a, sem_a)

    _drain(emb2_hbm, buf_b, sem_b)
    _accum(buf_b, ov_v, acc_v, s + 1)
    return 0

  lax.fori_loop(0, SPW // 2, body, 0)
  pltpu.sync_copy(acc_v, m_hbm.at[pl.ds(wid * SPW * EMBED_DIM,
                                        SPW * EMBED_DIM)])


def _pair_body(t1_ref, t2_ref, eye_ref, out_ref):
  eye = eye_ref[...]
  dn = (((0,), (0,)), ((), ()))
  out_ref[:, 0:EMBED_DIM] = lax.dot_general(
      t1_ref[...], eye, dn, precision=lax.Precision.DEFAULT,
      preferred_element_type=jnp.float32)
  out_ref[:, EMBED_DIM:PAIR_W] = lax.dot_general(
      t2_ref[...], eye, dn, precision=lax.Precision.DEFAULT,
      preferred_element_type=jnp.float32)


def _pair_table(emb_t):
  bp = 4096
  nblk = HALF_V // bp
  last_blk = emb_t.shape[1] // bp
  eye = jnp.eye(EMBED_DIM, dtype=jnp.float32)
  return pl.pallas_call(
      _pair_body,
      grid=(nblk,),
      in_specs=[
          pl.BlockSpec((EMBED_DIM, bp), lambda i: (0, i)),
          pl.BlockSpec((EMBED_DIM, bp),
                       lambda i: (0, jnp.minimum(nblk + i, last_blk))),
          pl.BlockSpec((EMBED_DIM, EMBED_DIM), lambda i: (0, 0)),
      ],
      out_specs=pl.BlockSpec((bp, PAIR_W), lambda i: (i, 0)),
      out_shape=jax.ShapeDtypeStruct((HALF_V, PAIR_W), jnp.float32),
  )(emb_t, emb_t, eye)


def _mlp_body(m_ref, w1_ref, b1_ref, w2_ref, b2_ref, out_ref):
  m = m_ref[...] * (1.0 / SEQ_LEN)
  h = jnp.dot(m, w1_ref[...], preferred_element_type=jnp.float32)
  h = jnp.maximum(h + b1_ref[...], 0.0)
  out_ref[...] = (
      jnp.dot(h, w2_ref[...], preferred_element_type=jnp.float32)
      + b2_ref[...])


def _mlp(m_sum, W1, b1, W2p, b2p):
  blk = 512
  in_features = W1.shape[1]
  pad_cols = W2p.shape[1]
  return pl.pallas_call(
      _mlp_body,
      grid=(BATCH // blk,),
      in_specs=[
          pl.BlockSpec((blk, EMBED_DIM), lambda i: (i, 0)),
          pl.BlockSpec((EMBED_DIM, in_features), lambda i: (0, 0)),
          pl.BlockSpec((1, in_features), lambda i: (0, 0)),
          pl.BlockSpec((in_features, pad_cols), lambda i: (0, 0)),
          pl.BlockSpec((1, pad_cols), lambda i: (0, 0)),
      ],
      out_specs=pl.BlockSpec((blk, pad_cols), lambda i: (i, 0)),
      out_shape=jax.ShapeDtypeStruct((BATCH, pad_cols), jnp.float32),
  )(m_sum, W1, b1.reshape(1, -1), W2p, b2p.reshape(1, -1))


def kernel(x, emb, W1, b1, W2, b2):
  num_class = W2.shape[1]
  emb2 = _pair_table(emb.T)
  m_flat = _pool_sum(x.reshape(-1), emb2)
  m_sum = m_flat.reshape(BATCH, EMBED_DIM)
  pad_cols = 128
  W2p = jnp.pad(W2, ((0, 0), (0, pad_cols - num_class)))
  b2p = jnp.pad(b2, (0, pad_cols - num_class))
  out = _mlp(m_sum, W1, b1, W2p, b2p)
  return out[:, :num_class]

# --- scband reference (transcript-rebuilt; emitter-appended) ---
"""Pipeline reference for scband-word-avg-35029753266658 (READ-ONLY COPY).

The authoritative reference and input builder live on the scoring server;
editing this copy changes nothing except your own understanding.
"""

import jax, jax.numpy as jnp
import numpy as np

VOCAB = 1000000
EMBED_DIM = 64
IN_FEATURES = 1024
NUM_CLASS = 2
BATCH = 4096
SEQ_LEN = 200


def setup_inputs(seed: int = 0) -> dict:
    key = jax.random.key(seed)
    k1, k2, k3, k4, k5 = jax.random.split(key, 5)
    x = jax.random.randint(k1, (BATCH, SEQ_LEN), 0, VOCAB, dtype=jnp.int64 if jax.config.jax_enable_x64 else jnp.int32).astype(jnp.int32)
    emb = jax.random.normal(k2, (VOCAB, EMBED_DIM), dtype=jnp.float32) * 0.02
    W1 = jax.random.normal(k3, (EMBED_DIM, IN_FEATURES), dtype=jnp.float32) * 0.02
    b1 = jnp.zeros((IN_FEATURES,), dtype=jnp.float32)
    W2 = jax.random.normal(k4, (IN_FEATURES, NUM_CLASS), dtype=jnp.float32) * 0.02
    b2 = jnp.zeros((NUM_CLASS,), dtype=jnp.float32)
    return {"x": x, "emb": emb, "W1": W1, "b1": b1, "W2": W2, "b2": b2}


def reference(x, emb, W1, b1, W2, b2):
    # embedding lookup: [B, L] -> [B, L, D]
    e = jnp.take(emb, x, axis=0)
    # mean over sequence dim (dim=1 in torch)
    m = jnp.mean(e, axis=1)
    # MLP head: Linear -> ReLU -> Linear
    h = jax.nn.relu(m @ W1 + b1)
    out = h @ W2 + b2
    return out

if __name__ == "__main__":
    import jax
    _d = setup_inputs()
    print(jax.jit(kernel)(*tuple(_d.values())))

</pallas_src>

<mosaic_0001>
#map = affine_map<(d0, d1) -> (0)>
#map1 = affine_map<(d0, d1) -> (0, 0)>
module attributes {stable_mosaic.version = 14 : i64} {
  func.func @_pool_sum(%arg0: i32, %arg1: i32, %arg2: memref<819200xi32, #tpu.memory_space<hbm>>, %arg3: memref<503808x128xf32, #tpu.memory_space<hbm>>, %arg4: memref<262144xf32, #tpu.memory_space<hbm>>, %arg5: memref<25600xi32, #tpu.memory_space<vmem>>, %arg6: memref<25616xi32, #tpu.memory_space<vmem>>, %arg7: memref<200x128xf32, #tpu.memory_space<vmem>>, %arg8: memref<200x128xf32, #tpu.memory_space<vmem>>, %arg9: memref<8192xf32, #tpu.memory_space<vmem>>, %arg10: memref<!tpu.dma_semaphore, #tpu.memory_space<semaphore_mem>>, %arg11: memref<!tpu.dma_semaphore, #tpu.memory_space<semaphore_mem>>) attributes {dimension_semantics = [#tpu.dimension_semantics<core_parallel>, #tpu.dimension_semantics<subcore_parallel>], iteration_bounds = array<i64: 2, 16>, scalar_prefetch = 0 : i64, scratch_operands = 7 : i64, tpu.core_type = #tpu.core_type<sc_vector_subcore>, window_params = [{transform_indices = #map}, {transform_indices = #map1}, {transform_indices = #map}]} {
    %mul3A = arith.constant 2 : i32
    %mul3A_0 = arith.muli %arg1, %mul3A : i32
    %add3A = arith.addi %mul3A_0, %arg0 : i32
    %mul3A_1 = arith.constant 25600 : i32
    %mul3A_2 = arith.muli %add3A, %mul3A_1 : i32
    "tpu.region"() ({
      %run_scoped3A = tpu.sem_alloc : memref<!tpu.dma_semaphore, #tpu.memory_space<semaphore_mem>>
      %dma_start3A_35 = tpu.memref_slice %arg2[%mul3A_2] : memref<819200xi32, #tpu.memory_space<hbm>> -> memref<25600xi32, #tpu.memory_space<hbm>>
      %dma_start3A_36 = tpu.memref_slice %arg2[%mul3A_2] : memref<819200xi32, #tpu.memory_space<hbm>> -> memref<25600xi32, #tpu.memory_space<hbm>>
      tpu.enqueue_dma source(%dma_start3A_36 : memref<25600xi32, #tpu.memory_space<hbm>>) target(%arg5 : memref<25600xi32, #tpu.memory_space<vmem>>) target_semaphore(%run_scoped3A : memref<!tpu.dma_semaphore, #tpu.memory_space<semaphore_mem>>)
      %dma_wait3A = tpu.memref_slice %arg2[%mul3A_2] : memref<819200xi32, #tpu.memory_space<hbm>> -> memref<25600xi32, #tpu.memory_space<hbm>>
      %dma_wait3A_37 = tpu.memref_slice %arg2[%mul3A_2] : memref<819200xi32, #tpu.memory_space<hbm>> -> memref<25600xi32, #tpu.memory_space<hbm>>
      tpu.wait_dma2 semaphore(%run_scoped3A : memref<!tpu.dma_semaphore, #tpu.memory_space<semaphore_mem>>) src(%dma_wait3A_37 : memref<25600xi32, #tpu.memory_space<hbm>>) dst(%arg5 : memref<25600xi32, #tpu.memory_space<vmem>>)
      tpu.yield
    }) : () -> ()
    %scan3A = arith.constant 0 : i32
    %scan3A_3 = arith.constant 0 : i32
    %scan3A_4 = arith.constant 400 : i32
    %scan3A_5 = arith.addi %scan3A_3, %scan3A_4 : i32
    %scan3A_6 = arith.constant 1 : i32
    %scan3A_7 = scf.for %scan3A_35 = %scan3A_3 to %scan3A_5 step %scan3A_6 iter_args(%scan3A_36 = %scan3A) -> (i32)  : i32 {
      %mul3A_37 = arith.constant 4 : i32
      %mul3A_38 = arith.muli %mul3A_37, %scan3A_35 : i32
      %add3A_39 = arith.constant 0 : i32
      %add3A_40 = arith.addi %mul3A_38, %add3A_39 : i32
      %mul3A_41 = arith.constant 16 : i32
      %mul3A_42 = arith.muli %add3A_40, %mul3A_41 : i32
      %get3A = arith.index_cast %mul3A_42 : i32 to index
      %get3A_43 = tpu.vector_load %arg5[%get3A] {strides = array<i32>} : memref<25600xi32, #tpu.memory_space<vmem>>, vector<16xi32>,
      %get3A_44 = vector.shape_cast %get3A_43 : vector<16xi32> to vector<16xi32>
      %sub3A = arith.constant 503808 : i32
      %sub3A_45 = vector.broadcast %sub3A : i32 to vector<16xi32>
      %sub3A_46 = arith.subi %get3A_44, %sub3A_45 : vector<16xi32>
      %shift_right_logical3A = arith.constant 31 : i32
      %shift_right_logical3A_47 = vector.broadcast %shift_right_logical3A : i32 to vector<16xi32>
      %shift_right_logical3A_48 = arith.shrui %sub3A_46, %shift_right_logical3A_47 : vector<16xi32>
      %sub3A_49 = arith.constant 1 : i32
      %sub3A_50 = vector.broadcast %sub3A_49 : i32 to vector<16xi32>
      %sub3A_51 = arith.subi %sub3A_50, %shift_right_logical3A_48 : vector<16xi32>
      %swap3A = arith.index_cast %mul3A_42 : i32 to index
      %swap3A_52 = tpu.vector_load %arg6[%swap3A] {strides = array<i32>} : memref<25616xi32, #tpu.memory_space<vmem>>, vector<16xi32>,
      %swap3A_53 = vector.shape_cast %swap3A_52 : vector<16xi32> to vector<16xi32>
      %swap3A_54 = vector.shape_cast %sub3A_51 : vector<16xi32> to vector<16xi32>
      tpu.vector_store %arg6[%swap3A], %swap3A_54 {strides = array<i32>} : memref<25616xi32, #tpu.memory_space<vmem>>, vector<16xi32>,
      %sub3A_55 = arith.constant 503808 : i32
      %sub3A_56 = vector.broadcast %sub3A_55 : i32 to vector<16xi32>
      %sub3A_57 = arith.subi %get3A_44, %sub3A_56 : vector<16xi32>
      %neg3A = arith.constant 0 : i32
      %neg3A_58 = vector.broadcast %neg3A : i32 to vector<16xi32>
      %neg3A_59 = arith.subi %neg3A_58, %shift_right_logical3A_48 : vector<16xi32>
      %and3A = arith.constant 503808 : i32
      %and3A_60 = vector.broadcast %and3A : i32 to vector<16xi32>
      %and3A_61 = arith.andi %neg3A_59, %and3A_60 : vector<16xi32>
      %add3A_62 = arith.addi %sub3A_57, %and3A_61 : vector<16xi32>
      %swap3A_63 = arith.index_cast %mul3A_42 : i32 to index
      %swap3A_64 = tpu.vector_load %arg5[%swap3A_63] {strides = array<i32>} : memref<25600xi32, #tpu.memory_space<vmem>>, vector<16xi32>,
      %swap3A_65 = vector.shape_cast %swap3A_64 : vector<16xi32> to vector<16xi32>
      %swap3A_66 = vector.shape_cast %add3A_62 : vector<16xi32> to vector<16xi32>
      tpu.vector_store %arg5[%swap3A_63], %swap3A_66 {strides = array<i32>} : memref<25600xi32, #tpu.memory_space<vmem>>, vector<16xi32>,
      %mul3A_67 = arith.constant 4 : i32
      %mul3A_68 = arith.muli %mul3A_67, %scan3A_35 : i32
      %add3A_69 = arith.constant 1 : i32
      %add3A_70 = arith.addi %mul3A_68, %add3A_69 : i32
      %mul3A_71 = arith.constant 16 : i32
      %mul3A_72 = arith.muli %add3A_70, %mul3A_71 : i32
      %get3A_73 = arith.index_cast %mul3A_72 : i32 to index
      %get3A_74 = tpu.vector_load %arg5[%get3A_73] {strides = array<i32>} : memref<25600xi32, #tpu.memory_space<vmem>>, vector<16xi32>,
      %get3A_75 = vector.shape_cast %get3A_74 : vector<16xi32> to vector<16xi32>
      %sub3A_76 = arith.constant 503808 : i32
      %sub3A_77 = vector.broadcast %sub3A_76 : i32 to vector<16xi32>
      %sub3A_78 = arith.subi %get3A_75, %sub3A_77 : vector<16xi32>
      %shift_right_logical3A_79 = arith.constant 31 : i32
      %shift_right_logical3A_80 = vector.broadcast %shift_right_logical3A_79 : i32 to vector<16xi32>
      %shift_right_logical3A_81 = arith.shrui %sub3A_78, %shift_right_logical3A_80 : vector<16xi32>
      %sub3A_82 = arith.constant 1 : i32
      %sub3A_83 = vector.broadcast %sub3A_82 : i32 to vector<16xi32>
      %sub3A_84 = arith.subi %sub3A_83, %shift_right_logical3A_81 : vector<16xi32>
      %swap3A_85 = arith.index_cast %mul3A_72 : i32 to index
      %swap3A_86 = tpu.vector_load %arg6[%swap3A_85] {strides = array<i32>} : memref<25616xi32, #tpu.memory_space<vmem>>, vector<16xi32>,
      %swap3A_87 = vector.shape_cast %swap3A_86 : vector<16xi32> to vector<16xi32>
      %swap3A_88 = vector.shape_cast %sub3A_84 : vector<16xi32> to vector<16xi32>
      tpu.vector_store %arg6[%swap3A_85], %swap3A_88 {strides = array<i32>} : memref<25616xi32, #tpu.memory_space<vmem>>, vector<16xi32>,
      %sub3A_89 = arith.constant 503808 : i32
      %sub3A_90 = vector.broadcast %sub3A_89 : i32 to vector<16xi32>
      %sub3A_91 = arith.subi %get3A_75, %sub3A_90 : vector<16xi32>
      %neg3A_92 = arith.constant 0 : i32
      %neg3A_93 = vector.broadcast %neg3A_92 : i32 to vector<16xi32>
      %neg3A_94 = arith.subi %neg3A_93, %shift_right_logical3A_81 : vector<16xi32>
      %and3A_95 = arith.constant 503808 : i32
      %and3A_96 = vector.broadcast %and3A_95 : i32 to vector<16xi32>
      %and3A_97 = arith.andi %neg3A_94, %and3A_96 : vector<16xi32>
      %add3A_98 = arith.addi %sub3A_91, %and3A_97 : vector<16xi32>
      %swap3A_99 = arith.index_cast %mul3A_72 : i32 to index
      %swap3A_100 = tpu.vector_load %arg5[%swap3A_99] {strides = array<i32>} : memref<25600xi32, #tpu.memory_space<vmem>>, vector<16xi32>,
      %swap3A_101 = vector.shape_cast %swap3A_100 : vector<16xi32> to vector<16xi32>
      %swap3A_102 = vector.shape_cast %add3A_98 : vector<16xi32> to vector<16xi32>
      tpu.vector_store %arg5[%swap3A_99], %swap3A_102 {strides = array<i32>} : memref<25600xi32, #tpu.memory_space<vmem>>, vector<16xi32>,
      %mul3A_103 = arith.constant 4 : i32
      %mul3A_104 = arith.muli %mul3A_103, %scan3A_35 : i32
      %add3A_105 = arith.constant 2 : i32
      %add3A_106 = arith.addi %mul3A_104, %add3A_105 : i32
      %mul3A_107 = arith.constant 16 : i32
      %mul3A_108 = arith.muli %add3A_106, %mul3A_107 : i32
      %get3A_109 = arith.index_cast %mul3A_108 : i32 to index
      %get3A_110 = tpu.vector_load %arg5[%get3A_109] {strides = array<i32>} : memref<25600xi32, #tpu.memory_space<vmem>>, vector<16xi32>,
      %get3A_111 = vector.shape_cast %get3A_110 : vector<16xi32> to vector<16xi32>
      %sub3A_112 = arith.constant 503808 : i32
      %sub3A_113 = vector.broadcast %sub3A_112 : i32 to vector<16xi32>
      %sub3A_114 = arith.subi %get3A_111, %sub3A_113 : vector<16xi32>
      %shift_right_logical3A_115 = arith.constant 31 : i32
      %shift_right_logical3A_116 = vector.broadcast %shift_right_logical3A_115 : i32 to vector<16xi32>
      %shift_right_logical3A_117 = arith.shrui %sub3A_114, %shift_right_logical3A_116 : vector<16xi32>
      %sub3A_118 = arith.constant 1 : i32
      %sub3A_119 = vector.broadcast %sub3A_118 : i32 to vector<16xi32>
      %sub3A_120 = arith.subi %sub3A_119, %shift_right_logical3A_117 : vector<16xi32>
      %swap3A_121 = arith.index_cast %mul3A_108 : i32 to index
      %swap3A_122 = tpu.vector_load %arg6[%swap3A_121] {strides = array<i32>} : memref<25616xi32, #tpu.memory_space<vmem>>, vector<16xi32>,
      %swap3A_123 = vector.shape_cast %swap3A_122 : vector<16xi32> to vector<16xi32>
      %swap3A_124 = vector.shape_cast %sub3A_120 : vector<16xi32> to vector<16xi32>
      tpu.vector_store %arg6[%swap3A_121], %swap3A_124 {strides = array<i32>} : memref<25616xi32, #tpu.memory_space<vmem>>, vector<16xi32>,
      %sub3A_125 = arith.constant 503808 : i32
      %sub3A_126 = vector.broadcast %sub3A_125 : i32 to vector<16xi32>
      %sub3A_127 = arith.subi %get3A_111, %sub3A_126 : vector<16xi32>
      %neg3A_128 = arith.constant 0 : i32
      %neg3A_129 = vector.broadcast %neg3A_128 : i32 to vector<16xi32>
      %neg3A_130 = arith.subi %neg3A_129, %shift_right_logical3A_117 : vector<16xi32>
      %and3A_131 = arith.constant 503808 : i32
      %and3A_132 = vector.broadcast %and3A_131 : i32 to vector<16xi32>
      %and3A_133 = arith.andi %neg3A_130, %and3A_132 : vector<16xi32>
      %add3A_134 = arith.addi %sub3A_127, %and3A_133 : vector<16xi32>
      %swap3A_135 = arith.index_cast %mul3A_108 : i32 to index
      %swap3A_136 = tpu.vector_load %arg5[%swap3A_135] {strides = array<i32>} : memref<25600xi32, #tpu.memory_space<vmem>>, vector<16xi32>,
      %swap3A_137 = vector.shape_cast %swap3A_136 : vector<16xi32> to vector<16xi32>
      %swap3A_138 = vector.shape_cast %add3A_134 : vector<16xi32> to vector<16xi32>
      tpu.vector_store %arg5[%swap3A_135], %swap3A_138 {strides = array<i32>} : memref<25600xi32, #tpu.memory_space<vmem>>, vector<16xi32>,
      %mul3A_139 = arith.constant 4 : i32
      %mul3A_140 = arith.muli %mul3A_139, %scan3A_35 : i32
      %add3A_141 = arith.constant 3 : i32
      %add3A_142 = arith.addi %mul3A_140, %add3A_141 : i32
      %mul3A_143 = arith.constant 16 : i32
      %mul3A_144 = arith.muli %add3A_142, %mul3A_143 : i32
      %get3A_145 = arith.index_cast %mul3A_144 : i32 to index
      %get3A_146 = tpu.vector_load %arg5[%get3A_145] {strides = array<i32>} : memref<25600xi32, #tpu.memory_space<vmem>>, vector<16xi32>,
      %get3A_147 = vector.shape_cast %get3A_146 : vector<16xi32> to vector<16xi32>
      %sub3A_148 = arith.constant 503808 : i32
      %sub3A_149 = vector.broadcast %sub3A_148 : i32 to vector<16xi32>
      %sub3A_150 = arith.subi %get3A_147, %sub3A_149 : vector<16xi32>
      %shift_right_logical3A_151 = arith.constant 31 : i32
      %shift_right_logical3A_152 = vector.broadcast %shift_right_logical3A_151 : i32 to vector<16xi32>
      %shift_right_logical3A_153 = arith.shrui %sub3A_150, %shift_right_logical3A_152 : vector<16xi32>
      %sub3A_154 = arith.constant 1 : i32
      %sub3A_155 = vector.broadcast %sub3A_154 : i32 to vector<16xi32>
      %sub3A_156 = arith.subi %sub3A_155, %shift_right_logical3A_153 : vector<16xi32>
      %swap3A_157 = arith.index_cast %mul3A_144 : i32 to index
      %swap3A_158 = tpu.vector_load %arg6[%swap3A_157] {strides = array<i32>} : memref<25616xi32, #tpu.memory_space<vmem>>, vector<16xi32>,
      %swap3A_159 = vector.shape_cast %swap3A_158 : vector<16xi32> to vector<16xi32>
      %swap3A_160 = vector.shape_cast %sub3A_156 : vector<16xi32> to vector<16xi32>
      tpu.vector_store %arg6[%swap3A_157], %swap3A_160 {strides = array<i32>} : memref<25616xi32, #tpu.memory_space<vmem>>, vector<16xi32>,
      %sub3A_161 = arith.constant 503808 : i32
      %sub3A_162 = vector.broadcast %sub3A_161 : i32 to vector<16xi32>
      %sub3A_163 = arith.subi %get3A_147, %sub3A_162 : vector<16xi32>
      %neg3A_164 = arith.constant 0 : i32
      %neg3A_165 = vector.broadcast %neg3A_164 : i32 to vector<16xi32>
      %neg3A_166 = arith.subi %neg3A_165, %shift_right_logical3A_153 : vector<16xi32>
      %and3A_167 = arith.constant 503808 : i32
      %and3A_168 = vector.broadcast %and3A_167 : i32 to vector<16xi32>
      %and3A_169 = arith.andi %neg3A_166, %and3A_168 : vector<16xi32>
      %add3A_170 = arith.addi %sub3A_163, %and3A_169 : vector<16xi32>
      %swap3A_171 = arith.index_cast %mul3A_144 : i32 to index
      %swap3A_172 = tpu.vector_load %arg5[%swap3A_171] {strides = array<i32>} : memref<25600xi32, #tpu.memory_space<vmem>>, vector<16xi32>,
      %swap3A_173 = vector.shape_cast %swap3A_172 : vector<16xi32> to vector<16xi32>
      %swap3A_174 = vector.shape_cast %add3A_170 : vector<16xi32> to vector<16xi32>
      tpu.vector_store %arg5[%swap3A_171], %swap3A_174 {strides = array<i32>} : memref<25600xi32, #tpu.memory_space<vmem>>, vector<16xi32>,
      %scan3A_175 = arith.constant 0 : i32
      scf.yield %scan3A_175 : i32
    }
    %scan3A_8 = arith.constant 400 : i32
    %dma_start3A = arith.constant 0 : i32
    %dma_start3A_9 = arith.constant 0 : i32
    %dma_start3A_10 = tpu.memref_slice %arg7[%dma_start3A, %dma_start3A_9] : memref<200x128xf32, #tpu.memory_space<vmem>> -> memref<96x128xf32, #tpu.memory_space<vmem>>
    %dma_start3A_11 = arith.constant 0 : i32
    %dma_start3A_12 = tpu.memref_slice %arg5[%dma_start3A_11] : memref<25600xi32, #tpu.memory_space<vmem>> -> memref<96xi32, #tpu.memory_space<vmem>>
    %dma_start3A_13 = arith.constant 0 : i32
    %dma_start3A_14 = arith.constant 0 : i32
    %dma_start3A_15 = tpu.memref_slice %arg3[%dma_start3A_13, %dma_start3A_14] : memref<503808x128xf32, #tpu.memory_space<hbm>> -> memref<503808x128xf32, #tpu.memory_space<hbm>>
    tpu.enqueue_indirect_dma source(%dma_start3A_15 : memref<503808x128xf32, #tpu.memory_space<hbm>>) target(%dma_start3A_10 : memref<96x128xf32, #tpu.memory_space<vmem>>) offsets(%dma_start3A_12 : memref<96xi32, #tpu.memory_space<vmem>>) semaphore(%arg10 : memref<!tpu.dma_semaphore, #tpu.memory_space<semaphore_mem>>)
    %dma_start3A_16 = arith.constant 96 : i32
    %dma_start3A_17 = arith.constant 0 : i32
    %dma_start3A_18 = tpu.memref_slice %arg7[%dma_start3A_16, %dma_start3A_17] : memref<200x128xf32, #tpu.memory_space<vmem>> -> memref<104x128xf32, #tpu.memory_space<vmem>>
    %dma_start3A_19 = arith.constant 96 : i32
    %dma_start3A_20 = tpu.memref_slice %arg5[%dma_start3A_19] : memref<25600xi32, #tpu.memory_space<vmem>> -> memref<104xi32, #tpu.memory_space<vmem>>
    %dma_start3A_21 = arith.constant 0 : i32
    %dma_start3A_22 = arith.constant 0 : i32
    %dma_start3A_23 = tpu.memref_slice %arg3[%dma_start3A_21, %dma_start3A_22] : memref<503808x128xf32, #tpu.memory_space<hbm>> -> memref<503808x128xf32, #tpu.memory_space<hbm>>
    tpu.enqueue_indirect_dma source(%dma_start3A_23 : memref<503808x128xf32, #tpu.memory_space<hbm>>) target(%dma_start3A_18 : memref<104x128xf32, #tpu.memory_space<vmem>>) offsets(%dma_start3A_20 : memref<104xi32, #tpu.memory_space<vmem>>) semaphore(%arg10 : memref<!tpu.dma_semaphore, #tpu.memory_space<semaphore_mem>>)
    %scan3A_24 = arith.constant 0 : i32
    %scan3A_25 = arith.constant 0 : i32
    %scan3A_26 = arith.constant 64 : i32
    %scan3A_27 = arith.addi %scan3A_25, %scan3A_26 : i32
    %scan3A_28 = arith.constant 1 : i32
    %scan3A_29 = scf.for %scan3A_35 = %scan3A_25 to %scan3A_27 step %scan3A_28 iter_args(%scan3A_36 = %scan3A_24) -> (i32)  : i32 {
      %mul3A_37 = arith.constant 2 : i32
      %mul3A_38 = arith.muli %mul3A_37, %scan3A_35 : i32
      %add3A_39 = arith.constant 1 : i32
      %add3A_40 = arith.addi %mul3A_38, %add3A_39 : i32
      %lt3A = arith.constant 128 : i32
      %lt3A_41 = arith.cmpi slt, %add3A_40, %lt3A : i32
      %convert_element_type3A = arith.extui %lt3A_41 : i1 to i32
      %cond3A = arith.constant 0 : i32
      %cond3A_42 = arith.cmpi ne, %convert_element_type3A, %cond3A : i32
      scf.if %cond3A_42 {
        %add3A_696 = arith.constant 1 : i32
        %add3A_697 = arith.addi %mul3A_38, %add3A_696 : i32
        %mul3A_698 = arith.constant 200 : i32
        %mul3A_699 = arith.muli %add3A_697, %mul3A_698 : i32
        %dma_start3A_700 = arith.constant 0 : i32
        %dma_start3A_701 = arith.constant 0 : i32
        %dma_start3A_702 = tpu.memref_slice %arg8[%dma_start3A_700, %dma_start3A_701] : memref<200x128xf32, #tpu.memory_space<vmem>> -> memref<96x128xf32, #tpu.memory_space<vmem>>
        %dma_start3A_703 = tpu.memref_slice %arg5[%mul3A_699] : memref<25600xi32, #tpu.memory_space<vmem>> -> memref<96xi32, #tpu.memory_space<vmem>>
        %dma_start3A_704 = arith.constant 0 : i32
        %dma_start3A_705 = arith.constant 0 : i32
        %dma_start3A_706 = tpu.memref_slice %arg3[%dma_start3A_704, %dma_start3A_705] : memref<503808x128xf32, #tpu.memory_space<hbm>> -> memref<503808x128xf32, #tpu.memory_space<hbm>>
        tpu.enqueue_indirect_dma source(%dma_start3A_706 : memref<503808x128xf32, #tpu.memory_space<hbm>>) target(%dma_start3A_702 : memref<96x128xf32, #tpu.memory_space<vmem>>) offsets(%dma_start3A_703 : memref<96xi32, #tpu.memory_space<vmem>>) semaphore(%arg11 : memref<!tpu.dma_semaphore, #tpu.memory_space<semaphore_mem>>)
        %add3A_707 = arith.constant 96 : i32
        %add3A_708 = arith.addi %mul3A_699, %add3A_707 : i32
        %dma_start3A_709 = arith.constant 96 : i32
        %dma_start3A_710 = arith.constant 0 : i32
        %dma_start3A_711 = tpu.memref_slice %arg8[%dma_start3A_709, %dma_start3A_710] : memref<200x128xf32, #tpu.memory_space<vmem>> -> memref<104x128xf32, #tpu.memory_space<vmem>>
        %dma_start3A_712 = tpu.memref_slice %arg5[%add3A_708] : memref<25600xi32, #tpu.memory_space<vmem>> -> memref<104xi32, #tpu.memory_space<vmem>>
        %dma_start3A_713 = arith.constant 0 : i32
        %dma_start3A_714 = arith.constant 0 : i32
        %dma_start3A_715 = tpu.memref_slice %arg3[%dma_start3A_713, %dma_start3A_714] : memref<503808x128xf32, #tpu.memory_space<hbm>> -> memref<503808x128xf32, #tpu.memory_space<hbm>>
        tpu.enqueue_indirect_dma source(%dma_start3A_715 : memref<503808x128xf32, #tpu.memory_space<hbm>>) target(%dma_start3A_711 : memref<104x128xf32, #tpu.memory_space<vmem>>) offsets(%dma_start3A_712 : memref<104xi32, #tpu.memory_space<vmem>>) semaphore(%arg11 : memref<!tpu.dma_semaphore, #tpu.memory_space<semaphore_mem>>)
      } else {
      }
      %dma_wait3A = arith.constant 0 : i32
      %dma_wait3A_43 = arith.constant 0 : i32
      %dma_wait3A_44 = tpu.memref_slice %arg3[%dma_wait3A, %dma_wait3A_43] : memref<503808x128xf32, #tpu.memory_space<hbm>> -> memref<200x128xf32, #tpu.memory_space<hbm>>
      %dma_wait3A_45 = arith.constant 0 : i32
      %dma_wait3A_46 = arith.constant 0 : i32
      %dma_wait3A_47 = tpu.memref_slice %arg3[%dma_wait3A_45, %dma_wait3A_46] : memref<503808x128xf32, #tpu.memory_space<hbm>> -> memref<200x128xf32, #tpu.memory_space<hbm>>
      tpu.wait_dma2 semaphore(%arg10 : memref<!tpu.dma_semaphore, #tpu.memory_space<semaphore_mem>>) src(%dma_wait3A_47 : memref<200x128xf32, #tpu.memory_space<hbm>>) dst(%arg7 : memref<200x128xf32, #tpu.memory_space<vmem>>)
      %broadcast_in_dim3A = arith.constant 0.000000e+00 : f32
      %broadcast_in_dim3A_48 = vector.broadcast %broadcast_in_dim3A : f32 to vector<16xf32>
      %mul3A_49 = arith.constant 200 : i32
      %mul3A_50 = arith.muli %mul3A_38, %mul3A_49 : i32
      %scan3A_51 = arith.constant 0 : i32
      %scan3A_52 = arith.constant 12 : i32
      %scan3A_53 = arith.addi %scan3A_51, %scan3A_52 : i32
      %scan3A_54 = arith.constant 1 : i32
      %scan3A_55:4 = scf.for %scan3A_696 = %scan3A_51 to %scan3A_53 step %scan3A_54 iter_args(%scan3A_697 = %broadcast_in_dim3A_48, %scan3A_698 = %broadcast_in_dim3A_48, %scan3A_699 = %broadcast_in_dim3A_48, %scan3A_700 = %broadcast_in_dim3A_48) -> (vector<16xf32>, vector<16xf32>, vector<16xf32>, vector<16xf32>)  : i32 {
        %mul3A_701 = arith.constant 16 : i32
        %mul3A_702 = arith.muli %scan3A_696, %mul3A_701 : i32
        %add3A_703 = arith.addi %mul3A_50, %mul3A_702 : i32
        %get3A_704 = arith.index_cast %add3A_703 : i32 to index
        %get3A_705 = tpu.vector_load %arg6[%get3A_704] {strides = array<i32>} : memref<25616xi32, #tpu.memory_space<vmem>>, vector<16xi32>,
        %get3A_706 = vector.shape_cast %get3A_705 : vector<16xi32> to vector<16xi32>
        %and3A_707 = arith.constant 1 : i32
        %and3A_708 = vector.broadcast %and3A_707 : i32 to vector<16xi32>
        %and3A_709 = arith.andi %get3A_706, %and3A_708 : vector<16xi32>
        %mul3A_710 = arith.constant 64 : i32
        %mul3A_711 = vector.broadcast %mul3A_710 : i32 to vector<16xi32>
        %mul3A_712 = arith.muli %and3A_709, %mul3A_711 : vector<16xi32>
        %mul3A_713 = arith.constant 16 : i32
        %mul3A_714 = arith.muli %scan3A_696, %mul3A_713 : i32
        %add3A_715 = arith.constant 0 : i32
        %add3A_716 = arith.addi %mul3A_714, %add3A_715 : i32
        %slice3A_717 = vector.extract_strided_slice %mul3A_712 {offsets = [0], sizes = [1], strides = [1]} : vector<16xi32> to vector<1xi32>
        %squeeze3A_718 = vector.extract %slice3A_717[0] : i32 from vector<1xi32>
        %add3A_719 = arith.constant 0 : i32
        %add3A_720 = arith.addi %squeeze3A_718, %add3A_719 : i32
        %get3A_721 = arith.index_cast %add3A_716 : i32 to index
        %get3A_722 = arith.index_cast %add3A_720 : i32 to index
        %get3A_723 = tpu.vector_load %arg7[%get3A_721, %get3A_722] {strides = array<i32>} : memref<200x128xf32, #tpu.memory_space<vmem>>, vector<1x16xf32>,
        %get3A_724 = vector.shape_cast %get3A_723 : vector<1x16xf32> to vector<16xf32>
        %add3A_725 = arith.addf %scan3A_697, %get3A_724 : vector<16xf32>
        %add3A_726 = arith.constant 16 : i32
        %add3A_727 = arith.addi %squeeze3A_718, %add3A_726 : i32
        %get3A_728 = arith.index_cast %add3A_716 : i32 to index
        %get3A_729 = arith.index_cast %add3A_727 : i32 to index
        %get3A_730 = tpu.vector_load %arg7[%get3A_728, %get3A_729] {strides = array<i32>} : memref<200x128xf32, #tpu.memory_space<vmem>>, vector<1x16xf32>,
        %get3A_731 = vector.shape_cast %get3A_730 : vector<1x16xf32> to vector<16xf32>
        %add3A_732 = arith.addf %scan3A_698, %get3A_731 : vector<16xf32>
        %add3A_733 = arith.constant 32 : i32
        %add3A_734 = arith.addi %squeeze3A_718, %add3A_733 : i32
        %get3A_735 = arith.index_cast %add3A_716 : i32 to index
        %get3A_736 = arith.index_cast %add3A_734 : i32 to index
        %get3A_737 = tpu.vector_load %arg7[%get3A_735, %get3A_736] {strides = array<i32>} : memref<200x128xf32, #tpu.memory_space<vmem>>, vector<1x16xf32>,
        %get3A_738 = vector.shape_cast %get3A_737 : vector<1x16xf32> to vector<16xf32>
        %add3A_739 = arith.addf %scan3A_699, %get3A_738 : vector<16xf32>
        %add3A_740 = arith.constant 48 : i32
        %add3A_741 = arith.addi %squeeze3A_718, %add3A_740 : i32
        %get3A_742 = arith.index_cast %add3A_716 : i32 to index
        %get3A_743 = arith.index_cast %add3A_741 : i32 to index
        %get3A_744 = tpu.vector_load %arg7[%get3A_742, %get3A_743] {strides = array<i32>} : memref<200x128xf32, #tpu.memory_space<vmem>>, vector<1x16xf32>,
        %get3A_745 = vector.shape_cast %get3A_744 : vector<1x16xf32> to vector<16xf32>
        %add3A_746 = arith.addf %scan3A_700, %get3A_745 : vector<16xf32>
        %add3A_747 = arith.constant 1 : i32
        %add3A_748 = arith.addi %mul3A_714, %add3A_747 : i32
        %slice3A_749 = vector.extract_strided_slice %mul3A_712 {offsets = [1], sizes = [1], strides = [1]} : vector<16xi32> to vector<1xi32>
        %squeeze3A_750 = vector.extract %slice3A_749[0] : i32 from vector<1xi32>
        %add3A_751 = arith.constant 0 : i32
        %add3A_752 = arith.addi %squeeze3A_750, %add3A_751 : i32
        %get3A_753 = arith.index_cast %add3A_748 : i32 to index
        %get3A_754 = arith.index_cast %add3A_752 : i32 to index
        %get3A_755 = tpu.vector_load %arg7[%get3A_753, %get3A_754] {strides = array<i32>} : memref<200x128xf32, #tpu.memory_space<vmem>>, vector<1x16xf32>,
        %get3A_756 = vector.shape_cast %get3A_755 : vector<1x16xf32> to vector<16xf32>
        %add3A_757 = arith.addf %add3A_725, %get3A_756 : vector<16xf32>
        %add3A_758 = arith.constant 16 : i32
        %add3A_759 = arith.addi %squeeze3A_750, %add3A_758 : i32
        %get3A_760 = arith.index_cast %add3A_748 : i32 to index
        %get3A_761 = arith.index_cast %add3A_759 : i32 to index
        %get3A_762 = tpu.vector_load %arg7[%get3A_760, %get3A_761] {strides = array<i32>} : memref<200x128xf32, #tpu.memory_space<vmem>>, vector<1x16xf32>,
        %get3A_763 = vector.shape_cast %get3A_762 : vector<1x16xf32> to vector<16xf32>
        %add3A_764 = arith.addf %add3A_732, %get3A_763 : vector<16xf32>
        %add3A_765 = arith.constant 32 : i32
        %add3A_766 = arith.addi %squeeze3A_750, %add3A_765 : i32
        %get3A_767 = arith.index_cast %add3A_748 : i32 to index
        %get3A_768 = arith.index_cast %add3A_766 : i32 to index
        %get3A_769 = tpu.vector_load %arg7[%get3A_767, %get3A_768] {strides = array<i32>} : memref<200x128xf32, #tpu.memory_space<vmem>>, vector<1x16xf32>,
        %get3A_770 = vector.shape_cast %get3A_769 : vector<1x16xf32> to vector<16xf32>
        %add3A_771 = arith.addf %add3A_739, %get3A_770 : vector<16xf32>
        %add3A_772 = arith.constant 48 : i32
        %add3A_773 = arith.addi %squeeze3A_750, %add3A_772 : i32
        %get3A_774 = arith.index_cast %add3A_748 : i32 to index
        %get3A_775 = arith.index_cast %add3A_773 : i32 to index
        %get3A_776 = tpu.vector_load %arg7[%get3A_774, %get3A_775] {strides = array<i32>} : memref<200x128xf32, #tpu.memory_space<vmem>>, vector<1x16xf32>,
        %get3A_777 = vector.shape_cast %get3A_776 : vector<1x16xf32> to vector<16xf32>
        %add3A_778 = arith.addf %add3A_746, %get3A_777 : vector<16xf32>
        %add3A_779 = arith.constant 2 : i32
        %add3A_780 = arith.addi %mul3A_714, %add3A_779 : i32
        %slice3A_781 = vector.extract_strided_slice %mul3A_712 {offsets = [2], sizes = [1], strides = [1]} : vector<16xi32> to vector<1xi32>
        %squeeze3A_782 = vector.extract %slice3A_781[0] : i32 from vector<1xi32>
        %add3A_783 = arith.constant 0 : i32
        %add3A_784 = arith.addi %squeeze3A_782, %add3A_783 : i32
        %get3A_785 = arith.index_cast %add3A_780 : i32 to index
        %get3A_786 = arith.index_cast %add3A_784 : i32 to index
        %get3A_787 = tpu.vector_load %arg7[%get3A_785, %get3A_786] {strides = array<i32>} : memref<200x128xf32, #tpu.memory_space<vmem>>, vector<1x16xf32>,
        %get3A_788 = vector.shape_cast %get3A_787 : vector<1x16xf32> to vector<16xf32>
        %add3A_789 = arith.addf %add3A_757, %get3A_788 : vector<16xf32>
        %add3A_790 = arith.constant 16 : i32
        %add3A_791 = arith.addi %squeeze3A_782, %add3A_790 : i32
        %get3A_792 = arith.index_cast %add3A_780 : i32 to index
        %get3A_793 = arith.index_cast %add3A_791 : i32 to index
        %get3A_794 = tpu.vector_load %arg7[%get3A_792, %get3A_793] {strides = array<i32>} : memref<200x128xf32, #tpu.memory_space<vmem>>, vector<1x16xf32>,
        %get3A_795 = vector.shape_cast %get3A_794 : vector<1x16xf32> to vector<16xf32>
        %add3A_796 = arith.addf %add3A_764, %get3A_795 : vector<16xf32>
        %add3A_797 = arith.constant 32 : i32
        %add3A_798 = arith.addi %squeeze3A_782, %add3A_797 : i32
        %get3A_799 = arith.index_cast %add3A_780 : i32 to index
        %get3A_800 = arith.index_cast %add3A_798 : i32 to index
        %get3A_801 = tpu.vector_load %arg7[%get3A_799, %get3A_800] {strides = array<i32>} : memref<200x128xf32, #tpu.memory_space<vmem>>, vector<1x16xf32>,
        %get3A_802 = vector.shape_cast %get3A_801 : vector<1x16xf32> to vector<16xf32>
        %add3A_803 = arith.addf %add3A_771, %get3A_802 : vector<16xf32>
        %add3A_804 = arith.constant 48 : i32
        %add3A_805 = arith.addi %squeeze3A_782, %add3A_804 : i32
        %get3A_806 = arith.index_cast %add3A_780 : i32 to index
        %get3A_807 = arith.index_cast %add3A_805 : i32 to index
        %get3A_808 = tpu.vector_load %arg7[%get3A_806, %get3A_807] {strides = array<i32>} : memref<200x128xf32, #tpu.memory_space<vmem>>, vector<1x16xf32>,
        %get3A_809 = vector.shape_cast %get3A_808 : vector<1x16xf32> to vector<16xf32>
        %add3A_810 = arith.addf %add3A_778, %get3A_809 : vector<16xf32>
        %add3A_811 = arith.constant 3 : i32
        %add3A_812 = arith.addi %mul3A_714, %add3A_811 : i32
        %slice3A_813 = vector.extract_strided_slice %mul3A_712 {offsets = [3], sizes = [1], strides = [1]} : vector<16xi32> to vector<1xi32>
        %squeeze3A_814 = vector.extract %slice3A_813[0] : i32 from vector<1xi32>
        %add3A_815 = arith.constant 0 : i32
        %add3A_816 = arith.addi %squeeze3A_814, %add3A_815 : i32
        %get3A_817 = arith.index_cast %add3A_812 : i32 to index
        %get3A_818 = arith.index_cast %add3A_816 : i32 to index
        %get3A_819 = tpu.vector_load %arg7[%get3A_817, %get3A_818] {strides = array<i32>} : memref<200x128xf32, #tpu.memory_space<vmem>>, vector<1x16xf32>,
        %get3A_820 = vector.shape_cast %get3A_819 : vector<1x16xf32> to vector<16xf32>
        %add3A_821 = arith.addf %add3A_789, %get3A_820 : vector<16xf32>
        %add3A_822 = arith.constant 16 : i32
        %add3A_823 = arith.addi %squeeze3A_814, %add3A_822 : i32
        %get3A_824 = arith.index_cast %add3A_812 : i32 to index
        %get3A_825 = arith.index_cast %add3A_823 : i32 to index
        %get3A_826 = tpu.vector_load %arg7[%get3A_824, %get3A_825] {strides = array<i32>} : memref<200x128xf32, #tpu.memory_space<vmem>>, vector<1x16xf32>,
        %get3A_827 = vector.shape_cast %get3A_826 : vector<1x16xf32> to vector<16xf32>
        %add3A_828 = arith.addf %add3A_796, %get3A_827 : vector<16xf32>
        %add3A_829 = arith.constant 32 : i32
        %add3A_830 = arith.addi %squeeze3A_814, %add3A_829 : i32
        %get3A_831 = arith.index_cast %add3A_812 : i32 to index
        %get3A_832 = arith.index_cast %add3A_830 : i32 to index
        %get3A_833 = tpu.vector_load %arg7[%get3A_831, %get3A_832] {strides = array<i32>} : memref<200x128xf32, #tpu.memory_space<vmem>>, vector<1x16xf32>,
        %get3A_834 = vector.shape_cast %get3A_833 : vector<1x16xf32> to vector<16xf32>
        %add3A_835 = arith.addf %add3A_803, %get3A_834 : vector<16xf32>
        %add3A_836 = arith.constant 48 : i32
        %add3A_837 = arith.addi %squeeze3A_814, %add3A_836 : i32
        %get3A_838 = arith.index_cast %add3A_812 : i32 to index
        %get3A_839 = arith.index_cast %add3A_837 : i32 to index
        %get3A_840 = tpu.vector_load %arg7[%get3A_838, %get3A_839] {strides = array<i32>} : memref<200x128xf32, #tpu.memory_space<vmem>>, vector<1x16xf32>,
        %get3A_841 = vector.shape_cast %get3A_840 : vector<1x16xf32> to vector<16xf32>
        %add3A_842 = arith.addf %add3A_810, %get3A_841 : vector<16xf32>
        %add3A_843 = arith.constant 4 : i32
        %add3A_844 = arith.addi %mul3A_714, %add3A_843 : i32
        %slice3A_845 = vector.extract_strided_slice %mul3A_712 {offsets = [4], sizes = [1], strides = [1]} : vector<16xi32> to vector<1xi32>
        %squeeze3A_846 = vector.extract %slice3A_845[0] : i32 from vector<1xi32>
        %add3A_847 = arith.constant 0 : i32
        %add3A_848 = arith.addi %squeeze3A_846, %add3A_847 : i32
        %get3A_849 = arith.index_cast %add3A_844 : i32 to index
        %get3A_850 = arith.index_cast %add3A_848 : i32 to index
        %get3A_851 = tpu.vector_load %arg7[%get3A_849, %get3A_850] {strides = array<i32>} : memref<200x128xf32, #tpu.memory_space<vmem>>, vector<1x16xf32>,
        %get3A_852 = vector.shape_cast %get3A_851 : vector<1x16xf32> to vector<16xf32>
        %add3A_853 = arith.addf %add3A_821, %get3A_852 : vector<16xf32>
        %add3A_854 = arith.constant 16 : i32
        %add3A_855 = arith.addi %squeeze3A_846, %add3A_854 : i32
        %get3A_856 = arith.index_cast %add3A_844 : i32 to index
        %get3A_857 = arith.index_cast %add3A_855 : i32 to index
        %get3A_858 = tpu.vector_load %arg7[%get3A_856, %get3A_857] {strides = array<i32>} : memref<200x128xf32, #tpu.memory_space<vmem>>, vector<1x16xf32>,
        %get3A_859 = vector.shape_cast %get3A_858 : vector<1x16xf32> to vector<16xf32>
        %add3A_860 = arith.addf %add3A_828, %get3A_859 : vector<16xf32>
        %add3A_861 = arith.constant 32 : i32
        %add3A_862 = arith.addi %squeeze3A_846, %add3A_861 : i32
        %get3A_863 = arith.index_cast %add3A_844 : i32 to index
        %get3A_864 = arith.index_cast %add3A_862 : i32 to index
        %get3A_865 = tpu.vector_load %arg7[%get3A_863, %get3A_864] {strides = array<i32>} : memref<200x128xf32, #tpu.memory_space<vmem>>, vector<1x16xf32>,
        %get3A_866 = vector.shape_cast %get3A_865 : vector<1x16xf32> to vector<16xf32>
        %add3A_867 = arith.addf %add3A_835, %get3A_866 : vector<16xf32>
        %add3A_868 = arith.constant 48 : i32
        %add3A_869 = arith.addi %squeeze3A_846, %add3A_868 : i32
        %get3A_870 = arith.index_cast %add3A_844 : i32 to index
        %get3A_871 = arith.index_cast %add3A_869 : i32 to index
        %get3A_872 = tpu.vector_load %arg7[%get3A_870, %get3A_871] {strides = array<i32>} : memref<200x128xf32, #tpu.memory_space<vmem>>, vector<1x16xf32>,
        %get3A_873 = vector.shape_cast %get3A_872 : vector<1x16xf32> to vector<16xf32>
        %add3A_874 = arith.addf %add3A_842, %get3A_873 : vector<16xf32>
        %add3A_875 = arith.constant 5 : i32
        %add3A_876 = arith.addi %mul3A_714, %add3A_875 : i32
        %slice3A_877 = vector.extract_strided_slice %mul3A_712 {offsets = [5], sizes = [1], strides = [1]} : vector<16xi32> to vector<1xi32>
        %squeeze3A_878 = vector.extract %slice3A_877[0] : i32 from vector<1xi32>
        %add3A_879 = arith.constant 0 : i32
        %add3A_880 = arith.addi %squeeze3A_878, %add3A_879 : i32
        %get3A_881 = arith.index_cast %add3A_876 : i32 to index
        %get3A_882 = arith.index_cast %add3A_880 : i32 to index
        %get3A_883 = tpu.vector_load %arg7[%get3A_881, %get3A_882] {strides = array<i32>} : memref<200x128xf32, #tpu.memory_space<vmem>>, vector<1x16xf32>,
        %get3A_884 = vector.shape_cast %get3A_883 : vector<1x16xf32> to vector<16xf32>
        %add3A_885 = arith.addf %add3A_853, %get3A_884 : vector<16xf32>
        %add3A_886 = arith.constant 16 : i32
        %add3A_887 = arith.addi %squeeze3A_878, %add3A_886 : i32
        %get3A_888 = arith.index_cast %add3A_876 : i32 to index
        %get3A_889 = arith.index_cast %add3A_887 : i32 to index
        %get3A_890 = tpu.vector_load %arg7[%get3A_888, %get3A_889] {strides = array<i32>} : memref<200x128xf32, #tpu.memory_space<vmem>>, vector<1x16xf32>,
        %get3A_891 = vector.shape_cast %get3A_890 : vector<1x16xf32> to vector<16xf32>
        %add3A_892 = arith.addf %add3A_860, %get3A_891 : vector<16xf32>
        %add3A_893 = arith.constant 32 : i32
        %add3A_894 = arith.addi %squeeze3A_878, %add3A_893 : i32
        %get3A_895 = arith.index_cast %add3A_876 : i32 to index
        %get3A_896 = arith.index_cast %add3A_894 : i32 to index
        %get3A_897 = tpu.vector_load %arg7[%get3A_895, %get3A_896] {strides = array<i32>} : memref<200x128xf32, #tpu.memory_space<vmem>>, vector<1x16xf32>,
        %get3A_898 = vector.shape_cast %get3A_897 : vector<1x16xf32> to vector<16xf32>
        %add3A_899 = arith.addf %add3A_867, %get3A_898 : vector<16xf32>
        %add3A_900 = arith.constant 48 : i32
        %add3A_901 = arith.addi %squeeze3A_878, %add3A_900 : i32
        %get3A_902 = arith.index_cast %add3A_876 : i32 to index
        %get3A_903 = arith.index_cast %add3A_901 : i32 to index
        %get3A_904 = tpu.vector_load %arg7[%get3A_902, %get3A_903] {strides = array<i32>} : memref<200x128xf32, #tpu.memory_space<vmem>>, vector<1x16xf32>,
        %get3A_905 = vector.shape_cast %get3A_904 : vector<1x16xf32> to vector<16xf32>
        %add3A_906 = arith.addf %add3A_874, %get3A_905 : vector<16xf32>
        %add3A_907 = arith.constant 6 : i32
        %add3A_908 = arith.addi %mul3A_714, %add3A_907 : i32
        %slice3A_909 = vector.extract_strided_slice %mul3A_712 {offsets = [6], sizes = [1], strides = [1]} : vector<16xi32> to vector<1xi32>
        %squeeze3A_910 = vector.extract %slice3A_909[0] : i32 from vector<1xi32>
        %add3A_911 = arith.constant 0 : i32
        %add3A_912 = arith.addi %squeeze3A_910, %add3A_911 : i32
        %get3A_913 = arith.index_cast %add3A_908 : i32 to index
        %get3A_914 = arith.index_cast %add3A_912 : i32 to index
        %get3A_915 = tpu.vector_load %arg7[%get3A_913, %get3A_914] {strides = array<i32>} : memref<200x128xf32, #tpu.memory_space<vmem>>, vector<1x16xf32>,
        %get3A_916 = vector.shape_cast %get3A_915 : vector<1x16xf32> to vector<16xf32>
        %add3A_917 = arith.addf %add3A_885, %get3A_916 : vector<16xf32>
        %add3A_918 = arith.constant 16 : i32
        %add3A_919 = arith.addi %squeeze3A_910, %add3A_918 : i32
        %get3A_920 = arith.index_cast %add3A_908 : i32 to index
        %get3A_921 = arith.index_cast %add3A_919 : i32 to index
        %get3A_922 = tpu.vector_load %arg7[%get3A_920, %get3A_921] {strides = array<i32>} : memref<200x128xf32, #tpu.memory_space<vmem>>, vector<1x16xf32>,
        %get3A_923 = vector.shape_cast %get3A_922 : vector<1x16xf32> to vector<16xf32>
        %add3A_924 = arith.addf %add3A_892, %get3A_923 : vector<16xf32>
        %add3A_925 = arith.constant 32 : i32
        %add3A_926 = arith.addi %squeeze3A_910, %add3A_925 : i32
        %get3A_927 = arith.index_cast %add3A_908 : i32 to index
        %get3A_928 = arith.index_cast %add3A_926 : i32 to index
        %get3A_929 = tpu.vector_load %arg7[%get3A_927, %get3A_928] {strides = array<i32>} : memref<200x128xf32, #tpu.memory_space<vmem>>, vector<1x16xf32>,
        %get3A_930 = vector.shape_cast %get3A_929 : vector<1x16xf32> to vector<16xf32>
        %add3A_931 = arith.addf %add3A_899, %get3A_930 : vector<16xf32>
        %add3A_932 = arith.constant 48 : i32
        %add3A_933 = arith.addi %squeeze3A_910, %add3A_932 : i32
        %get3A_934 = arith.index_cast %add3A_908 : i32 to index
        %get3A_935 = arith.index_cast %add3A_933 : i32 to index
        %get3A_936 = tpu.vector_load %arg7[%get3A_934, %get3A_935] {strides = array<i32>} : memref<200x128xf32, #tpu.memory_space<vmem>>, vector<1x16xf32>,
        %get3A_937 = vector.shape_cast %get3A_936 : vector<1x16xf32> to vector<16xf32>
        %add3A_938 = arith.addf %add3A_906, %get3A_937 : vector<16xf32>
        %add3A_939 = arith.constant 7 : i32
        %add3A_940 = arith.addi %mul3A_714, %add3A_939 : i32
        %slice3A_941 = vector.extract_strided_slice %mul3A_712 {offsets = [7], sizes = [1], strides = [1]} : vector<16xi32> to vector<1xi32>
        %squeeze3A_942 = vector.extract %slice3A_941[0] : i32 from vector<1xi32>
        %add3A_943 = arith.constant 0 : i32
        %add3A_944 = arith.addi %squeeze3A_942, %add3A_943 : i32
        %get3A_945 = arith.index_cast %add3A_940 : i32 to index
        %get3A_946 = arith.index_cast %add3A_944 : i32 to index
        %get3A_947 = tpu.vector_load %arg7[%get3A_945, %get3A_946] {strides = array<i32>} : memref<200x128xf32, #tpu.memory_space<vmem>>, vector<1x16xf32>,
        %get3A_948 = vector.shape_cast %get3A_947 : vector<1x16xf32> to vector<16xf32>
        %add3A_949 = arith.addf %add3A_917, %get3A_948 : vector<16xf32>
        %add3A_950 = arith.constant 16 : i32
        %add3A_951 = arith.addi %squeeze3A_942, %add3A_950 : i32
        %get3A_952 = arith.index_cast %add3A_940 : i32 to index
        %get3A_953 = arith.index_cast %add3A_951 : i32 to index
        %get3A_954 = tpu.vector_load %arg7[%get3A_952, %get3A_953] {strides = array<i32>} : memref<200x128xf32, #tpu.memory_space<vmem>>, vector<1x16xf32>,
        %get3A_955 = vector.shape_cast %get3A_954 : vector<1x16xf32> to vector<16xf32>
        %add3A_956 = arith.addf %add3A_924, %get3A_955 : vector<16xf32>
        %add3A_957 = arith.constant 32 : i32
        %add3A_958 = arith.addi %squeeze3A_942, %add3A_957 : i32
        %get3A_959 = arith.index_cast %add3A_940 : i32 to index
        %get3A_960 = arith.index_cast %add3A_958 : i32 to index
        %get3A_961 = tpu.vector_load %arg7[%get3A_959, %get3A_960] {strides = array<i32>} : memref<200x128xf32, #tpu.memory_space<vmem>>, vector<1x16xf32>,
        %get3A_962 = vector.shape_cast %get3A_961 : vector<1x16xf32> to vector<16xf32>
        %add3A_963 = arith.addf %add3A_931, %get3A_962 : vector<16xf32>
        %add3A_964 = arith.constant 48 : i32
        %add3A_965 = arith.addi %squeeze3A_942, %add3A_964 : i32
        %get3A_966 = arith.index_cast %add3A_940 : i32 to index
        %get3A_967 = arith.index_cast %add3A_965 : i32 to index
        %get3A_968 = tpu.vector_load %arg7[%get3A_966, %get3A_967] {strides = array<i32>} : memref<200x128xf32, #tpu.memory_space<vmem>>, vector<1x16xf32>,
        %get3A_969 = vector.shape_cast %get3A_968 : vector<1x16xf32> to vector<16xf32>
        %add3A_970 = arith.addf %add3A_938, %get3A_969 : vector<16xf32>
        %add3A_971 = arith.constant 8 : i32
        %add3A_972 = arith.addi %mul3A_714, %add3A_971 : i32
        %slice3A_973 = vector.extract_strided_slice %mul3A_712 {offsets = [8], sizes = [1], strides = [1]} : vector<16xi32> to vector<1xi32>
        %squeeze3A_974 = vector.extract %slice3A_973[0] : i32 from vector<1xi32>
        %add3A_975 = arith.constant 0 : i32
        %add3A_976 = arith.addi %squeeze3A_974, %add3A_975 : i32
        %get3A_977 = arith.index_cast %add3A_972 : i32 to index
        %get3A_978 = arith.index_cast %add3A_976 : i32 to index
        %get3A_979 = tpu.vector_load %arg7[%get3A_977, %get3A_978] {strides = array<i32>} : memref<200x128xf32, #tpu.memory_space<vmem>>, vector<1x16xf32>,
        %get3A_980 = vector.shape_cast %get3A_979 : vector<1x16xf32> to vector<16xf32>
        %add3A_981 = arith.addf %add3A_949, %get3A_980 : vector<16xf32>
        %add3A_982 = arith.constant 16 : i32
        %add3A_983 = arith.addi %squeeze3A_974, %add3A_982 : i32
        %get3A_984 = arith.index_cast %add3A_972 : i32 to index
        %get3A_985 = arith.index_cast %add3A_983 : i32 to index
        %get3A_986 = tpu.vector_load %arg7[%get3A_984, %get3A_985] {strides = array<i32>} : memref<200x128xf32, #tpu.memory_space<vmem>>, vector<1x16xf32>,
        %get3A_987 = vector.shape_cast %get3A_986 : vector<1x16xf32> to vector<16xf32>
        %add3A_988 = arith.addf %add3A_956, %get3A_987 : vector<16xf32>
        %add3A_989 = arith.constant 32 : i32
        %add3A_990 = arith.addi %squeeze3A_974, %add3A_989 : i32
        %get3A_991 = arith.index_cast %add3A_972 : i32 to index
        %get3A_992 = arith.index_cast %add3A_990 : i32 to index
        %get3A_993 = tpu.vector_load %arg7[%get3A_991, %get3A_992] {strides = array<i32>} : memref<200x128xf32, #tpu.memory_space<vmem>>, vector<1x16xf32>,
        %get3A_994 = vector.shape_cast %get3A_993 : vector<1x16xf32> to vector<16xf32>
        %add3A_995 = arith.addf %add3A_963, %get3A_994 : vector<16xf32>
        %add3A_996 = arith.constant 48 : i32
        %add3A_997 = arith.addi %squeeze3A_974, %add3A_996 : i32
        %get3A_998 = arith.index_cast %add3A_972 : i32 to index
        %get3A_999 = arith.index_cast %add3A_997 : i32 to index
        %get3A_1000 = tpu.vector_load %arg7[%get3A_998, %get3A_999] {strides = array<i32>} : memref<200x128xf32, #tpu.memory_space<vmem>>, vector<1x16xf32>,
        %get3A_1001 = vector.shape_cast %get3A_1000 : vector<1x16xf32> to vector<16xf32>
        %add3A_1002 = arith.addf %add3A_970, %get3A_1001 : vector<16xf32>
        %add3A_1003 = arith.constant 9 : i32
        %add3A_1004 = arith.addi %mul3A_714, %add3A_1003 : i32
        %slice3A_1005 = vector.extract_strided_slice %mul3A_712 {offsets = [9], sizes = [1], strides = [1]} : vector<16xi32> to vector<1xi32>
        %squeeze3A_1006 = vector.extract %slice3A_1005[0] : i32 from vector<1xi32>
        %add3A_1007 = arith.constant 0 : i32
        %add3A_1008 = arith.addi %squeeze3A_1006, %add3A_1007 : i32
        %get3A_1009 = arith.index_cast %add3A_1004 : i32 to index
        %get3A_1010 = arith.index_cast %add3A_1008 : i32 to index
        %get3A_1011 = tpu.vector_load %arg7[%get3A_1009, %get3A_1010] {strides = array<i32>} : memref<200x128xf32, #tpu.memory_space<vmem>>, vector<1x16xf32>,
        %get3A_1012 = vector.shape_cast %get3A_1011 : vector<1x16xf32> to vector<16xf32>
        %add3A_1013 = arith.addf %add3A_981, %get3A_1012 : vector<16xf32>
        %add3A_1014 = arith.constant 16 : i32
        %add3A_1015 = arith.addi %squeeze3A_1006, %add3A_1014 : i32
        %get3A_1016 = arith.index_cast %add3A_1004 : i32 to index
        %get3A_1017 = arith.index_cast %add3A_1015 : i32 to index
        %get3A_1018 = tpu.vector_load %arg7[%get3A_1016, %get3A_1017] {strides = array<i32>} : memref<200x128xf32, #tpu.memory_space<vmem>>, vector<1x16xf32>,
        %get3A_1019 = vector.shape_cast %get3A_1018 : vector<1x16xf32> to vector<16xf32>
        %add3A_1020 = arith.addf %add3A_988, %get3A_1019 : vector<16xf32>
        %add3A_1021 = arith.constant 32 : i32
        %add3A_1022 = arith.addi %squeeze3A_1006, %add3A_1021 : i32
        %get3A_1023 = arith.index_cast %add3A_1004 : i32 to index
        %get3A_1024 = arith.index_cast %add3A_1022 : i32 to index
        %get3A_1025 = tpu.vector_load %arg7[%get3A_1023, %get3A_1024] {strides = array<i32>} : memref<200x128xf32, #tpu.memory_space<vmem>>, vector<1x16xf32>,
        %get3A_1026 = vector.shape_cast %get3A_1025 : vector<1x16xf32> to vector<16xf32>
        %add3A_1027 = arith.addf %add3A_995, %get3A_1026 : vector<16xf32>
        %add3A_1028 = arith.constant 48 : i32
        %add3A_1029 = arith.addi %squeeze3A_1006, %add3A_1028 : i32
        %get3A_1030 = arith.index_cast %add3A_1004 : i32 to index
        %get3A_1031 = arith.index_cast %add3A_1029 : i32 to index
        %get3A_1032 = tpu.vector_load %arg7[%get3A_1030, %get3A_1031] {strides = array<i32>} : memref<200x128xf32, #tpu.memory_space<vmem>>, vector<1x16xf32>,
        %get3A_1033 = vector.shape_cast %get3A_1032 : vector<1x16xf32> to vector<16xf32>
        %add3A_1034 = arith.addf %add3A_1002, %get3A_1033 : vector<16xf32>
        %add3A_1035 = arith.constant 10 : i32
        %add3A_1036 = arith.addi %mul3A_714, %add3A_1035 : i32
        %slice3A_1037 = vector.extract_strided_slice %mul3A_712 {offsets = [10], sizes = [1], strides = [1]} : vector<16xi32> to vector<1xi32>
        %squeeze3A_1038 = vector.extract %slice3A_1037[0] : i32 from vector<1xi32>
        %add3A_1039 = arith.constant 0 : i32
        %add3A_1040 = arith.addi %squeeze3A_1038, %add3A_1039 : i32
        %get3A_1041 = arith.index_cast %add3A_1036 : i32 to index
        %get3A_1042 = arith.index_cast %add3A_1040 : i32 to index
        %get3A_1043 = tpu.vector_load %arg7[%get3A_1041, %get3A_1042] {strides = array<i32>} : memref<200x128xf32, #tpu.memory_space<vmem>>, vector<1x16xf32>,
        %get3A_1044 = vector.shape_cast %get3A_1043 : vector<1x16xf32> to vector<16xf32>
        %add3A_1045 = arith.addf %add3A_1013, %get3A_1044 : vector<16xf32>
        %add3A_1046 = arith.constant 16 : i32
        %add3A_1047 = arith.addi %squeeze3A_1038, %add3A_1046 : i32
        %get3A_1048 = arith.index_cast %add3A_1036 : i32 to index
        %get3A_1049 = arith.index_cast %add3A_1047 : i32 to index
        %get3A_1050 = tpu.vector_load %arg7[%get3A_1048, %get3A_1049] {strides = array<i32>} : memref<200x128xf32, #tpu.memory_space<vmem>>, vector<1x16xf32>,
        %get3A_1051 = vector.shape_cast %get3A_1050 : vector<1x16xf32> to vector<16xf32>
        %add3A_1052 = arith.addf %add3A_1020, %get3A_1051 : vector<16xf32>
        %add3A_1053 = arith.constant 32 : i32
        %add3A_1054 = arith.addi %squeeze3A_1038, %add3A_1053 : i32
        %get3A_1055 = arith.index_cast %add3A_1036 : i32 to index
        %get3A_1056 = arith.index_cast %add3A_1054 : i32 to index
        %get3A_1057 = tpu.vector_load %arg7[%get3A_1055, %get3A_1056] {strides = array<i32>} : memref<200x128xf32, #tpu.memory_space<vmem>>, vector<1x16xf32>,
        %get3A_1058 = vector.shape_cast %get3A_1057 : vector<1x16xf32> to vector<16xf32>
        %add3A_1059 = arith.addf %add3A_1027, %get3A_1058 : vector<16xf32>
        %add3A_1060 = arith.constant 48 : i32
        %add3A_1061 = arith.addi %squeeze3A_1038, %add3A_1060 : i32
        %get3A_1062 = arith.index_cast %add3A_1036 : i32 to index
        %get3A_1063 = arith.index_cast %add3A_1061 : i32 to index
        %get3A_1064 = tpu.vector_load %arg7[%get3A_1062, %get3A_1063] {strides = array<i32>} : memref<200x128xf32, #tpu.memory_space<vmem>>, vector<1x16xf32>,
        %get3A_1065 = vector.shape_cast %get3A_1064 : vector<1x16xf32> to vector<16xf32>
        %add3A_1066 = arith.addf %add3A_1034, %get3A_1065 : vector<16xf32>
        %add3A_1067 = arith.constant 11 : i32
        %add3A_1068 = arith.addi %mul3A_714, %add3A_1067 : i32
        %slice3A_1069 = vector.extract_strided_slice %mul3A_712 {offsets = [11], sizes = [1], strides = [1]} : vector<16xi32> to vector<1xi32>
        %squeeze3A_1070 = vector.extract %slice3A_1069[0] : i32 from vector<1xi32>
        %add3A_1071 = arith.constant 0 : i32
        %add3A_1072 = arith.addi %squeeze3A_1070, %add3A_1071 : i32
        %get3A_1073 = arith.index_cast %add3A_1068 : i32 to index
        %get3A_1074 = arith.index_cast %add3A_1072 : i32 to index
        %get3A_1075 = tpu.vector_load %arg7[%get3A_1073, %get3A_1074] {strides = array<i32>} : memref<200x128xf32, #tpu.memory_space<vmem>>, vector<1x16xf32>,
        %get3A_1076 = vector.shape_cast %get3A_1075 : vector<1x16xf32> to vector<16xf32>
        %add3A_1077 = arith.addf %add3A_1045, %get3A_1076 : vector<16xf32>
        %add3A_1078 = arith.constant 16 : i32
        %add3A_1079 = arith.addi %squeeze3A_1070, %add3A_1078 : i32
        %get3A_1080 = arith.index_cast %add3A_1068 : i32 to index
        %get3A_1081 = arith.index_cast %add3A_1079 : i32 to index
        %get3A_1082 = tpu.vector_load %arg7[%get3A_1080, %get3A_1081] {strides = array<i32>} : memref<200x128xf32, #tpu.memory_space<vmem>>, vector<1x16xf32>,
        %get3A_1083 = vector.shape_cast %get3A_1082 : vector<1x16xf32> to vector<16xf32>
        %add3A_1084 = arith.addf %add3A_1052, %get3A_1083 : vector<16xf32>
        %add3A_1085 = arith.constant 32 : i32
        %add3A_1086 = arith.addi %squeeze3A_1070, %add3A_1085 : i32
        %get3A_1087 = arith.index_cast %add3A_1068 : i32 to index
        %get3A_1088 = arith.index_cast %add3A_1086 : i32 to index
        %get3A_1089 = tpu.vector_load %arg7[%get3A_1087, %get3A_1088] {strides = array<i32>} : memref<200x128xf32, #tpu.memory_space<vmem>>, vector<1x16xf32>,
        %get3A_1090 = vector.shape_cast %get3A_1089 : vector<1x16xf32> to vector<16xf32>
        %add3A_1091 = arith.addf %add3A_1059, %get3A_1090 : vector<16xf32>
        %add3A_1092 = arith.constant 48 : i32
        %add3A_1093 = arith.addi %squeeze3A_1070, %add3A_1092 : i32
        %get3A_1094 = arith.index_cast %add3A_1068 : i32 to index
        %get3A_1095 = arith.index_cast %add3A_1093 : i32 to index
        %get3A_1096 = tpu.vector_load %arg7[%get3A_1094, %get3A_1095] {strides = array<i32>} : memref<200x128xf32, #tpu.memory_space<vmem>>, vector<1x16xf32>,
        %get3A_1097 = vector.shape_cast %get3A_1096 : vector<1x16xf32> to vector<16xf32>
        %add3A_1098 = arith.addf %add3A_1066, %get3A_1097 : vector<16xf32>
        %add3A_1099 = arith.constant 12 : i32
        %add3A_1100 = arith.addi %mul3A_714, %add3A_1099 : i32
        %slice3A_1101 = vector.extract_strided_slice %mul3A_712 {offsets = [12], sizes = [1], strides = [1]} : vector<16xi32> to vector<1xi32>
        %squeeze3A_1102 = vector.extract %slice3A_1101[0] : i32 from vector<1xi32>
        %add3A_1103 = arith.constant 0 : i32
        %add3A_1104 = arith.addi %squeeze3A_1102, %add3A_1103 : i32
        %get3A_1105 = arith.index_cast %add3A_1100 : i32 to index
        %get3A_1106 = arith.index_cast %add3A_1104 : i32 to index
        %get3A_1107 = tpu.vector_load %arg7[%get3A_1105, %get3A_1106] {strides = array<i32>} : memref<200x128xf32, #tpu.memory_space<vmem>>, vector<1x16xf32>,
        %get3A_1108 = vector.shape_cast %get3A_1107 : vector<1x16xf32> to vector<16xf32>
        %add3A_1109 = arith.addf %add3A_1077, %get3A_1108 : vector<16xf32>
        %add3A_1110 = arith.constant 16 : i32
        %add3A_1111 = arith.addi %squeeze3A_1102, %add3A_1110 : i32
        %get3A_1112 = arith.index_cast %add3A_1100 : i32 to index
        %get3A_1113 = arith.index_cast %add3A_1111 : i32 to index
        %get3A_1114 = tpu.vector_load %arg7[%get3A_1112, %get3A_1113] {strides = array<i32>} : memref<200x128xf32, #tpu.memory_space<vmem>>, vector<1x16xf32>,
        %get3A_1115 = vector.shape_cast %get3A_1114 : vector<1x16xf32> to vector<16xf32>
        %add3A_1116 = arith.addf %add3A_1084, %get3A_1115 : vector<16xf32>
        %add3A_1117 = arith.constant 32 : i32
        %add3A_1118 = arith.addi %squeeze3A_1102, %add3A_1117 : i32
        %get3A_1119 = arith.index_cast %add3A_1100 : i32 to index
        %get3A_1120 = arith.index_cast %add3A_1118 : i32 to index
        %get3A_1121 = tpu.vector_load %arg7[%get3A_1119, %get3A_1120] {strides = array<i32>} : memref<200x128xf32, #tpu.memory_space<vmem>>, vector<1x16xf32>,
        %get3A_1122 = vector.shape_cast %get3A_1121 : vector<1x16xf32> to vector<16xf32>
        %add3A_1123 = arith.addf %add3A_1091, %get3A_1122 : vector<16xf32>
        %add3A_1124 = arith.constant 48 : i32
        %add3A_1125 = arith.addi %squeeze3A_1102, %add3A_1124 : i32
        %get3A_1126 = arith.index_cast %add3A_1100 : i32 to index
        %get3A_1127 = arith.index_cast %add3A_1125 : i32 to index
        %get3A_1128 = tpu.vector_load %arg7[%get3A_1126, %get3A_1127] {strides = array<i32>} : memref<200x128xf32, #tpu.memory_space<vmem>>, vector<1x16xf32>,
        %get3A_1129 = vector.shape_cast %get3A_1128 : vector<1x16xf32> to vector<16xf32>
        %add3A_1130 = arith.addf %add3A_1098, %get3A_1129 : vector<16xf32>
        %add3A_1131 = arith.constant 13 : i32
        %add3A_1132 = arith.addi %mul3A_714, %add3A_1131 : i32
        %slice3A_1133 = vector.extract_strided_slice %mul3A_712 {offsets = [13], sizes = [1], strides = [1]} : vector<16xi32> to vector<1xi32>
        %squeeze3A_1134 = vector.extract %slice3A_1133[0] : i32 from vector<1xi32>
        %add3A_1135 = arith.constant 0 : i32
        %add3A_1136 = arith.addi %squeeze3A_1134, %add3A_1135 : i32
        %get3A_1137 = arith.index_cast %add3A_1132 : i32 to index
        %get3A_1138 = arith.index_cast %add3A_1136 : i32 to index
        %get3A_1139 = tpu.vector_load %arg7[%get3A_1137, %get3A_1138] {strides = array<i32>} : memref<200x128xf32, #tpu.memory_space<vmem>>, vector<1x16xf32>,
        %get3A_1140 = vector.shape_cast %get3A_1139 : vector<1x16xf32> to vector<16xf32>
        %add3A_1141 = arith.addf %add3A_1109, %get3A_1140 : vector<16xf32>
        %add3A_1142 = arith.constant 16 : i32
        %add3A_1143 = arith.addi %squeeze3A_1134, %add3A_1142 : i32
        %get3A_1144 = arith.index_cast %add3A_1132 : i32 to index
        %get3A_1145 = arith.index_cast %add3A_1143 : i32 to index
        %get3A_1146 = tpu.vector_load %arg7[%get3A_1144, %get3A_1145] {strides = array<i32>} : memref<200x128xf32, #tpu.memory_space<vmem>>, vector<1x16xf32>,
        %get3A_1147 = vector.shape_cast %get3A_1146 : vector<1x16xf32> to vector<16xf32>
        %add3A_1148 = arith.addf %add3A_1116, %get3A_1147 : vector<16xf32>
        %add3A_1149 = arith.constant 32 : i32
        %add3A_1150 = arith.addi %squeeze3A_1134, %add3A_1149 : i32
        %get3A_1151 = arith.index_cast %add3A_1132 : i32 to index
        %get3A_1152 = arith.index_cast %add3A_1150 : i32 to index
        %get3A_1153 = tpu.vector_load %arg7[%get3A_1151, %get3A_1152] {strides = array<i32>} : memref<200x128xf32, #tpu.memory_space<vmem>>, vector<1x16xf32>,
        %get3A_1154 = vector.shape_cast %get3A_1153 : vector<1x16xf32> to vector<16xf32>
        %add3A_1155 = arith.addf %add3A_1123, %get3A_1154 : vector<16xf32>
        %add3A_1156 = arith.constant 48 : i32
        %add3A_1157 = arith.addi %squeeze3A_1134, %add3A_1156 : i32
        %get3A_1158 = arith.index_cast %add3A_1132 : i32 to index
        %get3A_1159 = arith.index_cast %add3A_1157 : i32 to index
        %get3A_1160 = tpu.vector_load %arg7[%get3A_1158, %get3A_1159] {strides = array<i32>} : memref<200x128xf32, #tpu.memory_space<vmem>>, vector<1x16xf32>,
        %get3A_1161 = vector.shape_cast %get3A_1160 : vector<1x16xf32> to vector<16xf32>
        %add3A_1162 = arith.addf %add3A_1130, %get3A_1161 : vector<16xf32>
        %add3A_1163 = arith.constant 14 : i32
        %add3A_1164 = arith.addi %mul3A_714, %add3A_1163 : i32
        %slice3A_1165 = vector.extract_strided_slice %mul3A_712 {offsets = [14], sizes = [1], strides = [1]} : vector<16xi32> to vector<1xi32>
        %squeeze3A_1166 = vector.extract %slice3A_1165[0] : i32 from vector<1xi32>
        %add3A_1167 = arith.constant 0 : i32
        %add3A_1168 = arith.addi %squeeze3A_1166, %add3A_1167 : i32
        %get3A_1169 = arith.index_cast %add3A_1164 : i32 to index
        %get3A_1170 = arith.index_cast %add3A_1168 : i32 to index
        %get3A_1171 = tpu.vector_load %arg7[%get3A_1169, %get3A_1170] {strides = array<i32>} : memref<200x128xf32, #tpu.memory_space<vmem>>, vector<1x16xf32>,
        %get3A_1172 = vector.shape_cast %get3A_1171 : vector<1x16xf32> to vector<16xf32>
        %add3A_1173 = arith.addf %add3A_1141, %get3A_1172 : vector<16xf32>
        %add3A_1174 = arith.constant 16 : i32
        %add3A_1175 = arith.addi %squeeze3A_1166, %add3A_1174 : i32
        %get3A_1176 = arith.index_cast %add3A_1164 : i32 to index
        %get3A_1177 = arith.index_cast %add3A_1175 : i32 to index
        %get3A_1178 = tpu.vector_load %arg7[%get3A_1176, %get3A_1177] {strides = array<i32>} : memref<200x128xf32, #tpu.memory_space<vmem>>, vector<1x16xf32>,
        %get3A_1179 = vector.shape_cast %get3A_1178 : vector<1x16xf32> to vector<16xf32>
        %add3A_1180 = arith.addf %add3A_1148, %get3A_1179 : vector<16xf32>
        %add3A_1181 = arith.constant 32 : i32
        %add3A_1182 = arith.addi %squeeze3A_1166, %add3A_1181 : i32
        %get3A_1183 = arith.index_cast %add3A_1164 : i32 to index
        %get3A_1184 = arith.index_cast %add3A_1182 : i32 to index
        %get3A_1185 = tpu.vector_load %arg7[%get3A_1183, %get3A_1184] {strides = array<i32>} : memref<200x128xf32, #tpu.memory_space<vmem>>, vector<1x16xf32>,
        %get3A_1186 = vector.shape_cast %get3A_1185 : vector<1x16xf32> to vector<16xf32>
        %add3A_1187 = arith.addf %add3A_1155, %get3A_1186 : vector<16xf32>
        %add3A_1188 = arith.constant 48 : i32
        %add3A_1189 = arith.addi %squeeze3A_1166, %add3A_1188 : i32
        %get3A_1190 = arith.index_cast %add3A_1164 : i32 to index
        %get3A_1191 = arith.index_cast %add3A_1189 : i32 to index
        %get3A_1192 = tpu.vector_load %arg7[%get3A_1190, %get3A_1191] {strides = array<i32>} : memref<200x128xf32, #tpu.memory_space<vmem>>, vector<1x16xf32>,
        %get3A_1193 = vector.shape_cast %get3A_1192 : vector<1x16xf32> to vector<16xf32>
        %add3A_1194 = arith.addf %add3A_1162, %get3A_1193 : vector<16xf32>
        %add3A_1195 = arith.constant 15 : i32
        %add3A_1196 = arith.addi %mul3A_714, %add3A_1195 : i32
        %slice3A_1197 = vector.extract_strided_slice %mul3A_712 {offsets = [15], sizes = [1], strides = [1]} : vector<16xi32> to vector<1xi32>
        %squeeze3A_1198 = vector.extract %slice3A_1197[0] : i32 from vector<1xi32>
        %add3A_1199 = arith.constant 0 : i32
        %add3A_1200 = arith.addi %squeeze3A_1198, %add3A_1199 : i32
        %get3A_1201 = arith.index_cast %add3A_1196 : i32 to index
        %get3A_1202 = arith.index_cast %add3A_1200 : i32 to index
        %get3A_1203 = tpu.vector_load %arg7[%get3A_1201, %get3A_1202] {strides = array<i32>} : memref<200x128xf32, #tpu.memory_space<vmem>>, vector<1x16xf32>,
        %get3A_1204 = vector.shape_cast %get3A_1203 : vector<1x16xf32> to vector<16xf32>
        %add3A_1205 = arith.addf %add3A_1173, %get3A_1204 : vector<16xf32>
        %add3A_1206 = arith.constant 16 : i32
        %add3A_1207 = arith.addi %squeeze3A_1198, %add3A_1206 : i32
        %get3A_1208 = arith.index_cast %add3A_1196 : i32 to index
        %get3A_1209 = arith.index_cast %add3A_1207 : i32 to index
        %get3A_1210 = tpu.vector_load %arg7[%get3A_1208, %get3A_1209] {strides = array<i32>} : memref<200x128xf32, #tpu.memory_space<vmem>>, vector<1x16xf32>,
        %get3A_1211 = vector.shape_cast %get3A_1210 : vector<1x16xf32> to vector<16xf32>
        %add3A_1212 = arith.addf %add3A_1180, %get3A_1211 : vector<16xf32>
        %add3A_1213 = arith.constant 32 : i32
        %add3A_1214 = arith.addi %squeeze3A_1198, %add3A_1213 : i32
        %get3A_1215 = arith.index_cast %add3A_1196 : i32 to index
        %get3A_1216 = arith.index_cast %add3A_1214 : i32 to index
        %get3A_1217 = tpu.vector_load %arg7[%get3A_1215, %get3A_1216] {strides = array<i32>} : memref<200x128xf32, #tpu.memory_space<vmem>>, vector<1x16xf32>,
        %get3A_1218 = vector.shape_cast %get3A_1217 : vector<1x16xf32> to vector<16xf32>
        %add3A_1219 = arith.addf %add3A_1187, %get3A_1218 : vector<16xf32>
        %add3A_1220 = arith.constant 48 : i32
        %add3A_1221 = arith.addi %squeeze3A_1198, %add3A_1220 : i32
        %get3A_1222 = arith.index_cast %add3A_1196 : i32 to index
        %get3A_1223 = arith.index_cast %add3A_1221 : i32 to index
        %get3A_1224 = tpu.vector_load %arg7[%get3A_1222, %get3A_1223] {strides = array<i32>} : memref<200x128xf32, #tpu.memory_space<vmem>>, vector<1x16xf32>,
        %get3A_1225 = vector.shape_cast %get3A_1224 : vector<1x16xf32> to vector<16xf32>
        %add3A_1226 = arith.addf %add3A_1194, %get3A_1225 : vector<16xf32>
        scf.yield %add3A_1205, %add3A_1212, %add3A_1219, %add3A_1226 : vector<16xf32>, vector<16xf32>, vector<16xf32>, vector<16xf32>
      }
      %scan3A_56 = arith.constant 12 : i32
      %add3A_57 = arith.constant 192 : i32
      %add3A_58 = arith.addi %mul3A_50, %add3A_57 : i32
      %get3A = arith.index_cast %add3A_58 : i32 to index
      %get3A_59 = tpu.vector_load %arg6[%get3A] {strides = array<i32>} : memref<25616xi32, #tpu.memory_space<vmem>>, vector<16xi32>,
      %get3A_60 = vector.shape_cast %get3A_59 : vector<16xi32> to vector<16xi32>
      %and3A = arith.constant 1 : i32
      %and3A_61 = vector.broadcast %and3A : i32 to vector<16xi32>
      %and3A_62 = arith.andi %get3A_60, %and3A_61 : vector<16xi32>
      %mul3A_63 = arith.constant 64 : i32
      %mul3A_64 = vector.broadcast %mul3A_63 : i32 to vector<16xi32>
      %mul3A_65 = arith.muli %and3A_62, %mul3A_64 : vector<16xi32>
      %slice3A = vector.extract_strided_slice %mul3A_65 {offsets = [0], sizes = [1], strides = [1]} : vector<16xi32> to vector<1xi32>
      %squeeze3A = vector.extract %slice3A[0] : i32 from vector<1xi32>
      %add3A_66 = arith.constant 0 : i32
      %add3A_67 = arith.addi %squeeze3A, %add3A_66 : i32
      %get3A_68 = arith.constant 192 : i32
      %get3A_69 = arith.index_cast %get3A_68 : i32 to index
      %get3A_70 = arith.index_cast %add3A_67 : i32 to index
      %get3A_71 = tpu.vector_load %arg7[%get3A_69, %get3A_70] {strides = array<i32>} : memref<200x128xf32, #tpu.memory_space<vmem>>, vector<1x16xf32>,
      %get3A_72 = vector.shape_cast %get3A_71 : vector<1x16xf32> to vector<16xf32>
      %add3A_73 = arith.addf %scan3A_55#0, %get3A_72 : vector<16xf32>
      %add3A_74 = arith.constant 16 : i32
      %add3A_75 = arith.addi %squeeze3A, %add3A_74 : i32
      %get3A_76 = arith.constant 192 : i32
      %get3A_77 = arith.index_cast %get3A_76 : i32 to index
      %get3A_78 = arith.index_cast %add3A_75 : i32 to index
      %get3A_79 = tpu.vector_load %arg7[%get3A_77, %get3A_78] {strides = array<i32>} : memref<200x128xf32, #tpu.memory_space<vmem>>, vector<1x16xf32>,
      %get3A_80 = vector.shape_cast %get3A_79 : vector<1x16xf32> to vector<16xf32>
      %add3A_81 = arith.addf %scan3A_55#1, %get3A_80 : vector<16xf32>
      %add3A_82 = arith.constant 32 : i32
      %add3A_83 = arith.addi %squeeze3A, %add3A_82 : i32
      %get3A_84 = arith.constant 192 : i32
      %get3A_85 = arith.index_cast %get3A_84 : i32 to index
      %get3A_86 = arith.index_cast %add3A_83 : i32 to index
      %get3A_87 = tpu.vector_load %arg7[%get3A_85, %get3A_86] {strides = array<i32>} : memref<200x128xf32, #tpu.memory_space<vmem>>, vector<1x16xf32>,
      %get3A_88 = vector.shape_cast %get3A_87 : vector<1x16xf32> to vector<16xf32>
      %add3A_89 = arith.addf %scan3A_55#2, %get3A_88 : vector<16xf32>
      %add3A_90 = arith.constant 48 : i32
      %add3A_91 = arith.addi %squeeze3A, %add3A_90 : i32
      %get3A_92 = arith.constant 192 : i32
      %get3A_93 = arith.index_cast %get3A_92 : i32 to index
      %get3A_94 = arith.index_cast %add3A_91 : i32 to index
      %get3A_95 = tpu.vector_load %arg7[%get3A_93, %get3A_94] {strides = array<i32>} : memref<200x128xf32, #tpu.memory_space<vmem>>, vector<1x16xf32>,
      %get3A_96 = vector.shape_cast %get3A_95 : vector<1x16xf32> to vector<16xf32>
      %add3A_97 = arith.addf %scan3A_55#3, %get3A_96 : vector<16xf32>
      %slice3A_98 = vector.extract_strided_slice %mul3A_65 {offsets = [1], sizes = [1], strides = [1]} : vector<16xi32> to vector<1xi32>
      %squeeze3A_99 = vector.extract %slice3A_98[0] : i32 from vector<1xi32>
      %add3A_100 = arith.constant 0 : i32
      %add3A_101 = arith.addi %squeeze3A_99, %add3A_100 : i32
      %get3A_102 = arith.constant 193 : i32
      %get3A_103 = arith.index_cast %get3A_102 : i32 to index
      %get3A_104 = arith.index_cast %add3A_101 : i32 to index
      %get3A_105 = tpu.vector_load %arg7[%get3A_103, %get3A_104] {strides = array<i32>} : memref<200x128xf32, #tpu.memory_space<vmem>>, vector<1x16xf32>,
      %get3A_106 = vector.shape_cast %get3A_105 : vector<1x16xf32> to vector<16xf32>
      %add3A_107 = arith.addf %add3A_73, %get3A_106 : vector<16xf32>
      %add3A_108 = arith.constant 16 : i32
      %add3A_109 = arith.addi %squeeze3A_99, %add3A_108 : i32
      %get3A_110 = arith.constant 193 : i32
      %get3A_111 = arith.index_cast %get3A_110 : i32 to index
      %get3A_112 = arith.index_cast %add3A_109 : i32 to index
      %get3A_113 = tpu.vector_load %arg7[%get3A_111, %get3A_112] {strides = array<i32>} : memref<200x128xf32, #tpu.memory_space<vmem>>, vector<1x16xf32>,
      %get3A_114 = vector.shape_cast %get3A_113 : vector<1x16xf32> to vector<16xf32>
      %add3A_115 = arith.addf %add3A_81, %get3A_114 : vector<16xf32>
      %add3A_116 = arith.constant 32 : i32
      %add3A_117 = arith.addi %squeeze3A_99, %add3A_116 : i32
      %get3A_118 = arith.constant 193 : i32
      %get3A_119 = arith.index_cast %get3A_118 : i32 to index
      %get3A_120 = arith.index_cast %add3A_117 : i32 to index
      %get3A_121 = tpu.vector_load %arg7[%get3A_119, %get3A_120] {strides = array<i32>} : memref<200x128xf32, #tpu.memory_space<vmem>>, vector<1x16xf32>,
      %get3A_122 = vector.shape_cast %get3A_121 : vector<1x16xf32> to vector<16xf32>
      %add3A_123 = arith.addf %add3A_89, %get3A_122 : vector<16xf32>
      %add3A_124 = arith.constant 48 : i32
      %add3A_125 = arith.addi %squeeze3A_99, %add3A_124 : i32
      %get3A_126 = arith.constant 193 : i32
      %get3A_127 = arith.index_cast %get3A_126 : i32 to index
      %get3A_128 = arith.index_cast %add3A_125 : i32 to index
      %get3A_129 = tpu.vector_load %arg7[%get3A_127, %get3A_128] {strides = array<i32>} : memref<200x128xf32, #tpu.memory_space<vmem>>, vector<1x16xf32>,
      %get3A_130 = vector.shape_cast %get3A_129 : vector<1x16xf32> to vector<16xf32>
      %add3A_131 = arith.addf %add3A_97, %get3A_130 : vector<16xf32>
      %slice3A_132 = vector.extract_strided_slice %mul3A_65 {offsets = [2], sizes = [1], strides = [1]} : vector<16xi32> to vector<1xi32>
      %squeeze3A_133 = vector.extract %slice3A_132[0] : i32 from vector<1xi32>
      %add3A_134 = arith.constant 0 : i32
      %add3A_135 = arith.addi %squeeze3A_133, %add3A_134 : i32
      %get3A_136 = arith.constant 194 : i32
      %get3A_137 = arith.index_cast %get3A_136 : i32 to index
      %get3A_138 = arith.index_cast %add3A_135 : i32 to index
      %get3A_139 = tpu.vector_load %arg7[%get3A_137, %get3A_138] {strides = array<i32>} : memref<200x128xf32, #tpu.memory_space<vmem>>, vector<1x16xf32>,
      %get3A_140 = vector.shape_cast %get3A_139 : vector<1x16xf32> to vector<16xf32>
      %add3A_141 = arith.addf %add3A_107, %get3A_140 : vector<16xf32>
      %add3A_142 = arith.constant 16 : i32
      %add3A_143 = arith.addi %squeeze3A_133, %add3A_142 : i32
      %get3A_144 = arith.constant 194 : i32
      %get3A_145 = arith.index_cast %get3A_144 : i32 to index
      %get3A_146 = arith.index_cast %add3A_143 : i32 to index
      %get3A_147 = tpu.vector_load %arg7[%get3A_145, %get3A_146] {strides = array<i32>} : memref<200x128xf32, #tpu.memory_space<vmem>>, vector<1x16xf32>,
      %get3A_148 = vector.shape_cast %get3A_147 : vector<1x16xf32> to vector<16xf32>
      %add3A_149 = arith.addf %add3A_115, %get3A_148 : vector<16xf32>
      %add3A_150 = arith.constant 32 : i32
      %add3A_151 = arith.addi %squeeze3A_133, %add3A_150 : i32
      %get3A_152 = arith.constant 194 : i32
      %get3A_153 = arith.index_cast %get3A_152 : i32 to index
      %get3A_154 = arith.index_cast %add3A_151 : i32 to index
      %get3A_155 = tpu.vector_load %arg7[%get3A_153, %get3A_154] {strides = array<i32>} : memref<200x128xf32, #tpu.memory_space<vmem>>, vector<1x16xf32>,
      %get3A_156 = vector.shape_cast %get3A_155 : vector<1x16xf32> to vector<16xf32>
      %add3A_157 = arith.addf %add3A_123, %get3A_156 : vector<16xf32>
      %add3A_158 = arith.constant 48 : i32
      %add3A_159 = arith.addi %squeeze3A_133, %add3A_158 : i32
      %get3A_160 = arith.constant 194 : i32
      %get3A_161 = arith.index_cast %get3A_160 : i32 to index
      %get3A_162 = arith.index_cast %add3A_159 : i32 to index
      %get3A_163 = tpu.vector_load %arg7[%get3A_161, %get3A_162] {strides = array<i32>} : memref<200x128xf32, #tpu.memory_space<vmem>>, vector<1x16xf32>,
      %get3A_164 = vector.shape_cast %get3A_163 : vector<1x16xf32> to vector<16xf32>
      %add3A_165 = arith.addf %add3A_131, %get3A_164 : vector<16xf32>
      %slice3A_166 = vector.extract_strided_slice %mul3A_65 {offsets = [3], sizes = [1], strides = [1]} : vector<16xi32> to vector<1xi32>
      %squeeze3A_167 = vector.extract %slice3A_166[0] : i32 from vector<1xi32>
      %add3A_168 = arith.constant 0 : i32
      %add3A_169 = arith.addi %squeeze3A_167, %add3A_168 : i32
      %get3A_170 = arith.constant 195 : i32
      %get3A_171 = arith.index_cast %get3A_170 : i32 to index
      %get3A_172 = arith.index_cast %add3A_169 : i32 to index
      %get3A_173 = tpu.vector_load %arg7[%get3A_171, %get3A_172] {strides = array<i32>} : memref<200x128xf32, #tpu.memory_space<vmem>>, vector<1x16xf32>,
      %get3A_174 = vector.shape_cast %get3A_173 : vector<1x16xf32> to vector<16xf32>
      %add3A_175 = arith.addf %add3A_141, %get3A_174 : vector<16xf32>
      %add3A_176 = arith.constant 16 : i32
      %add3A_177 = arith.addi %squeeze3A_167, %add3A_176 : i32
      %get3A_178 = arith.constant 195 : i32
      %get3A_179 = arith.index_cast %get3A_178 : i32 to index
      %get3A_180 = arith.index_cast %add3A_177 : i32 to index
      %get3A_181 = tpu.vector_load %arg7[%get3A_179, %get3A_180] {strides = array<i32>} : memref<200x128xf32, #tpu.memory_space<vmem>>, vector<1x16xf32>,
      %get3A_182 = vector.shape_cast %get3A_181 : vector<1x16xf32> to vector<16xf32>
      %add3A_183 = arith.addf %add3A_149, %get3A_182 : vector<16xf32>
      %add3A_184 = arith.constant 32 : i32
      %add3A_185 = arith.addi %squeeze3A_167, %add3A_184 : i32
      %get3A_186 = arith.constant 195 : i32
      %get3A_187 = arith.index_cast %get3A_186 : i32 to index
      %get3A_188 = arith.index_cast %add3A_185 : i32 to index
      %get3A_189 = tpu.vector_load %arg7[%get3A_187, %get3A_188] {strides = array<i32>} : memref<200x128xf32, #tpu.memory_space<vmem>>, vector<1x16xf32>,
      %get3A_190 = vector.shape_cast %get3A_189 : vector<1x16xf32> to vector<16xf32>
      %add3A_191 = arith.addf %add3A_157, %get3A_190 : vector<16xf32>
      %add3A_192 = arith.constant 48 : i32
      %add3A_193 = arith.addi %squeeze3A_167, %add3A_192 : i32
      %get3A_194 = arith.constant 195 : i32
      %get3A_195 = arith.index_cast %get3A_194 : i32 to index
      %get3A_196 = arith.index_cast %add3A_193 : i32 to index
      %get3A_197 = tpu.vector_load %arg7[%get3A_195, %get3A_196] {strides = array<i32>} : memref<200x128xf32, #tpu.memory_space<vmem>>, vector<1x16xf32>,
      %get3A_198 = vector.shape_cast %get3A_197 : vector<1x16xf32> to vector<16xf32>
      %add3A_199 = arith.addf %add3A_165, %get3A_198 : vector<16xf32>
      %slice3A_200 = vector.extract_strided_slice %mul3A_65 {offsets = [4], sizes = [1], strides = [1]} : vector<16xi32> to vector<1xi32>
      %squeeze3A_201 = vector.extract %slice3A_200[0] : i32 from vector<1xi32>
      %add3A_202 = arith.constant 0 : i32
      %add3A_203 = arith.addi %squeeze3A_201, %add3A_202 : i32
      %get3A_204 = arith.constant 196 : i32
      %get3A_205 = arith.index_cast %get3A_204 : i32 to index
      %get3A_206 = arith.index_cast %add3A_203 : i32 to index
      %get3A_207 = tpu.vector_load %arg7[%get3A_205, %get3A_206] {strides = array<i32>} : memref<200x128xf32, #tpu.memory_space<vmem>>, vector<1x16xf32>,
      %get3A_208 = vector.shape_cast %get3A_207 : vector<1x16xf32> to vector<16xf32>
      %add3A_209 = arith.addf %add3A_175, %get3A_208 : vector<16xf32>
      %add3A_210 = arith.constant 16 : i32
      %add3A_211 = arith.addi %squeeze3A_201, %add3A_210 : i32
      %get3A_212 = arith.constant 196 : i32
      %get3A_213 = arith.index_cast %get3A_212 : i32 to index
      %get3A_214 = arith.index_cast %add3A_211 : i32 to index
      %get3A_215 = tpu.vector_load %arg7[%get3A_213, %get3A_214] {strides = array<i32>} : memref<200x128xf32, #tpu.memory_space<vmem>>, vector<1x16xf32>,
      %get3A_216 = vector.shape_cast %get3A_215 : vector<1x16xf32> to vector<16xf32>
      %add3A_217 = arith.addf %add3A_183, %get3A_216 : vector<16xf32>
      %add3A_218 = arith.constant 32 : i32
      %add3A_219 = arith.addi %squeeze3A_201, %add3A_218 : i32
      %get3A_220 = arith.constant 196 : i32
      %get3A_221 = arith.index_cast %get3A_220 : i32 to index
      %get3A_222 = arith.index_cast %add3A_219 : i32 to index
      %get3A_223 = tpu.vector_load %arg7[%get3A_221, %get3A_222] {strides = array<i32>} : memref<200x128xf32, #tpu.memory_space<vmem>>, vector<1x16xf32>,
      %get3A_224 = vector.shape_cast %get3A_223 : vector<1x16xf32> to vector<16xf32>
      %add3A_225 = arith.addf %add3A_191, %get3A_224 : vector<16xf32>
      %add3A_226 = arith.constant 48 : i32
      %add3A_227 = arith.addi %squeeze3A_201, %add3A_226 : i32
      %get3A_228 = arith.constant 196 : i32
      %get3A_229 = arith.index_cast %get3A_228 : i32 to index
      %get3A_230 = arith.index_cast %add3A_227 : i32 to index
      %get3A_231 = tpu.vector_load %arg7[%get3A_229, %get3A_230] {strides = array<i32>} : memref<200x128xf32, #tpu.memory_space<vmem>>, vector<1x16xf32>,
      %get3A_232 = vector.shape_cast %get3A_231 : vector<1x16xf32> to vector<16xf32>
      %add3A_233 = arith.addf %add3A_199, %get3A_232 : vector<16xf32>
      %slice3A_234 = vector.extract_strided_slice %mul3A_65 {offsets = [5], sizes = [1], strides = [1]} : vector<16xi32> to vector<1xi32>
      %squeeze3A_235 = vector.extract %slice3A_234[0] : i32 from vector<1xi32>
      %add3A_236 = arith.constant 0 : i32
      %add3A_237 = arith.addi %squeeze3A_235, %add3A_236 : i32
      %get3A_238 = arith.constant 197 : i32
      %get3A_239 = arith.index_cast %get3A_238 : i32 to index
      %get3A_240 = arith.index_cast %add3A_237 : i32 to index
      %get3A_241 = tpu.vector_load %arg7[%get3A_239, %get3A_240] {strides = array<i32>} : memref<200x128xf32, #tpu.memory_space<vmem>>, vector<1x16xf32>,
      %get3A_242 = vector.shape_cast %get3A_241 : vector<1x16xf32> to vector<16xf32>
      %add3A_243 = arith.addf %add3A_209, %get3A_242 : vector<16xf32>
      %add3A_244 = arith.constant 16 : i32
      %add3A_245 = arith.addi %squeeze3A_235, %add3A_244 : i32
      %get3A_246 = arith.constant 197 : i32
      %get3A_247 = arith.index_cast %get3A_246 : i32 to index
      %get3A_248 = arith.index_cast %add3A_245 : i32 to index
      %get3A_249 = tpu.vector_load %arg7[%get3A_247, %get3A_248] {strides = array<i32>} : memref<200x128xf32, #tpu.memory_space<vmem>>, vector<1x16xf32>,
      %get3A_250 = vector.shape_cast %get3A_249 : vector<1x16xf32> to vector<16xf32>
      %add3A_251 = arith.addf %add3A_217, %get3A_250 : vector<16xf32>
      %add3A_252 = arith.constant 32 : i32
      %add3A_253 = arith.addi %squeeze3A_235, %add3A_252 : i32
      %get3A_254 = arith.constant 197 : i32
      %get3A_255 = arith.index_cast %get3A_254 : i32 to index
      %get3A_256 = arith.index_cast %add3A_253 : i32 to index
      %get3A_257 = tpu.vector_load %arg7[%get3A_255, %get3A_256] {strides = array<i32>} : memref<200x128xf32, #tpu.memory_space<vmem>>, vector<1x16xf32>,
      %get3A_258 = vector.shape_cast %get3A_257 : vector<1x16xf32> to vector<16xf32>
      %add3A_259 = arith.addf %add3A_225, %get3A_258 : vector<16xf32>
      %add3A_260 = arith.constant 48 : i32
      %add3A_261 = arith.addi %squeeze3A_235, %add3A_260 : i32
      %get3A_262 = arith.constant 197 : i32
      %get3A_263 = arith.index_cast %get3A_262 : i32 to index
      %get3A_264 = arith.index_cast %add3A_261 : i32 to index
      %get3A_265 = tpu.vector_load %arg7[%get3A_263, %get3A_264] {strides = array<i32>} : memref<200x128xf32, #tpu.memory_space<vmem>>, vector<1x16xf32>,
      %get3A_266 = vector.shape_cast %get3A_265 : vector<1x16xf32> to vector<16xf32>
      %add3A_267 = arith.addf %add3A_233, %get3A_266 : vector<16xf32>
      %slice3A_268 = vector.extract_strided_slice %mul3A_65 {offsets = [6], sizes = [1], strides = [1]} : vector<16xi32> to vector<1xi32>
      %squeeze3A_269 = vector.extract %slice3A_268[0] : i32 from vector<1xi32>
      %add3A_270 = arith.constant 0 : i32
      %add3A_271 = arith.addi %squeeze3A_269, %add3A_270 : i32
      %get3A_272 = arith.constant 198 : i32
      %get3A_273 = arith.index_cast %get3A_272 : i32 to index
      %get3A_274 = arith.index_cast %add3A_271 : i32 to index
      %get3A_275 = tpu.vector_load %arg7[%get3A_273, %get3A_274] {strides = array<i32>} : memref<200x128xf32, #tpu.memory_space<vmem>>, vector<1x16xf32>,
      %get3A_276 = vector.shape_cast %get3A_275 : vector<1x16xf32> to vector<16xf32>
      %add3A_277 = arith.addf %add3A_243, %get3A_276 : vector<16xf32>
      %add3A_278 = arith.constant 16 : i32
      %add3A_279 = arith.addi %squeeze3A_269, %add3A_278 : i32
      %get3A_280 = arith.constant 198 : i32
      %get3A_281 = arith.index_cast %get3A_280 : i32 to index
      %get3A_282 = arith.index_cast %add3A_279 : i32 to index
      %get3A_283 = tpu.vector_load %arg7[%get3A_281, %get3A_282] {strides = array<i32>} : memref<200x128xf32, #tpu.memory_space<vmem>>, vector<1x16xf32>,
      %get3A_284 = vector.shape_cast %get3A_283 : vector<1x16xf32> to vector<16xf32>
      %add3A_285 = arith.addf %add3A_251, %get3A_284 : vector<16xf32>
      %add3A_286 = arith.constant 32 : i32
      %add3A_287 = arith.addi %squeeze3A_269, %add3A_286 : i32
      %get3A_288 = arith.constant 198 : i32
      %get3A_289 = arith.index_cast %get3A_288 : i32 to index
      %get3A_290 = arith.index_cast %add3A_287 : i32 to index
      %get3A_291 = tpu.vector_load %arg7[%get3A_289, %get3A_290] {strides = array<i32>} : memref<200x128xf32, #tpu.memory_space<vmem>>, vector<1x16xf32>,
      %get3A_292 = vector.shape_cast %get3A_291 : vector<1x16xf32> to vector<16xf32>
      %add3A_293 = arith.addf %add3A_259, %get3A_292 : vector<16xf32>
      %add3A_294 = arith.constant 48 : i32
      %add3A_295 = arith.addi %squeeze3A_269, %add3A_294 : i32
      %get3A_296 = arith.constant 198 : i32
      %get3A_297 = arith.index_cast %get3A_296 : i32 to index
      %get3A_298 = arith.index_cast %add3A_295 : i32 to index
      %get3A_299 = tpu.vector_load %arg7[%get3A_297, %get3A_298] {strides = array<i32>} : memref<200x128xf32, #tpu.memory_space<vmem>>, vector<1x16xf32>,
      %get3A_300 = vector.shape_cast %get3A_299 : vector<1x16xf32> to vector<16xf32>
      %add3A_301 = arith.addf %add3A_267, %get3A_300 : vector<16xf32>
      %slice3A_302 = vector.extract_strided_slice %mul3A_65 {offsets = [7], sizes = [1], strides = [1]} : vector<16xi32> to vector<1xi32>
      %squeeze3A_303 = vector.extract %slice3A_302[0] : i32 from vector<1xi32>
      %add3A_304 = arith.constant 0 : i32
      %add3A_305 = arith.addi %squeeze3A_303, %add3A_304 : i32
      %get3A_306 = arith.constant 199 : i32
      %get3A_307 = arith.index_cast %get3A_306 : i32 to index
      %get3A_308 = arith.index_cast %add3A_305 : i32 to index
      %get3A_309 = tpu.vector_load %arg7[%get3A_307, %get3A_308] {strides = array<i32>} : memref<200x128xf32, #tpu.memory_space<vmem>>, vector<1x16xf32>,
      %get3A_310 = vector.shape_cast %get3A_309 : vector<1x16xf32> to vector<16xf32>
      %add3A_311 = arith.addf %add3A_277, %get3A_310 : vector<16xf32>
      %add3A_312 = arith.constant 16 : i32
      %add3A_313 = arith.addi %squeeze3A_303, %add3A_312 : i32
      %get3A_314 = arith.constant 199 : i32
      %get3A_315 = arith.index_cast %get3A_314 : i32 to index
      %get3A_316 = arith.index_cast %add3A_313 : i32 to index
      %get3A_317 = tpu.vector_load %arg7[%get3A_315, %get3A_316] {strides = array<i32>} : memref<200x128xf32, #tpu.memory_space<vmem>>, vector<1x16xf32>,
      %get3A_318 = vector.shape_cast %get3A_317 : vector<1x16xf32> to vector<16xf32>
      %add3A_319 = arith.addf %add3A_285, %get3A_318 : vector<16xf32>
      %add3A_320 = arith.constant 32 : i32
      %add3A_321 = arith.addi %squeeze3A_303, %add3A_320 : i32
      %get3A_322 = arith.constant 199 : i32
      %get3A_323 = arith.index_cast %get3A_322 : i32 to index
      %get3A_324 = arith.index_cast %add3A_321 : i32 to index
      %get3A_325 = tpu.vector_load %arg7[%get3A_323, %get3A_324] {strides = array<i32>} : memref<200x128xf32, #tpu.memory_space<vmem>>, vector<1x16xf32>,
      %get3A_326 = vector.shape_cast %get3A_325 : vector<1x16xf32> to vector<16xf32>
      %add3A_327 = arith.addf %add3A_293, %get3A_326 : vector<16xf32>
      %add3A_328 = arith.constant 48 : i32
      %add3A_329 = arith.addi %squeeze3A_303, %add3A_328 : i32
      %get3A_330 = arith.constant 199 : i32
      %get3A_331 = arith.index_cast %get3A_330 : i32 to index
      %get3A_332 = arith.index_cast %add3A_329 : i32 to index
      %get3A_333 = tpu.vector_load %arg7[%get3A_331, %get3A_332] {strides = array<i32>} : memref<200x128xf32, #tpu.memory_space<vmem>>, vector<1x16xf32>,
      %get3A_334 = vector.shape_cast %get3A_333 : vector<1x16xf32> to vector<16xf32>
      %add3A_335 = arith.addf %add3A_301, %get3A_334 : vector<16xf32>
      %mul3A_336 = arith.constant 64 : i32
      %mul3A_337 = arith.muli %mul3A_38, %mul3A_336 : i32
      %add3A_338 = arith.constant 0 : i32
      %add3A_339 = arith.addi %mul3A_337, %add3A_338 : i32
      %swap3A = arith.index_cast %add3A_339 : i32 to index
      %swap3A_340 = tpu.vector_load %arg9[%swap3A] {strides = array<i32>} : memref<8192xf32, #tpu.memory_space<vmem>>, vector<16xf32>,
      %swap3A_341 = vector.shape_cast %swap3A_340 : vector<16xf32> to vector<16xf32>
      %swap3A_342 = vector.shape_cast %add3A_311 : vector<16xf32> to vector<16xf32>
      tpu.vector_store %arg9[%swap3A], %swap3A_342 {strides = array<i32>} : memref<8192xf32, #tpu.memory_space<vmem>>, vector<16xf32>,
      %add3A_343 = arith.constant 16 : i32
      %add3A_344 = arith.addi %mul3A_337, %add3A_343 : i32
      %swap3A_345 = arith.index_cast %add3A_344 : i32 to index
      %swap3A_346 = tpu.vector_load %arg9[%swap3A_345] {strides = array<i32>} : memref<8192xf32, #tpu.memory_space<vmem>>, vector<16xf32>,
      %swap3A_347 = vector.shape_cast %swap3A_346 : vector<16xf32> to vector<16xf32>
      %swap3A_348 = vector.shape_cast %add3A_319 : vector<16xf32> to vector<16xf32>
      tpu.vector_store %arg9[%swap3A_345], %swap3A_348 {strides = array<i32>} : memref<8192xf32, #tpu.memory_space<vmem>>, vector<16xf32>,
      %add3A_349 = arith.constant 32 : i32
      %add3A_350 = arith.addi %mul3A_337, %add3A_349 : i32
      %swap3A_351 = arith.index_cast %add3A_350 : i32 to index
      %swap3A_352 = tpu.vector_load %arg9[%swap3A_351] {strides = array<i32>} : memref<8192xf32, #tpu.memory_space<vmem>>, vector<16xf32>,
      %swap3A_353 = vector.shape_cast %swap3A_352 : vector<16xf32> to vector<16xf32>
      %swap3A_354 = vector.shape_cast %add3A_327 : vector<16xf32> to vector<16xf32>
      tpu.vector_store %arg9[%swap3A_351], %swap3A_354 {strides = array<i32>} : memref<8192xf32, #tpu.memory_space<vmem>>, vector<16xf32>,
      %add3A_355 = arith.constant 48 : i32
      %add3A_356 = arith.addi %mul3A_337, %add3A_355 : i32
      %swap3A_357 = arith.index_cast %add3A_356 : i32 to index
      %swap3A_358 = tpu.vector_load %arg9[%swap3A_357] {strides = array<i32>} : memref<8192xf32, #tpu.memory_space<vmem>>, vector<16xf32>,
      %swap3A_359 = vector.shape_cast %swap3A_358 : vector<16xf32> to vector<16xf32>
      %swap3A_360 = vector.shape_cast %add3A_335 : vector<16xf32> to vector<16xf32>
      tpu.vector_store %arg9[%swap3A_357], %swap3A_360 {strides = array<i32>} : memref<8192xf32, #tpu.memory_space<vmem>>, vector<16xf32>,
      %add3A_361 = arith.constant 2 : i32
      %add3A_362 = arith.addi %mul3A_38, %add3A_361 : i32
      %lt3A_363 = arith.constant 128 : i32
      %lt3A_364 = arith.cmpi slt, %add3A_362, %lt3A_363 : i32
      %convert_element_type3A_365 = arith.extui %lt3A_364 : i1 to i32
      %cond3A_366 = arith.constant 0 : i32
      %cond3A_367 = arith.cmpi ne, %convert_element_type3A_365, %cond3A_366 : i32
      scf.if %cond3A_367 {
        %add3A_696 = arith.constant 2 : i32
        %add3A_697 = arith.addi %mul3A_38, %add3A_696 : i32
        %mul3A_698 = arith.constant 200 : i32
        %mul3A_699 = arith.muli %add3A_697, %mul3A_698 : i32
        %dma_start3A_700 = arith.constant 0 : i32
        %dma_start3A_701 = arith.constant 0 : i32
        %dma_start3A_702 = tpu.memref_slice %arg7[%dma_start3A_700, %dma_start3A_701] : memref<200x128xf32, #tpu.memory_space<vmem>> -> memref<96x128xf32, #tpu.memory_space<vmem>>
        %dma_start3A_703 = tpu.memref_slice %arg5[%mul3A_699] : memref<25600xi32, #tpu.memory_space<vmem>> -> memref<96xi32, #tpu.memory_space<vmem>>
        %dma_start3A_704 = arith.constant 0 : i32
        %dma_start3A_705 = arith.constant 0 : i32
        %dma_start3A_706 = tpu.memref_slice %arg3[%dma_start3A_704, %dma_start3A_705] : memref<503808x128xf32, #tpu.memory_space<hbm>> -> memref<503808x128xf32, #tpu.memory_space<hbm>>
        tpu.enqueue_indirect_dma source(%dma_start3A_706 : memref<503808x128xf32, #tpu.memory_space<hbm>>) target(%dma_start3A_702 : memref<96x128xf32, #tpu.memory_space<vmem>>) offsets(%dma_start3A_703 : memref<96xi32, #tpu.memory_space<vmem>>) semaphore(%arg10 : memref<!tpu.dma_semaphore, #tpu.memory_space<semaphore_mem>>)
        %add3A_707 = arith.constant 96 : i32
        %add3A_708 = arith.addi %mul3A_699, %add3A_707 : i32
        %dma_start3A_709 = arith.constant 96 : i32
        %dma_start3A_710 = arith.constant 0 : i32
        %dma_start3A_711 = tpu.memref_slice %arg7[%dma_start3A_709, %dma_start3A_710] : memref<200x128xf32, #tpu.memory_space<vmem>> -> memref<104x128xf32, #tpu.memory_space<vmem>>
        %dma_start3A_712 = tpu.memref_slice %arg5[%add3A_708] : memref<25600xi32, #tpu.memory_space<vmem>> -> memref<104xi32, #tpu.memory_space<vmem>>
        %dma_start3A_713 = arith.constant 0 : i32
        %dma_start3A_714 = arith.constant 0 : i32
        %dma_start3A_715 = tpu.memref_slice %arg3[%dma_start3A_713, %dma_start3A_714] : memref<503808x128xf32, #tpu.memory_space<hbm>> -> memref<503808x128xf32, #tpu.memory_space<hbm>>
        tpu.enqueue_indirect_dma source(%dma_start3A_715 : memref<503808x128xf32, #tpu.memory_space<hbm>>) target(%dma_start3A_711 : memref<104x128xf32, #tpu.memory_space<vmem>>) offsets(%dma_start3A_712 : memref<104xi32, #tpu.memory_space<vmem>>) semaphore(%arg10 : memref<!tpu.dma_semaphore, #tpu.memory_space<semaphore_mem>>)
      } else {
      }
      %dma_wait3A_368 = arith.constant 0 : i32
      %dma_wait3A_369 = arith.constant 0 : i32
      %dma_wait3A_370 = tpu.memref_slice %arg3[%dma_wait3A_368, %dma_wait3A_369] : memref<503808x128xf32, #tpu.memory_space<hbm>> -> memref<200x128xf32, #tpu.memory_space<hbm>>
      %dma_wait3A_371 = arith.constant 0 : i32
      %dma_wait3A_372 = arith.constant 0 : i32
      %dma_wait3A_373 = tpu.memref_slice %arg3[%dma_wait3A_371, %dma_wait3A_372] : memref<503808x128xf32, #tpu.memory_space<hbm>> -> memref<200x128xf32, #tpu.memory_space<hbm>>
      tpu.wait_dma2 semaphore(%arg11 : memref<!tpu.dma_semaphore, #tpu.memory_space<semaphore_mem>>) src(%dma_wait3A_373 : memref<200x128xf32, #tpu.memory_space<hbm>>) dst(%arg8 : memref<200x128xf32, #tpu.memory_space<vmem>>)
      %add3A_374 = arith.constant 1 : i32
      %add3A_375 = arith.addi %mul3A_38, %add3A_374 : i32
      %broadcast_in_dim3A_376 = arith.constant 0.000000e+00 : f32
      %broadcast_in_dim3A_377 = vector.broadcast %broadcast_in_dim3A_376 : f32 to vector<16xf32>
      %mul3A_378 = arith.constant 200 : i32
      %mul3A_379 = arith.muli %add3A_375, %mul3A_378 : i32
      %scan3A_380 = arith.constant 0 : i32
      %scan3A_381 = arith.constant 12 : i32
      %scan3A_382 = arith.addi %scan3A_380, %scan3A_381 : i32
      %scan3A_383 = arith.constant 1 : i32
      %scan3A_384:4 = scf.for %scan3A_696 = %scan3A_380 to %scan3A_382 step %scan3A_383 iter_args(%scan3A_697 = %broadcast_in_dim3A_377, %scan3A_698 = %broadcast_in_dim3A_377, %scan3A_699 = %broadcast_in_dim3A_377, %scan3A_700 = %broadcast_in_dim3A_377) -> (vector<16xf32>, vector<16xf32>, vector<16xf32>, vector<16xf32>)  : i32 {
        %mul3A_701 = arith.constant 16 : i32
        %mul3A_702 = arith.muli %scan3A_696, %mul3A_701 : i32
        %add3A_703 = arith.addi %mul3A_379, %mul3A_702 : i32
        %get3A_704 = arith.index_cast %add3A_703 : i32 to index
        %get3A_705 = tpu.vector_load %arg6[%get3A_704] {strides = array<i32>} : memref<25616xi32, #tpu.memory_space<vmem>>, vector<16xi32>,
        %get3A_706 = vector.shape_cast %get3A_705 : vector<16xi32> to vector<16xi32>
        %and3A_707 = arith.constant 1 : i32
        %and3A_708 = vector.broadcast %and3A_707 : i32 to vector<16xi32>
        %and3A_709 = arith.andi %get3A_706, %and3A_708 : vector<16xi32>
        %mul3A_710 = arith.constant 64 : i32
        %mul3A_711 = vector.broadcast %mul3A_710 : i32 to vector<16xi32>
        %mul3A_712 = arith.muli %and3A_709, %mul3A_711 : vector<16xi32>
        %mul3A_713 = arith.constant 16 : i32
        %mul3A_714 = arith.muli %scan3A_696, %mul3A_713 : i32
        %add3A_715 = arith.constant 0 : i32
        %add3A_716 = arith.addi %mul3A_714, %add3A_715 : i32
        %slice3A_717 = vector.extract_strided_slice %mul3A_712 {offsets = [0], sizes = [1], strides = [1]} : vector<16xi32> to vector<1xi32>
        %squeeze3A_718 = vector.extract %slice3A_717[0] : i32 from vector<1xi32>
        %add3A_719 = arith.constant 0 : i32
        %add3A_720 = arith.addi %squeeze3A_718, %add3A_719 : i32
        %get3A_721 = arith.index_cast %add3A_716 : i32 to index
        %get3A_722 = arith.index_cast %add3A_720 : i32 to index
        %get3A_723 = tpu.vector_load %arg8[%get3A_721, %get3A_722] {strides = array<i32>} : memref<200x128xf32, #tpu.memory_space<vmem>>, vector<1x16xf32>,
        %get3A_724 = vector.shape_cast %get3A_723 : vector<1x16xf32> to vector<16xf32>
        %add3A_725 = arith.addf %scan3A_697, %get3A_724 : vector<16xf32>
        %add3A_726 = arith.constant 16 : i32
        %add3A_727 = arith.addi %squeeze3A_718, %add3A_726 : i32
        %get3A_728 = arith.index_cast %add3A_716 : i32 to index
        %get3A_729 = arith.index_cast %add3A_727 : i32 to index
        %get3A_730 = tpu.vector_load %arg8[%get3A_728, %get3A_729] {strides = array<i32>} : memref<200x128xf32, #tpu.memory_space<vmem>>, vector<1x16xf32>,
        %get3A_731 = vector.shape_cast %get3A_730 : vector<1x16xf32> to vector<16xf32>
        %add3A_732 = arith.addf %scan3A_698, %get3A_731 : vector<16xf32>
        %add3A_733 = arith.constant 32 : i32
        %add3A_734 = arith.addi %squeeze3A_718, %add3A_733 : i32
        %get3A_735 = arith.index_cast %add3A_716 : i32 to index
        %get3A_736 = arith.index_cast %add3A_734 : i32 to index
        %get3A_737 = tpu.vector_load %arg8[%get3A_735, %get3A_736] {strides = array<i32>} : memref<200x128xf32, #tpu.memory_space<vmem>>, vector<1x16xf32>,
        %get3A_738 = vector.shape_cast %get3A_737 : vector<1x16xf32> to vector<16xf32>
        %add3A_739 = arith.addf %scan3A_699, %get3A_738 : vector<16xf32>
        %add3A_740 = arith.constant 48 : i32
        %add3A_741 = arith.addi %squeeze3A_718, %add3A_740 : i32
        %get3A_742 = arith.index_cast %add3A_716 : i32 to index
        %get3A_743 = arith.index_cast %add3A_741 : i32 to index
        %get3A_744 = tpu.vector_load %arg8[%get3A_742, %get3A_743] {strides = array<i32>} : memref<200x128xf32, #tpu.memory_space<vmem>>, vector<1x16xf32>,
        %get3A_745 = vector.shape_cast %get3A_744 : vector<1x16xf32> to vector<16xf32>
        %add3A_746 = arith.addf %scan3A_700, %get3A_745 : vector<16xf32>
        %add3A_747 = arith.constant 1 : i32
        %add3A_748 = arith.addi %mul3A_714, %add3A_747 : i32
        %slice3A_749 = vector.extract_strided_slice %mul3A_712 {offsets = [1], sizes = [1], strides = [1]} : vector<16xi32> to vector<1xi32>
        %squeeze3A_750 = vector.extract %slice3A_749[0] : i32 from vector<1xi32>
        %add3A_751 = arith.constant 0 : i32
        %add3A_752 = arith.addi %squeeze3A_750, %add3A_751 : i32
        %get3A_753 = arith.index_cast %add3A_748 : i32 to index
        %get3A_754 = arith.index_cast %add3A_752 : i32 to index
        %get3A_755 = tpu.vector_load %arg8[%get3A_753, %get3A_754] {strides = array<i32>} : memref<200x128xf32, #tpu.memory_space<vmem>>, vector<1x16xf32>,
        %get3A_756 = vector.shape_cast %get3A_755 : vector<1x16xf32> to vector<16xf32>
        %add3A_757 = arith.addf %add3A_725, %get3A_756 : vector<16xf32>
        %add3A_758 = arith.constant 16 : i32
        %add3A_759 = arith.addi %squeeze3A_750, %add3A_758 : i32
        %get3A_760 = arith.index_cast %add3A_748 : i32 to index
        %get3A_761 = arith.index_cast %add3A_759 : i32 to index
        %get3A_762 = tpu.vector_load %arg8[%get3A_760, %get3A_761] {strides = array<i32>} : memref<200x128xf32, #tpu.memory_space<vmem>>, vector<1x16xf32>,
        %get3A_763 = vector.shape_cast %get3A_762 : vector<1x16xf32> to vector<16xf32>
        %add3A_764 = arith.addf %add3A_732, %get3A_763 : vector<16xf32>
        %add3A_765 = arith.constant 32 : i32
        %add3A_766 = arith.addi %squeeze3A_750, %add3A_765 : i32
        %get3A_767 = arith.index_cast %add3A_748 : i32 to index
        %get3A_768 = arith.index_cast %add3A_766 : i32 to index
        %get3A_769 = tpu.vector_load %arg8[%get3A_767, %get3A_768] {strides = array<i32>} : memref<200x128xf32, #tpu.memory_space<vmem>>, vector<1x16xf32>,
        %get3A_770 = vector.shape_cast %get3A_769 : vector<1x16xf32> to vector<16xf32>
        %add3A_771 = arith.addf %add3A_739, %get3A_770 : vector<16xf32>
        %add3A_772 = arith.constant 48 : i32
        %add3A_773 = arith.addi %squeeze3A_750, %add3A_772 : i32
        %get3A_774 = arith.index_cast %add3A_748 : i32 to index
        %get3A_775 = arith.index_cast %add3A_773 : i32 to index
        %get3A_776 = tpu.vector_load %arg8[%get3A_774, %get3A_775] {strides = array<i32>} : memref<200x128xf32, #tpu.memory_space<vmem>>, vector<1x16xf32>,
        %get3A_777 = vector.shape_cast %get3A_776 : vector<1x16xf32> to vector<16xf32>
        %add3A_778 = arith.addf %add3A_746, %get3A_777 : vector<16xf32>
        %add3A_779 = arith.constant 2 : i32
        %add3A_780 = arith.addi %mul3A_714, %add3A_779 : i32
        %slice3A_781 = vector.extract_strided_slice %mul3A_712 {offsets = [2], sizes = [1], strides = [1]} : vector<16xi32> to vector<1xi32>
        %squeeze3A_782 = vector.extract %slice3A_781[0] : i32 from vector<1xi32>
        %add3A_783 = arith.constant 0 : i32
        %add3A_784 = arith.addi %squeeze3A_782, %add3A_783 : i32
        %get3A_785 = arith.index_cast %add3A_780 : i32 to index
        %get3A_786 = arith.index_cast %add3A_784 : i32 to index
        %get3A_787 = tpu.vector_load %arg8[%get3A_785, %get3A_786] {strides = array<i32>} : memref<200x128xf32, #tpu.memory_space<vmem>>, vector<1x16xf32>,
        %get3A_788 = vector.shape_cast %get3A_787 : vector<1x16xf32> to vector<16xf32>
        %add3A_789 = arith.addf %add3A_757, %get3A_788 : vector<16xf32>
        %add3A_790 = arith.constant 16 : i32
        %add3A_791 = arith.addi %squeeze3A_782, %add3A_790 : i32
        %get3A_792 = arith.index_cast %add3A_780 : i32 to index
        %get3A_793 = arith.index_cast %add3A_791 : i32 to index
        %get3A_794 = tpu.vector_load %arg8[%get3A_792, %get3A_793] {strides = array<i32>} : memref<200x128xf32, #tpu.memory_space<vmem>>, vector<1x16xf32>,
        %get3A_795 = vector.shape_cast %get3A_794 : vector<1x16xf32> to vector<16xf32>
        %add3A_796 = arith.addf %add3A_764, %get3A_795 : vector<16xf32>
        %add3A_797 = arith.constant 32 : i32
        %add3A_798 = arith.addi %squeeze3A_782, %add3A_797 : i32
        %get3A_799 = arith.index_cast %add3A_780 : i32 to index
        %get3A_800 = arith.index_cast %add3A_798 : i32 to index
        %get3A_801 = tpu.vector_load %arg8[%get3A_799, %get3A_800] {strides = array<i32>} : memref<200x128xf32, #tpu.memory_space<vmem>>, vector<1x16xf32>,
        %get3A_802 = vector.shape_cast %get3A_801 : vector<1x16xf32> to vector<16xf32>
        %add3A_803 = arith.addf %add3A_771, %get3A_802 : vector<16xf32>
        %add3A_804 = arith.constant 48 : i32
        %add3A_805 = arith.addi %squeeze3A_782, %add3A_804 : i32
        %get3A_806 = arith.index_cast %add3A_780 : i32 to index
        %get3A_807 = arith.index_cast %add3A_805 : i32 to index
        %get3A_808 = tpu.vector_load %arg8[%get3A_806, %get3A_807] {strides = array<i32>} : memref<200x128xf32, #tpu.memory_space<vmem>>, vector<1x16xf32>,
        %get3A_809 = vector.shape_cast %get3A_808 : vector<1x16xf32> to vector<16xf32>
        %add3A_810 = arith.addf %add3A_778, %get3A_809 : vector<16xf32>
        %add3A_811 = arith.constant 3 : i32
        %add3A_812 = arith.addi %mul3A_714, %add3A_811 : i32
        %slice3A_813 = vector.extract_strided_slice %mul3A_712 {offsets = [3], sizes = [1], strides = [1]} : vector<16xi32> to vector<1xi32>
        %squeeze3A_814 = vector.extract %slice3A_813[0] : i32 from vector<1xi32>
        %add3A_815 = arith.constant 0 : i32
        %add3A_816 = arith.addi %squeeze3A_814, %add3A_815 : i32
        %get3A_817 = arith.index_cast %add3A_812 : i32 to index
        %get3A_818 = arith.index_cast %add3A_816 : i32 to index
        %get3A_819 = tpu.vector_load %arg8[%get3A_817, %get3A_818] {strides = array<i32>} : memref<200x128xf32, #tpu.memory_space<vmem>>, vector<1x16xf32>,
        %get3A_820 = vector.shape_cast %get3A_819 : vector<1x16xf32> to vector<16xf32>
        %add3A_821 = arith.addf %add3A_789, %get3A_820 : vector<16xf32>
        %add3A_822 = arith.constant 16 : i32
        %add3A_823 = arith.addi %squeeze3A_814, %add3A_822 : i32
        %get3A_824 = arith.index_cast %add3A_812 : i32 to index
        %get3A_825 = arith.index_cast %add3A_823 : i32 to index
        %get3A_826 = tpu.vector_load %arg8[%get3A_824, %get3A_825] {strides = array<i32>} : memref<200x128xf32, #tpu.memory_space<vmem>>, vector<1x16xf32>,
        %get3A_827 = vector.shape_cast %get3A_826 : vector<1x16xf32> to vector<16xf32>
        %add3A_828 = arith.addf %add3A_796, %get3A_827 : vector<16xf32>
        %add3A_829 = arith.constant 32 : i32
        %add3A_830 = arith.addi %squeeze3A_814, %add3A_829 : i32
        %get3A_831 = arith.index_cast %add3A_812 : i32 to index
        %get3A_832 = arith.index_cast %add3A_830 : i32 to index
        %get3A_833 = tpu.vector_load %arg8[%get3A_831, %get3A_832] {strides = array<i32>} : memref<200x128xf32, #tpu.memory_space<vmem>>, vector<1x16xf32>,
        %get3A_834 = vector.shape_cast %get3A_833 : vector<1x16xf32> to vector<16xf32>
        %add3A_835 = arith.addf %add3A_803, %get3A_834 : vector<16xf32>
        %add3A_836 = arith.constant 48 : i32
        %add3A_837 = arith.addi %squeeze3A_814, %add3A_836 : i32
        %get3A_838 = arith.index_cast %add3A_812 : i32 to index
        %get3A_839 = arith.index_cast %add3A_837 : i32 to index
        %get3A_840 = tpu.vector_load %arg8[%get3A_838, %get3A_839] {strides = array<i32>} : memref<200x128xf32, #tpu.memory_space<vmem>>, vector<1x16xf32>,
        %get3A_841 = vector.shape_cast %get3A_840 : vector<1x16xf32> to vector<16xf32>
        %add3A_842 = arith.addf %add3A_810, %get3A_841 : vector<16xf32>
        %add3A_843 = arith.constant 4 : i32
        %add3A_844 = arith.addi %mul3A_714, %add3A_843 : i32
        %slice3A_845 = vector.extract_strided_slice %mul3A_712 {offsets = [4], sizes = [1], strides = [1]} : vector<16xi32> to vector<1xi32>
        %squeeze3A_846 = vector.extract %slice3A_845[0] : i32 from vector<1xi32>
        %add3A_847 = arith.constant 0 : i32
        %add3A_848 = arith.addi %squeeze3A_846, %add3A_847 : i32
        %get3A_849 = arith.index_cast %add3A_844 : i32 to index
        %get3A_850 = arith.index_cast %add3A_848 : i32 to index
        %get3A_851 = tpu.vector_load %arg8[%get3A_849, %get3A_850] {strides = array<i32>} : memref<200x128xf32, #tpu.memory_space<vmem>>, vector<1x16xf32>,
        %get3A_852 = vector.shape_cast %get3A_851 : vector<1x16xf32> to vector<16xf32>
        %add3A_853 = arith.addf %add3A_821, %get3A_852 : vector<16xf32>
        %add3A_854 = arith.constant 16 : i32
        %add3A_855 = arith.addi %squeeze3A_846, %add3A_854 : i32
        %get3A_856 = arith.index_cast %add3A_844 : i32 to index
        %get3A_857 = arith.index_cast %add3A_855 : i32 to index
        %get3A_858 = tpu.vector_load %arg8[%get3A_856, %get3A_857] {strides = array<i32>} : memref<200x128xf32, #tpu.memory_space<vmem>>, vector<1x16xf32>,
        %get3A_859 = vector.shape_cast %get3A_858 : vector<1x16xf32> to vector<16xf32>
        %add3A_860 = arith.addf %add3A_828, %get3A_859 : vector<16xf32>
        %add3A_861 = arith.constant 32 : i32
        %add3A_862 = arith.addi %squeeze3A_846, %add3A_861 : i32
        %get3A_863 = arith.index_cast %add3A_844 : i32 to index
        %get3A_864 = arith.index_cast %add3A_862 : i32 to index
        %get3A_865 = tpu.vector_load %arg8[%get3A_863, %get3A_864] {strides = array<i32>} : memref<200x128xf32, #tpu.memory_space<vmem>>, vector<1x16xf32>,
        %get3A_866 = vector.shape_cast %get3A_865 : vector<1x16xf32> to vector<16xf32>
        %add3A_867 = arith.addf %add3A_835, %get3A_866 : vector<16xf32>
        %add3A_868 = arith.constant 48 : i32
        %add3A_869 = arith.addi %squeeze3A_846, %add3A_868 : i32
        %get3A_870 = arith.index_cast %add3A_844 : i32 to index
        %get3A_871 = arith.index_cast %add3A_869 : i32 to index
        %get3A_872 = tpu.vector_load %arg8[%get3A_870, %get3A_871] {strides = array<i32>} : memref<200x128xf32, #tpu.memory_space<vmem>>, vector<1x16xf32>,
        %get3A_873 = vector.shape_cast %get3A_872 : vector<1x16xf32> to vector<16xf32>
        %add3A_874 = arith.addf %add3A_842, %get3A_873 : vector<16xf32>
        %add3A_875 = arith.constant 5 : i32
        %add3A_876 = arith.addi %mul3A_714, %add3A_875 : i32
        %slice3A_877 = vector.extract_strided_slice %mul3A_712 {offsets = [5], sizes = [1], strides = [1]} : vector<16xi32> to vector<1xi32>
        %squeeze3A_878 = vector.extract %slice3A_877[0] : i32 from vector<1xi32>
        %add3A_879 = arith.constant 0 : i32
        %add3A_880 = arith.addi %squeeze3A_878, %add3A_879 : i32
        %get3A_881 = arith.index_cast %add3A_876 : i32 to index
        %get3A_882 = arith.index_cast %add3A_880 : i32 to index
        %get3A_883 = tpu.vector_load %arg8[%get3A_881, %get3A_882] {strides = array<i32>} : memref<200x128xf32, #tpu.memory_space<vmem>>, vector<1x16xf32>,
        %get3A_884 = vector.shape_cast %get3A_883 : vector<1x16xf32> to vector<16xf32>
        %add3A_885 = arith.addf %add3A_853, %get3A_884 : vector<16xf32>
        %add3A_886 = arith.constant 16 : i32
        %add3A_887 = arith.addi %squeeze3A_878, %add3A_886 : i32
        %get3A_888 = arith.index_cast %add3A_876 : i32 to index
        %get3A_889 = arith.index_cast %add3A_887 : i32 to index
        %get3A_890 = tpu.vector_load %arg8[%get3A_888, %get3A_889] {strides = array<i32>} : memref<200x128xf32, #tpu.memory_space<vmem>>, vector<1x16xf32>,
        %get3A_891 = vector.shape_cast %get3A_890 : vector<1x16xf32> to vector<16xf32>
        %add3A_892 = arith.addf %add3A_860, %get3A_891 : vector<16xf32>
        %add3A_893 = arith.constant 32 : i32
        %add3A_894 = arith.addi %squeeze3A_878, %add3A_893 : i32
        %get3A_895 = arith.index_cast %add3A_876 : i32 to index
        %get3A_896 = arith.index_cast %add3A_894 : i32 to index
        %get3A_897 = tpu.vector_load %arg8[%get3A_895, %get3A_896] {strides = array<i32>} : memref<200x128xf32, #tpu.memory_space<vmem>>, vector<1x16xf32>,
        %get3A_898 = vector.shape_cast %get3A_897 : vector<1x16xf32> to vector<16xf32>
        %add3A_899 = arith.addf %add3A_867, %get3A_898 : vector<16xf32>
        %add3A_900 = arith.constant 48 : i32
        %add3A_901 = arith.addi %squeeze3A_878, %add3A_900 : i32
        %get3A_902 = arith.index_cast %add3A_876 : i32 to index
        %get3A_903 = arith.index_cast %add3A_901 : i32 to index
        %get3A_904 = tpu.vector_load %arg8[%get3A_902, %get3A_903] {strides = array<i32>} : memref<200x128xf32, #tpu.memory_space<vmem>>, vector<1x16xf32>,
        %get3A_905 = vector.shape_cast %get3A_904 : vector<1x16xf32> to vector<16xf32>
        %add3A_906 = arith.addf %add3A_874, %get3A_905 : vector<16xf32>
        %add3A_907 = arith.constant 6 : i32
        %add3A_908 = arith.addi %mul3A_714, %add3A_907 : i32
        %slice3A_909 = vector.extract_strided_slice %mul3A_712 {offsets = [6], sizes = [1], strides = [1]} : vector<16xi32> to vector<1xi32>
        %squeeze3A_910 = vector.extract %slice3A_909[0] : i32 from vector<1xi32>
        %add3A_911 = arith.constant 0 : i32
        %add3A_912 = arith.addi %squeeze3A_910, %add3A_911 : i32
        %get3A_913 = arith.index_cast %add3A_908 : i32 to index
        %get3A_914 = arith.index_cast %add3A_912 : i32 to index
        %get3A_915 = tpu.vector_load %arg8[%get3A_913, %get3A_914] {strides = array<i32>} : memref<200x128xf32, #tpu.memory_space<vmem>>, vector<1x16xf32>,
        %get3A_916 = vector.shape_cast %get3A_915 : vector<1x16xf32> to vector<16xf32>
        %add3A_917 = arith.addf %add3A_885, %get3A_916 : vector<16xf32>
        %add3A_918 = arith.constant 16 : i32
        %add3A_919 = arith.addi %squeeze3A_910, %add3A_918 : i32
        %get3A_920 = arith.index_cast %add3A_908 : i32 to index
        %get3A_921 = arith.index_cast %add3A_919 : i32 to index
        %get3A_922 = tpu.vector_load %arg8[%get3A_920, %get3A_921] {strides = array<i32>} : memref<200x128xf32, #tpu.memory_space<vmem>>, vector<1x16xf32>,
        %get3A_923 = vector.shape_cast %get3A_922 : vector<1x16xf32> to vector<16xf32>
        %add3A_924 = arith.addf %add3A_892, %get3A_923 : vector<16xf32>
        %add3A_925 = arith.constant 32 : i32
        %add3A_926 = arith.addi %squeeze3A_910, %add3A_925 : i32
        %get3A_927 = arith.index_cast %add3A_908 : i32 to index
        %get3A_928 = arith.index_cast %add3A_926 : i32 to index
        %get3A_929 = tpu.vector_load %arg8[%get3A_927, %get3A_928] {strides = array<i32>} : memref<200x128xf32, #tpu.memory_space<vmem>>, vector<1x16xf32>,
        %get3A_930 = vector.shape_cast %get3A_929 : vector<1x16xf32> to vector<16xf32>
        %add3A_931 = arith.addf %add3A_899, %get3A_930 : vector<16xf32>
        %add3A_932 = arith.constant 48 : i32
        %add3A_933 = arith.addi %squeeze3A_910, %add3A_932 : i32
        %get3A_934 = arith.index_cast %add3A_908 : i32 to index
        %get3A_935 = arith.index_cast %add3A_933 : i32 to index
        %get3A_936 = tpu.vector_load %arg8[%get3A_934, %get3A_935] {strides = array<i32>} : memref<200x128xf32, #tpu.memory_space<vmem>>, vector<1x16xf32>,
        %get3A_937 = vector.shape_cast %get3A_936 : vector<1x16xf32> to vector<16xf32>
        %add3A_938 = arith.addf %add3A_906, %get3A_937 : vector<16xf32>
        %add3A_939 = arith.constant 7 : i32
        %add3A_940 = arith.addi %mul3A_714, %add3A_939 : i32
        %slice3A_941 = vector.extract_strided_slice %mul3A_712 {offsets = [7], sizes = [1], strides = [1]} : vector<16xi32> to vector<1xi32>
        %squeeze3A_942 = vector.extract %slice3A_941[0] : i32 from vector<1xi32>
        %add3A_943 = arith.constant 0 : i32
        %add3A_944 = arith.addi %squeeze3A_942, %add3A_943 : i32
        %get3A_945 = arith.index_cast %add3A_940 : i32 to index
        %get3A_946 = arith.index_cast %add3A_944 : i32 to index
        %get3A_947 = tpu.vector_load %arg8[%get3A_945, %get3A_946] {strides = array<i32>} : memref<200x128xf32, #tpu.memory_space<vmem>>, vector<1x16xf32>,
        %get3A_948 = vector.shape_cast %get3A_947 : vector<1x16xf32> to vector<16xf32>
        %add3A_949 = arith.addf %add3A_917, %get3A_948 : vector<16xf32>
        %add3A_950 = arith.constant 16 : i32
        %add3A_951 = arith.addi %squeeze3A_942, %add3A_950 : i32
        %get3A_952 = arith.index_cast %add3A_940 : i32 to index
        %get3A_953 = arith.index_cast %add3A_951 : i32 to index
        %get3A_954 = tpu.vector_load %arg8[%get3A_952, %get3A_953] {strides = array<i32>} : memref<200x128xf32, #tpu.memory_space<vmem>>, vector<1x16xf32>,
        %get3A_955 = vector.shape_cast %get3A_954 : vector<1x16xf32> to vector<16xf32>
        %add3A_956 = arith.addf %add3A_924, %get3A_955 : vector<16xf32>
        %add3A_957 = arith.constant 32 : i32
        %add3A_958 = arith.addi %squeeze3A_942, %add3A_957 : i32
        %get3A_959 = arith.index_cast %add3A_940 : i32 to index
        %get3A_960 = arith.index_cast %add3A_958 : i32 to index
        %get3A_961 = tpu.vector_load %arg8[%get3A_959, %get3A_960] {strides = array<i32>} : memref<200x128xf32, #tpu.memory_space<vmem>>, vector<1x16xf32>,
        %get3A_962 = vector.shape_cast %get3A_961 : vector<1x16xf32> to vector<16xf32>
        %add3A_963 = arith.addf %add3A_931, %get3A_962 : vector<16xf32>
        %add3A_964 = arith.constant 48 : i32
        %add3A_965 = arith.addi %squeeze3A_942, %add3A_964 : i32
        %get3A_966 = arith.index_cast %add3A_940 : i32 to index
        %get3A_967 = arith.index_cast %add3A_965 : i32 to index
        %get3A_968 = tpu.vector_load %arg8[%get3A_966, %get3A_967] {strides = array<i32>} : memref<200x128xf32, #tpu.memory_space<vmem>>, vector<1x16xf32>,
        %get3A_969 = vector.shape_cast %get3A_968 : vector<1x16xf32> to vector<16xf32>
        %add3A_970 = arith.addf %add3A_938, %get3A_969 : vector<16xf32>
        %add3A_971 = arith.constant 8 : i32
        %add3A_972 = arith.addi %mul3A_714, %add3A_971 : i32
        %slice3A_973 = vector.extract_strided_slice %mul3A_712 {offsets = [8], sizes = [1], strides = [1]} : vector<16xi32> to vector<1xi32>
        %squeeze3A_974 = vector.extract %slice3A_973[0] : i32 from vector<1xi32>
        %add3A_975 = arith.constant 0 : i32
        %add3A_976 = arith.addi %squeeze3A_974, %add3A_975 : i32
        %get3A_977 = arith.index_cast %add3A_972 : i32 to index
        %get3A_978 = arith.index_cast %add3A_976 : i32 to index
        %get3A_979 = tpu.vector_load %arg8[%get3A_977, %get3A_978] {strides = array<i32>} : memref<200x128xf32, #tpu.memory_space<vmem>>, vector<1x16xf32>,
        %get3A_980 = vector.shape_cast %get3A_979 : vector<1x16xf32> to vector<16xf32>
        %add3A_981 = arith.addf %add3A_949, %get3A_980 : vector<16xf32>
        %add3A_982 = arith.constant 16 : i32
        %add3A_983 = arith.addi %squeeze3A_974, %add3A_982 : i32
        %get3A_984 = arith.index_cast %add3A_972 : i32 to index
        %get3A_985 = arith.index_cast %add3A_983 : i32 to index
        %get3A_986 = tpu.vector_load %arg8[%get3A_984, %get3A_985] {strides = array<i32>} : memref<200x128xf32, #tpu.memory_space<vmem>>, vector<1x16xf32>,
        %get3A_987 = vector.shape_cast %get3A_986 : vector<1x16xf32> to vector<16xf32>
        %add3A_988 = arith.addf %add3A_956, %get3A_987 : vector<16xf32>
        %add3A_989 = arith.constant 32 : i32
        %add3A_990 = arith.addi %squeeze3A_974, %add3A_989 : i32
        %get3A_991 = arith.index_cast %add3A_972 : i32 to index
        %get3A_992 = arith.index_cast %add3A_990 : i32 to index
        %get3A_993 = tpu.vector_load %arg8[%get3A_991, %get3A_992] {strides = array<i32>} : memref<200x128xf32, #tpu.memory_space<vmem>>, vector<1x16xf32>,
        %get3A_994 = vector.shape_cast %get3A_993 : vector<1x16xf32> to vector<16xf32>
        %add3A_995 = arith.addf %add3A_963, %get3A_994 : vector<16xf32>
        %add3A_996 = arith.constant 48 : i32
        %add3A_997 = arith.addi %squeeze3A_974, %add3A_996 : i32
        %get3A_998 = arith.index_cast %add3A_972 : i32 to index
        %get3A_999 = arith.index_cast %add3A_997 : i32 to index
        %get3A_1000 = tpu.vector_load %arg8[%get3A_998, %get3A_999] {strides = array<i32>} : memref<200x128xf32, #tpu.memory_space<vmem>>, vector<1x16xf32>,
        %get3A_1001 = vector.shape_cast %get3A_1000 : vector<1x16xf32> to vector<16xf32>
        %add3A_1002 = arith.addf %add3A_970, %get3A_1001 : vector<16xf32>
        %add3A_1003 = arith.constant 9 : i32
        %add3A_1004 = arith.addi %mul3A_714, %add3A_1003 : i32
        %slice3A_1005 = vector.extract_strided_slice %mul3A_712 {offsets = [9], sizes = [1], strides = [1]} : vector<16xi32> to vector<1xi32>
        %squeeze3A_1006 = vector.extract %slice3A_1005[0] : i32 from vector<1xi32>
        %add3A_1007 = arith.constant 0 : i32
        %add3A_1008 = arith.addi %squeeze3A_1006, %add3A_1007 : i32
        %get3A_1009 = arith.index_cast %add3A_1004 : i32 to index
        %get3A_1010 = arith.index_cast %add3A_1008 : i32 to index
        %get3A_1011 = tpu.vector_load %arg8[%get3A_1009, %get3A_1010] {strides = array<i32>} : memref<200x128xf32, #tpu.memory_space<vmem>>, vector<1x16xf32>,
        %get3A_1012 = vector.shape_cast %get3A_1011 : vector<1x16xf32> to vector<16xf32>
        %add3A_1013 = arith.addf %add3A_981, %get3A_1012 : vector<16xf32>
        %add3A_1014 = arith.constant 16 : i32
        %add3A_1015 = arith.addi %squeeze3A_1006, %add3A_1014 : i32
        %get3A_1016 = arith.index_cast %add3A_1004 : i32 to index
        %get3A_1017 = arith.index_cast %add3A_1015 : i32 to index
        %get3A_1018 = tpu.vector_load %arg8[%get3A_1016, %get3A_1017] {strides = array<i32>} : memref<200x128xf32, #tpu.memory_space<vmem>>, vector<1x16xf32>,
        %get3A_1019 = vector.shape_cast %get3A_1018 : vector<1x16xf32> to vector<16xf32>
        %add3A_1020 = arith.addf %add3A_988, %get3A_1019 : vector<16xf32>
        %add3A_1021 = arith.constant 32 : i32
        %add3A_1022 = arith.addi %squeeze3A_1006, %add3A_1021 : i32
        %get3A_1023 = arith.index_cast %add3A_1004 : i32 to index
        %get3A_1024 = arith.index_cast %add3A_1022 : i32 to index
        %get3A_1025 = tpu.vector_load %arg8[%get3A_1023, %get3A_1024] {strides = array<i32>} : memref<200x128xf32, #tpu.memory_space<vmem>>, vector<1x16xf32>,
        %get3A_1026 = vector.shape_cast %get3A_1025 : vector<1x16xf32> to vector<16xf32>
        %add3A_1027 = arith.addf %add3A_995, %get3A_1026 : vector<16xf32>
        %add3A_1028 = arith.constant 48 : i32
        %add3A_1029 = arith.addi %squeeze3A_1006, %add3A_1028 : i32
        %get3A_1030 = arith.index_cast %add3A_1004 : i32 to index
        %get3A_1031 = arith.index_cast %add3A_1029 : i32 to index
        %get3A_1032 = tpu.vector_load %arg8[%get3A_1030, %get3A_1031] {strides = array<i32>} : memref<200x128xf32, #tpu.memory_space<vmem>>, vector<1x16xf32>,
        %get3A_1033 = vector.shape_cast %get3A_1032 : vector<1x16xf32> to vector<16xf32>
        %add3A_1034 = arith.addf %add3A_1002, %get3A_1033 : vector<16xf32>
        %add3A_1035 = arith.constant 10 : i32
        %add3A_1036 = arith.addi %mul3A_714, %add3A_1035 : i32
        %slice3A_1037 = vector.extract_strided_slice %mul3A_712 {offsets = [10], sizes = [1], strides = [1]} : vector<16xi32> to vector<1xi32>
        %squeeze3A_1038 = vector.extract %slice3A_1037[0] : i32 from vector<1xi32>
        %add3A_1039 = arith.constant 0 : i32
        %add3A_1040 = arith.addi %squeeze3A_1038, %add3A_1039 : i32
        %get3A_1041 = arith.index_cast %add3A_1036 : i32 to index
        %get3A_1042 = arith.index_cast %add3A_1040 : i32 to index
        %get3A_1043 = tpu.vector_load %arg8[%get3A_1041, %get3A_1042] {strides = array<i32>} : memref<200x128xf32, #tpu.memory_space<vmem>>, vector<1x16xf32>,
        %get3A_1044 = vector.shape_cast %get3A_1043 : vector<1x16xf32> to vector<16xf32>
        %add3A_1045 = arith.addf %add3A_1013, %get3A_1044 : vector<16xf32>
        %add3A_1046 = arith.constant 16 : i32
        %add3A_1047 = arith.addi %squeeze3A_1038, %add3A_1046 : i32
        %get3A_1048 = arith.index_cast %add3A_1036 : i32 to index
        %get3A_1049 = arith.index_cast %add3A_1047 : i32 to index
        %get3A_1050 = tpu.vector_load %arg8[%get3A_1048, %get3A_1049] {strides = array<i32>} : memref<200x128xf32, #tpu.memory_space<vmem>>, vector<1x16xf32>,
        %get3A_1051 = vector.shape_cast %get3A_1050 : vector<1x16xf32> to vector<16xf32>
        %add3A_1052 = arith.addf %add3A_1020, %get3A_1051 : vector<16xf32>
        %add3A_1053 = arith.constant 32 : i32
        %add3A_1054 = arith.addi %squeeze3A_1038, %add3A_1053 : i32
        %get3A_1055 = arith.index_cast %add3A_1036 : i32 to index
        %get3A_1056 = arith.index_cast %add3A_1054 : i32 to index
        %get3A_1057 = tpu.vector_load %arg8[%get3A_1055, %get3A_1056] {strides = array<i32>} : memref<200x128xf32, #tpu.memory_space<vmem>>, vector<1x16xf32>,
        %get3A_1058 = vector.shape_cast %get3A_1057 : vector<1x16xf32> to vector<16xf32>
        %add3A_1059 = arith.addf %add3A_1027, %get3A_1058 : vector<16xf32>
        %add3A_1060 = arith.constant 48 : i32
        %add3A_1061 = arith.addi %squeeze3A_1038, %add3A_1060 : i32
        %get3A_1062 = arith.index_cast %add3A_1036 : i32 to index
        %get3A_1063 = arith.index_cast %add3A_1061 : i32 to index
        %get3A_1064 = tpu.vector_load %arg8[%get3A_1062, %get3A_1063] {strides = array<i32>} : memref<200x128xf32, #tpu.memory_space<vmem>>, vector<1x16xf32>,
        %get3A_1065 = vector.shape_cast %get3A_1064 : vector<1x16xf32> to vector<16xf32>
        %add3A_1066 = arith.addf %add3A_1034, %get3A_1065 : vector<16xf32>
        %add3A_1067 = arith.constant 11 : i32
        %add3A_1068 = arith.addi %mul3A_714, %add3A_1067 : i32
        %slice3A_1069 = vector.extract_strided_slice %mul3A_712 {offsets = [11], sizes = [1], strides = [1]} : vector<16xi32> to vector<1xi32>
        %squeeze3A_1070 = vector.extract %slice3A_1069[0] : i32 from vector<1xi32>
        %add3A_1071 = arith.constant 0 : i32
        %add3A_1072 = arith.addi %squeeze3A_1070, %add3A_1071 : i32
        %get3A_1073 = arith.index_cast %add3A_1068 : i32 to index
        %get3A_1074 = arith.index_cast %add3A_1072 : i32 to index
        %get3A_1075 = tpu.vector_load %arg8[%get3A_1073, %get3A_1074] {strides = array<i32>} : memref<200x128xf32, #tpu.memory_space<vmem>>, vector<1x16xf32>,
        %get3A_1076 = vector.shape_cast %get3A_1075 : vector<1x16xf32> to vector<16xf32>
        %add3A_1077 = arith.addf %add3A_1045, %get3A_1076 : vector<16xf32>
        %add3A_1078 = arith.constant 16 : i32
        %add3A_1079 = arith.addi %squeeze3A_1070, %add3A_1078 : i32
        %get3A_1080 = arith.index_cast %add3A_1068 : i32 to index
        %get3A_1081 = arith.index_cast %add3A_1079 : i32 to index
        %get3A_1082 = tpu.vector_load %arg8[%get3A_1080, %get3A_1081] {strides = array<i32>} : memref<200x128xf32, #tpu.memory_space<vmem>>, vector<1x16xf32>,
        %get3A_1083 = vector.shape_cast %get3A_1082 : vector<1x16xf32> to vector<16xf32>
        %add3A_1084 = arith.addf %add3A_1052, %get3A_1083 : vector<16xf32>
        %add3A_1085 = arith.constant 32 : i32
        %add3A_1086 = arith.addi %squeeze3A_1070, %add3A_1085 : i32
        %get3A_1087 = arith.index_cast %add3A_1068 : i32 to index
        %get3A_1088 = arith.index_cast %add3A_1086 : i32 to index
        %get3A_1089 = tpu.vector_load %arg8[%get3A_1087, %get3A_1088] {strides = array<i32>} : memref<200x128xf32, #tpu.memory_space<vmem>>, vector<1x16xf32>,
        %get3A_1090 = vector.shape_cast %get3A_1089 : vector<1x16xf32> to vector<16xf32>
        %add3A_1091 = arith.addf %add3A_1059, %get3A_1090 : vector<16xf32>
        %add3A_1092 = arith.constant 48 : i32
        %add3A_1093 = arith.addi %squeeze3A_1070, %add3A_1092 : i32
        %get3A_1094 = arith.index_cast %add3A_1068 : i32 to index
        %get3A_1095 = arith.index_cast %add3A_1093 : i32 to index
        %get3A_1096 = tpu.vector_load %arg8[%get3A_1094, %get3A_1095] {strides = array<i32>} : memref<200x128xf32, #tpu.memory_space<vmem>>, vector<1x16xf32>,
        %get3A_1097 = vector.shape_cast %get3A_1096 : vector<1x16xf32> to vector<16xf32>
        %add3A_1098 = arith.addf %add3A_1066, %get3A_1097 : vector<16xf32>
        %add3A_1099 = arith.constant 12 : i32
        %add3A_1100 = arith.addi %mul3A_714, %add3A_1099 : i32
        %slice3A_1101 = vector.extract_strided_slice %mul3A_712 {offsets = [12], sizes = [1], strides = [1]} : vector<16xi32> to vector<1xi32>
        %squeeze3A_1102 = vector.extract %slice3A_1101[0] : i32 from vector<1xi32>
        %add3A_1103 = arith.constant 0 : i32
        %add3A_1104 = arith.addi %squeeze3A_1102, %add3A_1103 : i32
        %get3A_1105 = arith.index_cast %add3A_1100 : i32 to index
        %get3A_1106 = arith.index_cast %add3A_1104 : i32 to index
        %get3A_1107 = tpu.vector_load %arg8[%get3A_1105, %get3A_1106] {strides = array<i32>} : memref<200x128xf32, #tpu.memory_space<vmem>>, vector<1x16xf32>,
        %get3A_1108 = vector.shape_cast %get3A_1107 : vector<1x16xf32> to vector<16xf32>
        %add3A_1109 = arith.addf %add3A_1077, %get3A_1108 : vector<16xf32>
        %add3A_1110 = arith.constant 16 : i32
        %add3A_1111 = arith.addi %squeeze3A_1102, %add3A_1110 : i32
        %get3A_1112 = arith.index_cast %add3A_1100 : i32 to index
        %get3A_1113 = arith.index_cast %add3A_1111 : i32 to index
        %get3A_1114 = tpu.vector_load %arg8[%get3A_1112, %get3A_1113] {strides = array<i32>} : memref<200x128xf32, #tpu.memory_space<vmem>>, vector<1x16xf32>,
        %get3A_1115 = vector.shape_cast %get3A_1114 : vector<1x16xf32> to vector<16xf32>
        %add3A_1116 = arith.addf %add3A_1084, %get3A_1115 : vector<16xf32>
        %add3A_1117 = arith.constant 32 : i32
        %add3A_1118 = arith.addi %squeeze3A_1102, %add3A_1117 : i32
        %get3A_1119 = arith.index_cast %add3A_1100 : i32 to index
        %get3A_1120 = arith.index_cast %add3A_1118 : i32 to index
        %get3A_1121 = tpu.vector_load %arg8[%get3A_1119, %get3A_1120] {strides = array<i32>} : memref<200x128xf32, #tpu.memory_space<vmem>>, vector<1x16xf32>,
        %get3A_1122 = vector.shape_cast %get3A_1121 : vector<1x16xf32> to vector<16xf32>
        %add3A_1123 = arith.addf %add3A_1091, %get3A_1122 : vector<16xf32>
        %add3A_1124 = arith.constant 48 : i32
        %add3A_1125 = arith.addi %squeeze3A_1102, %add3A_1124 : i32
        %get3A_1126 = arith.index_cast %add3A_1100 : i32 to index
        %get3A_1127 = arith.index_cast %add3A_1125 : i32 to index
        %get3A_1128 = tpu.vector_load %arg8[%get3A_1126, %get3A_1127] {strides = array<i32>} : memref<200x128xf32, #tpu.memory_space<vmem>>, vector<1x16xf32>,
        %get3A_1129 = vector.shape_cast %get3A_1128 : vector<1x16xf32> to vector<16xf32>
        %add3A_1130 = arith.addf %add3A_1098, %get3A_1129 : vector<16xf32>
        %add3A_1131 = arith.constant 13 : i32
        %add3A_1132 = arith.addi %mul3A_714, %add3A_1131 : i32
        %slice3A_1133 = vector.extract_strided_slice %mul3A_712 {offsets = [13], sizes = [1], strides = [1]} : vector<16xi32> to vector<1xi32>
        %squeeze3A_1134 = vector.extract %slice3A_1133[0] : i32 from vector<1xi32>
        %add3A_1135 = arith.constant 0 : i32
        %add3A_1136 = arith.addi %squeeze3A_1134, %add3A_1135 : i32
        %get3A_1137 = arith.index_cast %add3A_1132 : i32 to index
        %get3A_1138 = arith.index_cast %add3A_1136 : i32 to index
        %get3A_1139 = tpu.vector_load %arg8[%get3A_1137, %get3A_1138] {strides = array<i32>} : memref<200x128xf32, #tpu.memory_space<vmem>>, vector<1x16xf32>,
        %get3A_1140 = vector.shape_cast %get3A_1139 : vector<1x16xf32> to vector<16xf32>
        %add3A_1141 = arith.addf %add3A_1109, %get3A_1140 : vector<16xf32>
        %add3A_1142 = arith.constant 16 : i32
        %add3A_1143 = arith.addi %squeeze3A_1134, %add3A_1142 : i32
        %get3A_1144 = arith.index_cast %add3A_1132 : i32 to index
        %get3A_1145 = arith.index_cast %add3A_1143 : i32 to index
        %get3A_1146 = tpu.vector_load %arg8[%get3A_1144, %get3A_1145] {strides = array<i32>} : memref<200x128xf32, #tpu.memory_space<vmem>>, vector<1x16xf32>,
        %get3A_1147 = vector.shape_cast %get3A_1146 : vector<1x16xf32> to vector<16xf32>
        %add3A_1148 = arith.addf %add3A_1116, %get3A_1147 : vector<16xf32>
        %add3A_1149 = arith.constant 32 : i32
        %add3A_1150 = arith.addi %squeeze3A_1134, %add3A_1149 : i32
        %get3A_1151 = arith.index_cast %add3A_1132 : i32 to index
        %get3A_1152 = arith.index_cast %add3A_1150 : i32 to index
        %get3A_1153 = tpu.vector_load %arg8[%get3A_1151, %get3A_1152] {strides = array<i32>} : memref<200x128xf32, #tpu.memory_space<vmem>>, vector<1x16xf32>,
        %get3A_1154 = vector.shape_cast %get3A_1153 : vector<1x16xf32> to vector<16xf32>
        %add3A_1155 = arith.addf %add3A_1123, %get3A_1154 : vector<16xf32>
        %add3A_1156 = arith.constant 48 : i32
        %add3A_1157 = arith.addi %squeeze3A_1134, %add3A_1156 : i32
        %get3A_1158 = arith.index_cast %add3A_1132 : i32 to index
        %get3A_1159 = arith.index_cast %add3A_1157 : i32 to index
        %get3A_1160 = tpu.vector_load %arg8[%get3A_1158, %get3A_1159] {strides = array<i32>} : memref<200x128xf32, #tpu.memory_space<vmem>>, vector<1x16xf32>,
        %get3A_1161 = vector.shape_cast %get3A_1160 : vector<1x16xf32> to vector<16xf32>
        %add3A_1162 = arith.addf %add3A_1130, %get3A_1161 : vector<16xf32>
        %add3A_1163 = arith.constant 14 : i32
        %add3A_1164 = arith.addi %mul3A_714, %add3A_1163 : i32
        %slice3A_1165 = vector.extract_strided_slice %mul3A_712 {offsets = [14], sizes = [1], strides = [1]} : vector<16xi32> to vector<1xi32>
        %squeeze3A_1166 = vector.extract %slice3A_1165[0] : i32 from vector<1xi32>
        %add3A_1167 = arith.constant 0 : i32
        %add3A_1168 = arith.addi %squeeze3A_1166, %add3A_1167 : i32
        %get3A_1169 = arith.index_cast %add3A_1164 : i32 to index
        %get3A_1170 = arith.index_cast %add3A_1168 : i32 to index
        %get3A_1171 = tpu.vector_load %arg8[%get3A_1169, %get3A_1170] {strides = array<i32>} : memref<200x128xf32, #tpu.memory_space<vmem>>, vector<1x16xf32>,
        %get3A_1172 = vector.shape_cast %get3A_1171 : vector<1x16xf32> to vector<16xf32>
        %add3A_1173 = arith.addf %add3A_1141, %get3A_1172 : vector<16xf32>
        %add3A_1174 = arith.constant 16 : i32
        %add3A_1175 = arith.addi %squeeze3A_1166, %add3A_1174 : i32
        %get3A_1176 = arith.index_cast %add3A_1164 : i32 to index
        %get3A_1177 = arith.index_cast %add3A_1175 : i32 to index
        %get3A_1178 = tpu.vector_load %arg8[%get3A_1176, %get3A_1177] {strides = array<i32>} : memref<200x128xf32, #tpu.memory_space<vmem>>, vector<1x16xf32>,
        %get3A_1179 = vector.shape_cast %get3A_1178 : vector<1x16xf32> to vector<16xf32>
        %add3A_1180 = arith.addf %add3A_1148, %get3A_1179 : vector<16xf32>
        %add3A_1181 = arith.constant 32 : i32
        %add3A_1182 = arith.addi %squeeze3A_1166, %add3A_1181 : i32
        %get3A_1183 = arith.index_cast %add3A_1164 : i32 to index
        %get3A_1184 = arith.index_cast %add3A_1182 : i32 to index
        %get3A_1185 = tpu.vector_load %arg8[%get3A_1183, %get3A_1184] {strides = array<i32>} : memref<200x128xf32, #tpu.memory_space<vmem>>, vector<1x16xf32>,
        %get3A_1186 = vector.shape_cast %get3A_1185 : vector<1x16xf32> to vector<16xf32>
        %add3A_1187 = arith.addf %add3A_1155, %get3A_1186 : vector<16xf32>
        %add3A_1188 = arith.constant 48 : i32
        %add3A_1189 = arith.addi %squeeze3A_1166, %add3A_1188 : i32
        %get3A_1190 = arith.index_cast %add3A_1164 : i32 to index
        %get3A_1191 = arith.index_cast %add3A_1189 : i32 to index
        %get3A_1192 = tpu.vector_load %arg8[%get3A_1190, %get3A_1191] {strides = array<i32>} : memref<200x128xf32, #tpu.memory_space<vmem>>, vector<1x16xf32>,
        %get3A_1193 = vector.shape_cast %get3A_1192 : vector<1x16xf32> to vector<16xf32>
        %add3A_1194 = arith.addf %add3A_1162, %get3A_1193 : vector<16xf32>
        %add3A_1195 = arith.constant 15 : i32
        %add3A_1196 = arith.addi %mul3A_714, %add3A_1195 : i32
        %slice3A_1197 = vector.extract_strided_slice %mul3A_712 {offsets = [15], sizes = [1], strides = [1]} : vector<16xi32> to vector<1xi32>
        %squeeze3A_1198 = vector.extract %slice3A_1197[0] : i32 from vector<1xi32>
        %add3A_1199 = arith.constant 0 : i32
        %add3A_1200 = arith.addi %squeeze3A_1198, %add3A_1199 : i32
        %get3A_1201 = arith.index_cast %add3A_1196 : i32 to index
        %get3A_1202 = arith.index_cast %add3A_1200 : i32 to index
        %get3A_1203 = tpu.vector_load %arg8[%get3A_1201, %get3A_1202] {strides = array<i32>} : memref<200x128xf32, #tpu.memory_space<vmem>>, vector<1x16xf32>,
        %get3A_1204 = vector.shape_cast %get3A_1203 : vector<1x16xf32> to vector<16xf32>
        %add3A_1205 = arith.addf %add3A_1173, %get3A_1204 : vector<16xf32>
        %add3A_1206 = arith.constant 16 : i32
        %add3A_1207 = arith.addi %squeeze3A_1198, %add3A_1206 : i32
        %get3A_1208 = arith.index_cast %add3A_1196 : i32 to index
        %get3A_1209 = arith.index_cast %add3A_1207 : i32 to index
        %get3A_1210 = tpu.vector_load %arg8[%get3A_1208, %get3A_1209] {strides = array<i32>} : memref<200x128xf32, #tpu.memory_space<vmem>>, vector<1x16xf32>,
        %get3A_1211 = vector.shape_cast %get3A_1210 : vector<1x16xf32> to vector<16xf32>
        %add3A_1212 = arith.addf %add3A_1180, %get3A_1211 : vector<16xf32>
        %add3A_1213 = arith.constant 32 : i32
        %add3A_1214 = arith.addi %squeeze3A_1198, %add3A_1213 : i32
        %get3A_1215 = arith.index_cast %add3A_1196 : i32 to index
        %get3A_1216 = arith.index_cast %add3A_1214 : i32 to index
        %get3A_1217 = tpu.vector_load %arg8[%get3A_1215, %get3A_1216] {strides = array<i32>} : memref<200x128xf32, #tpu.memory_space<vmem>>, vector<1x16xf32>,
        %get3A_1218 = vector.shape_cast %get3A_1217 : vector<1x16xf32> to vector<16xf32>
        %add3A_1219 = arith.addf %add3A_1187, %get3A_1218 : vector<16xf32>
        %add3A_1220 = arith.constant 48 : i32
        %add3A_1221 = arith.addi %squeeze3A_1198, %add3A_1220 : i32
        %get3A_1222 = arith.index_cast %add3A_1196 : i32 to index
        %get3A_1223 = arith.index_cast %add3A_1221 : i32 to index
        %get3A_1224 = tpu.vector_load %arg8[%get3A_1222, %get3A_1223] {strides = array<i32>} : memref<200x128xf32, #tpu.memory_space<vmem>>, vector<1x16xf32>,
        %get3A_1225 = vector.shape_cast %get3A_1224 : vector<1x16xf32> to vector<16xf32>
        %add3A_1226 = arith.addf %add3A_1194, %get3A_1225 : vector<16xf32>
        scf.yield %add3A_1205, %add3A_1212, %add3A_1219, %add3A_1226 : vector<16xf32>, vector<16xf32>, vector<16xf32>, vector<16xf32>
      }
      %scan3A_385 = arith.constant 12 : i32
      %add3A_386 = arith.constant 192 : i32
      %add3A_387 = arith.addi %mul3A_379, %add3A_386 : i32
      %get3A_388 = arith.index_cast %add3A_387 : i32 to index
      %get3A_389 = tpu.vector_load %arg6[%get3A_388] {strides = array<i32>} : memref<25616xi32, #tpu.memory_space<vmem>>, vector<16xi32>,
      %get3A_390 = vector.shape_cast %get3A_389 : vector<16xi32> to vector<16xi32>
      %and3A_391 = arith.constant 1 : i32
      %and3A_392 = vector.broadcast %and3A_391 : i32 to vector<16xi32>
      %and3A_393 = arith.andi %get3A_390, %and3A_392 : vector<16xi32>
      %mul3A_394 = arith.constant 64 : i32
      %mul3A_395 = vector.broadcast %mul3A_394 : i32 to vector<16xi32>
      %mul3A_396 = arith.muli %and3A_393, %mul3A_395 : vector<16xi32>
      %slice3A_397 = vector.extract_strided_slice %mul3A_396 {offsets = [0], sizes = [1], strides = [1]} : vector<16xi32> to vector<1xi32>
      %squeeze3A_398 = vector.extract %slice3A_397[0] : i32 from vector<1xi32>
      %add3A_399 = arith.constant 0 : i32
      %add3A_400 = arith.addi %squeeze3A_398, %add3A_399 : i32
      %get3A_401 = arith.constant 192 : i32
      %get3A_402 = arith.index_cast %get3A_401 : i32 to index
      %get3A_403 = arith.index_cast %add3A_400 : i32 to index
      %get3A_404 = tpu.vector_load %arg8[%get3A_402, %get3A_403] {strides = array<i32>} : memref<200x128xf32, #tpu.memory_space<vmem>>, vector<1x16xf32>,
      %get3A_405 = vector.shape_cast %get3A_404 : vector<1x16xf32> to vector<16xf32>
      %add3A_406 = arith.addf %scan3A_384#0, %get3A_405 : vector<16xf32>
      %add3A_407 = arith.constant 16 : i32
      %add3A_408 = arith.addi %squeeze3A_398, %add3A_407 : i32
      %get3A_409 = arith.constant 192 : i32
      %get3A_410 = arith.index_cast %get3A_409 : i32 to index
      %get3A_411 = arith.index_cast %add3A_408 : i32 to index
      %get3A_412 = tpu.vector_load %arg8[%get3A_410, %get3A_411] {strides = array<i32>} : memref<200x128xf32, #tpu.memory_space<vmem>>, vector<1x16xf32>,
      %get3A_413 = vector.shape_cast %get3A_412 : vector<1x16xf32> to vector<16xf32>
      %add3A_414 = arith.addf %scan3A_384#1, %get3A_413 : vector<16xf32>
      %add3A_415 = arith.constant 32 : i32
      %add3A_416 = arith.addi %squeeze3A_398, %add3A_415 : i32
      %get3A_417 = arith.constant 192 : i32
      %get3A_418 = arith.index_cast %get3A_417 : i32 to index
      %get3A_419 = arith.index_cast %add3A_416 : i32 to index
      %get3A_420 = tpu.vector_load %arg8[%get3A_418, %get3A_419] {strides = array<i32>} : memref<200x128xf32, #tpu.memory_space<vmem>>, vector<1x16xf32>,
      %get3A_421 = vector.shape_cast %get3A_420 : vector<1x16xf32> to vector<16xf32>
      %add3A_422 = arith.addf %scan3A_384#2, %get3A_421 : vector<16xf32>
      %add3A_423 = arith.constant 48 : i32
      %add3A_424 = arith.addi %squeeze3A_398, %add3A_423 : i32
      %get3A_425 = arith.constant 192 : i32
      %get3A_426 = arith.index_cast %get3A_425 : i32 to index
      %get3A_427 = arith.index_cast %add3A_424 : i32 to index
      %get3A_428 = tpu.vector_load %arg8[%get3A_426, %get3A_427] {strides = array<i32>} : memref<200x128xf32, #tpu.memory_space<vmem>>, vector<1x16xf32>,
      %get3A_429 = vector.shape_cast %get3A_428 : vector<1x16xf32> to vector<16xf32>
      %add3A_430 = arith.addf %scan3A_384#3, %get3A_429 : vector<16xf32>
      %slice3A_431 = vector.extract_strided_slice %mul3A_396 {offsets = [1], sizes = [1], strides = [1]} : vector<16xi32> to vector<1xi32>
      %squeeze3A_432 = vector.extract %slice3A_431[0] : i32 from vector<1xi32>
      %add3A_433 = arith.constant 0 : i32
      %add3A_434 = arith.addi %squeeze3A_432, %add3A_433 : i32
      %get3A_435 = arith.constant 193 : i32
      %get3A_436 = arith.index_cast %get3A_435 : i32 to index
      %get3A_437 = arith.index_cast %add3A_434 : i32 to index
      %get3A_438 = tpu.vector_load %arg8[%get3A_436, %get3A_437] {strides = array<i32>} : memref<200x128xf32, #tpu.memory_space<vmem>>, vector<1x16xf32>,
      %get3A_439 = vector.shape_cast %get3A_438 : vector<1x16xf32> to vector<16xf32>
      %add3A_440 = arith.addf %add3A_406, %get3A_439 : vector<16xf32>
      %add3A_441 = arith.constant 16 : i32
      %add3A_442 = arith.addi %squeeze3A_432, %add3A_441 : i32
      %get3A_443 = arith.constant 193 : i32
      %get3A_444 = arith.index_cast %get3A_443 : i32 to index
      %get3A_445 = arith.index_cast %add3A_442 : i32 to index
      %get3A_446 = tpu.vector_load %arg8[%get3A_444, %get3A_445] {strides = array<i32>} : memref<200x128xf32, #tpu.memory_space<vmem>>, vector<1x16xf32>,
      %get3A_447 = vector.shape_cast %get3A_446 : vector<1x16xf32> to vector<16xf32>
      %add3A_448 = arith.addf %add3A_414, %get3A_447 : vector<16xf32>
      %add3A_449 = arith.constant 32 : i32
      %add3A_450 = arith.addi %squeeze3A_432, %add3A_449 : i32
      %get3A_451 = arith.constant 193 : i32
      %get3A_452 = arith.index_cast %get3A_451 : i32 to index
      %get3A_453 = arith.index_cast %add3A_450 : i32 to index
      %get3A_454 = tpu.vector_load %arg8[%get3A_452, %get3A_453] {strides = array<i32>} : memref<200x128xf32, #tpu.memory_space<vmem>>, vector<1x16xf32>,
      %get3A_455 = vector.shape_cast %get3A_454 : vector<1x16xf32> to vector<16xf32>
      %add3A_456 = arith.addf %add3A_422, %get3A_455 : vector<16xf32>
      %add3A_457 = arith.constant 48 : i32
      %add3A_458 = arith.addi %squeeze3A_432, %add3A_457 : i32
      %get3A_459 = arith.constant 193 : i32
      %get3A_460 = arith.index_cast %get3A_459 : i32 to index
      %get3A_461 = arith.index_cast %add3A_458 : i32 to index
      %get3A_462 = tpu.vector_load %arg8[%get3A_460, %get3A_461] {strides = array<i32>} : memref<200x128xf32, #tpu.memory_space<vmem>>, vector<1x16xf32>,
      %get3A_463 = vector.shape_cast %get3A_462 : vector<1x16xf32> to vector<16xf32>
      %add3A_464 = arith.addf %add3A_430, %get3A_463 : vector<16xf32>
      %slice3A_465 = vector.extract_strided_slice %mul3A_396 {offsets = [2], sizes = [1], strides = [1]} : vector<16xi32> to vector<1xi32>
      %squeeze3A_466 = vector.extract %slice3A_465[0] : i32 from vector<1xi32>
      %add3A_467 = arith.constant 0 : i32
      %add3A_468 = arith.addi %squeeze3A_466, %add3A_467 : i32
      %get3A_469 = arith.constant 194 : i32
      %get3A_470 = arith.index_cast %get3A_469 : i32 to index
      %get3A_471 = arith.index_cast %add3A_468 : i32 to index
      %get3A_472 = tpu.vector_load %arg8[%get3A_470, %get3A_471] {strides = array<i32>} : memref<200x128xf32, #tpu.memory_space<vmem>>, vector<1x16xf32>,
      %get3A_473 = vector.shape_cast %get3A_472 : vector<1x16xf32> to vector<16xf32>
      %add3A_474 = arith.addf %add3A_440, %get3A_473 : vector<16xf32>
      %add3A_475 = arith.constant 16 : i32
      %add3A_476 = arith.addi %squeeze3A_466, %add3A_475 : i32
      %get3A_477 = arith.constant 194 : i32
      %get3A_478 = arith.index_cast %get3A_477 : i32 to index
      %get3A_479 = arith.index_cast %add3A_476 : i32 to index
      %get3A_480 = tpu.vector_load %arg8[%get3A_478, %get3A_479] {strides = array<i32>} : memref<200x128xf32, #tpu.memory_space<vmem>>, vector<1x16xf32>,
      %get3A_481 = vector.shape_cast %get3A_480 : vector<1x16xf32> to vector<16xf32>
      %add3A_482 = arith.addf %add3A_448, %get3A_481 : vector<16xf32>
      %add3A_483 = arith.constant 32 : i32
      %add3A_484 = arith.addi %squeeze3A_466, %add3A_483 : i32
      %get3A_485 = arith.constant 194 : i32
      %get3A_486 = arith.index_cast %get3A_485 : i32 to index
      %get3A_487 = arith.index_cast %add3A_484 : i32 to index
      %get3A_488 = tpu.vector_load %arg8[%get3A_486, %get3A_487] {strides = array<i32>} : memref<200x128xf32, #tpu.memory_space<vmem>>, vector<1x16xf32>,
      %get3A_489 = vector.shape_cast %get3A_488 : vector<1x16xf32> to vector<16xf32>
      %add3A_490 = arith.addf %add3A_456, %get3A_489 : vector<16xf32>
      %add3A_491 = arith.constant 48 : i32
      %add3A_492 = arith.addi %squeeze3A_466, %add3A_491 : i32
      %get3A_493 = arith.constant 194 : i32
      %get3A_494 = arith.index_cast %get3A_493 : i32 to index
      %get3A_495 = arith.index_cast %add3A_492 : i32 to index
      %get3A_496 = tpu.vector_load %arg8[%get3A_494, %get3A_495] {strides = array<i32>} : memref<200x128xf32, #tpu.memory_space<vmem>>, vector<1x16xf32>,
      %get3A_497 = vector.shape_cast %get3A_496 : vector<1x16xf32> to vector<16xf32>
      %add3A_498 = arith.addf %add3A_464, %get3A_497 : vector<16xf32>
      %slice3A_499 = vector.extract_strided_slice %mul3A_396 {offsets = [3], sizes = [1], strides = [1]} : vector<16xi32> to vector<1xi32>
      %squeeze3A_500 = vector.extract %slice3A_499[0] : i32 from vector<1xi32>
      %add3A_501 = arith.constant 0 : i32
      %add3A_502 = arith.addi %squeeze3A_500, %add3A_501 : i32
      %get3A_503 = arith.constant 195 : i32
      %get3A_504 = arith.index_cast %get3A_503 : i32 to index
      %get3A_505 = arith.index_cast %add3A_502 : i32 to index
      %get3A_506 = tpu.vector_load %arg8[%get3A_504, %get3A_505] {strides = array<i32>} : memref<200x128xf32, #tpu.memory_space<vmem>>, vector<1x16xf32>,
      %get3A_507 = vector.shape_cast %get3A_506 : vector<1x16xf32> to vector<16xf32>
      %add3A_508 = arith.addf %add3A_474, %get3A_507 : vector<16xf32>
      %add3A_509 = arith.constant 16 : i32
      %add3A_510 = arith.addi %squeeze3A_500, %add3A_509 : i32
      %get3A_511 = arith.constant 195 : i32
      %get3A_512 = arith.index_cast %get3A_511 : i32 to index
      %get3A_513 = arith.index_cast %add3A_510 : i32 to index
      %get3A_514 = tpu.vector_load %arg8[%get3A_512, %get3A_513] {strides = array<i32>} : memref<200x128xf32, #tpu.memory_space<vmem>>, vector<1x16xf32>,
      %get3A_515 = vector.shape_cast %get3A_514 : vector<1x16xf32> to vector<16xf32>
      %add3A_516 = arith.addf %add3A_482, %get3A_515 : vector<16xf32>
      %add3A_517 = arith.constant 32 : i32
      %add3A_518 = arith.addi %squeeze3A_500, %add3A_517 : i32
      %get3A_519 = arith.constant 195 : i32
      %get3A_520 = arith.index_cast %get3A_519 : i32 to index
      %get3A_521 = arith.index_cast %add3A_518 : i32 to index
      %get3A_522 = tpu.vector_load %arg8[%get3A_520, %get3A_521] {strides = array<i32>} : memref<200x128xf32, #tpu.memory_space<vmem>>, vector<1x16xf32>,
      %get3A_523 = vector.shape_cast %get3A_522 : vector<1x16xf32> to vector<16xf32>
      %add3A_524 = arith.addf %add3A_490, %get3A_523 : vector<16xf32>
      %add3A_525 = arith.constant 48 : i32
      %add3A_526 = arith.addi %squeeze3A_500, %add3A_525 : i32
      %get3A_527 = arith.constant 195 : i32
      %get3A_528 = arith.index_cast %get3A_527 : i32 to index
      %get3A_529 = arith.index_cast %add3A_526 : i32 to index
      %get3A_530 = tpu.vector_load %arg8[%get3A_528, %get3A_529] {strides = array<i32>} : memref<200x128xf32, #tpu.memory_space<vmem>>, vector<1x16xf32>,
      %get3A_531 = vector.shape_cast %get3A_530 : vector<1x16xf32> to vector<16xf32>
      %add3A_532 = arith.addf %add3A_498, %get3A_531 : vector<16xf32>
      %slice3A_533 = vector.extract_strided_slice %mul3A_396 {offsets = [4], sizes = [1], strides = [1]} : vector<16xi32> to vector<1xi32>
      %squeeze3A_534 = vector.extract %slice3A_533[0] : i32 from vector<1xi32>
      %add3A_535 = arith.constant 0 : i32
      %add3A_536 = arith.addi %squeeze3A_534, %add3A_535 : i32
      %get3A_537 = arith.constant 196 : i32
      %get3A_538 = arith.index_cast %get3A_537 : i32 to index
      %get3A_539 = arith.index_cast %add3A_536 : i32 to index
      %get3A_540 = tpu.vector_load %arg8[%get3A_538, %get3A_539] {strides = array<i32>} : memref<200x128xf32, #tpu.memory_space<vmem>>, vector<1x16xf32>,
      %get3A_541 = vector.shape_cast %get3A_540 : vector<1x16xf32> to vector<16xf32>
      %add3A_542 = arith.addf %add3A_508, %get3A_541 : vector<16xf32>
      %add3A_543 = arith.constant 16 : i32
      %add3A_544 = arith.addi %squeeze3A_534, %add3A_543 : i32
      %get3A_545 = arith.constant 196 : i32
      %get3A_546 = arith.index_cast %get3A_545 : i32 to index
      %get3A_547 = arith.index_cast %add3A_544 : i32 to index
      %get3A_548 = tpu.vector_load %arg8[%get3A_546, %get3A_547] {strides = array<i32>} : memref<200x128xf32, #tpu.memory_space<vmem>>, vector<1x16xf32>,
      %get3A_549 = vector.shape_cast %get3A_548 : vector<1x16xf32> to vector<16xf32>
      %add3A_550 = arith.addf %add3A_516, %get3A_549 : vector<16xf32>
      %add3A_551 = arith.constant 32 : i32
      %add3A_552 = arith.addi %squeeze3A_534, %add3A_551 : i32
      %get3A_553 = arith.constant 196 : i32
      %get3A_554 = arith.index_cast %get3A_553 : i32 to index
      %get3A_555 = arith.index_cast %add3A_552 : i32 to index
      %get3A_556 = tpu.vector_load %arg8[%get3A_554, %get3A_555] {strides = array<i32>} : memref<200x128xf32, #tpu.memory_space<vmem>>, vector<1x16xf32>,
      %get3A_557 = vector.shape_cast %get3A_556 : vector<1x16xf32> to vector<16xf32>
      %add3A_558 = arith.addf %add3A_524, %get3A_557 : vector<16xf32>
      %add3A_559 = arith.constant 48 : i32
      %add3A_560 = arith.addi %squeeze3A_534, %add3A_559 : i32
      %get3A_561 = arith.constant 196 : i32
      %get3A_562 = arith.index_cast %get3A_561 : i32 to index
      %get3A_563 = arith.index_cast %add3A_560 : i32 to index
      %get3A_564 = tpu.vector_load %arg8[%get3A_562, %get3A_563] {strides = array<i32>} : memref<200x128xf32, #tpu.memory_space<vmem>>, vector<1x16xf32>,
      %get3A_565 = vector.shape_cast %get3A_564 : vector<1x16xf32> to vector<16xf32>
      %add3A_566 = arith.addf %add3A_532, %get3A_565 : vector<16xf32>
      %slice3A_567 = vector.extract_strided_slice %mul3A_396 {offsets = [5], sizes = [1], strides = [1]} : vector<16xi32> to vector<1xi32>
      %squeeze3A_568 = vector.extract %slice3A_567[0] : i32 from vector<1xi32>
      %add3A_569 = arith.constant 0 : i32
      %add3A_570 = arith.addi %squeeze3A_568, %add3A_569 : i32
      %get3A_571 = arith.constant 197 : i32
      %get3A_572 = arith.index_cast %get3A_571 : i32 to index
      %get3A_573 = arith.index_cast %add3A_570 : i32 to index
      %get3A_574 = tpu.vector_load %arg8[%get3A_572, %get3A_573] {strides = array<i32>} : memref<200x128xf32, #tpu.memory_space<vmem>>, vector<1x16xf32>,
      %get3A_575 = vector.shape_cast %get3A_574 : vector<1x16xf32> to vector<16xf32>
      %add3A_576 = arith.addf %add3A_542, %get3A_575 : vector<16xf32>
      %add3A_577 = arith.constant 16 : i32
      %add3A_578 = arith.addi %squeeze3A_568, %add3A_577 : i32
      %get3A_579 = arith.constant 197 : i32
      %get3A_580 = arith.index_cast %get3A_579 : i32 to index
      %get3A_581 = arith.index_cast %add3A_578 : i32 to index
      %get3A_582 = tpu.vector_load %arg8[%get3A_580, %get3A_581] {strides = array<i32>} : memref<200x128xf32, #tpu.memory_space<vmem>>, vector<1x16xf32>,
      %get3A_583 = vector.shape_cast %get3A_582 : vector<1x16xf32> to vector<16xf32>
      %add3A_584 = arith.addf %add3A_550, %get3A_583 : vector<16xf32>
      %add3A_585 = arith.constant 32 : i32
      %add3A_586 = arith.addi %squeeze3A_568, %add3A_585 : i32
      %get3A_587 = arith.constant 197 : i32
      %get3A_588 = arith.index_cast %get3A_587 : i32 to index
      %get3A_589 = arith.index_cast %add3A_586 : i32 to index
      %get3A_590 = tpu.vector_load %arg8[%get3A_588, %get3A_589] {strides = array<i32>} : memref<200x128xf32, #tpu.memory_space<vmem>>, vector<1x16xf32>,
      %get3A_591 = vector.shape_cast %get3A_590 : vector<1x16xf32> to vector<16xf32>
      %add3A_592 = arith.addf %add3A_558, %get3A_591 : vector<16xf32>
      %add3A_593 = arith.constant 48 : i32
      %add3A_594 = arith.addi %squeeze3A_568, %add3A_593 : i32
      %get3A_595 = arith.constant 197 : i32
      %get3A_596 = arith.index_cast %get3A_595 : i32 to index
      %get3A_597 = arith.index_cast %add3A_594 : i32 to index
      %get3A_598 = tpu.vector_load %arg8[%get3A_596, %get3A_597] {strides = array<i32>} : memref<200x128xf32, #tpu.memory_space<vmem>>, vector<1x16xf32>,
      %get3A_599 = vector.shape_cast %get3A_598 : vector<1x16xf32> to vector<16xf32>
      %add3A_600 = arith.addf %add3A_566, %get3A_599 : vector<16xf32>
      %slice3A_601 = vector.extract_strided_slice %mul3A_396 {offsets = [6], sizes = [1], strides = [1]} : vector<16xi32> to vector<1xi32>
      %squeeze3A_602 = vector.extract %slice3A_601[0] : i32 from vector<1xi32>
      %add3A_603 = arith.constant 0 : i32
      %add3A_604 = arith.addi %squeeze3A_602, %add3A_603 : i32
      %get3A_605 = arith.constant 198 : i32
      %get3A_606 = arith.index_cast %get3A_605 : i32 to index
      %get3A_607 = arith.index_cast %add3A_604 : i32 to index
      %get3A_608 = tpu.vector_load %arg8[%get3A_606, %get3A_607] {strides = array<i32>} : memref<200x128xf32, #tpu.memory_space<vmem>>, vector<1x16xf32>,
      %get3A_609 = vector.shape_cast %get3A_608 : vector<1x16xf32> to vector<16xf32>
      %add3A_610 = arith.addf %add3A_576, %get3A_609 : vector<16xf32>
      %add3A_611 = arith.constant 16 : i32
      %add3A_612 = arith.addi %squeeze3A_602, %add3A_611 : i32
      %get3A_613 = arith.constant 198 : i32
      %get3A_614 = arith.index_cast %get3A_613 : i32 to index
      %get3A_615 = arith.index_cast %add3A_612 : i32 to index
      %get3A_616 = tpu.vector_load %arg8[%get3A_614, %get3A_615] {strides = array<i32>} : memref<200x128xf32, #tpu.memory_space<vmem>>, vector<1x16xf32>,
      %get3A_617 = vector.shape_cast %get3A_616 : vector<1x16xf32> to vector<16xf32>
      %add3A_618 = arith.addf %add3A_584, %get3A_617 : vector<16xf32>
      %add3A_619 = arith.constant 32 : i32
      %add3A_620 = arith.addi %squeeze3A_602, %add3A_619 : i32
      %get3A_621 = arith.constant 198 : i32
      %get3A_622 = arith.index_cast %get3A_621 : i32 to index
      %get3A_623 = arith.index_cast %add3A_620 : i32 to index
      %get3A_624 = tpu.vector_load %arg8[%get3A_622, %get3A_623] {strides = array<i32>} : memref<200x128xf32, #tpu.memory_space<vmem>>, vector<1x16xf32>,
      %get3A_625 = vector.shape_cast %get3A_624 : vector<1x16xf32> to vector<16xf32>
      %add3A_626 = arith.addf %add3A_592, %get3A_625 : vector<16xf32>
      %add3A_627 = arith.constant 48 : i32
      %add3A_628 = arith.addi %squeeze3A_602, %add3A_627 : i32
      %get3A_629 = arith.constant 198 : i32
      %get3A_630 = arith.index_cast %get3A_629 : i32 to index
      %get3A_631 = arith.index_cast %add3A_628 : i32 to index
      %get3A_632 = tpu.vector_load %arg8[%get3A_630, %get3A_631] {strides = array<i32>} : memref<200x128xf32, #tpu.memory_space<vmem>>, vector<1x16xf32>,
      %get3A_633 = vector.shape_cast %get3A_632 : vector<1x16xf32> to vector<16xf32>
      %add3A_634 = arith.addf %add3A_600, %get3A_633 : vector<16xf32>
      %slice3A_635 = vector.extract_strided_slice %mul3A_396 {offsets = [7], sizes = [1], strides = [1]} : vector<16xi32> to vector<1xi32>
      %squeeze3A_636 = vector.extract %slice3A_635[0] : i32 from vector<1xi32>
      %add3A_637 = arith.constant 0 : i32
      %add3A_638 = arith.addi %squeeze3A_636, %add3A_637 : i32
      %get3A_639 = arith.constant 199 : i32
      %get3A_640 = arith.index_cast %get3A_639 : i32 to index
      %get3A_641 = arith.index_cast %add3A_638 : i32 to index
      %get3A_642 = tpu.vector_load %arg8[%get3A_640, %get3A_641] {strides = array<i32>} : memref<200x128xf32, #tpu.memory_space<vmem>>, vector<1x16xf32>,
      %get3A_643 = vector.shape_cast %get3A_642 : vector<1x16xf32> to vector<16xf32>
      %add3A_644 = arith.addf %add3A_610, %get3A_643 : vector<16xf32>
      %add3A_645 = arith.constant 16 : i32
      %add3A_646 = arith.addi %squeeze3A_636, %add3A_645 : i32
      %get3A_647 = arith.constant 199 : i32
      %get3A_648 = arith.index_cast %get3A_647 : i32 to index
      %get3A_649 = arith.index_cast %add3A_646 : i32 to index
      %get3A_650 = tpu.vector_load %arg8[%get3A_648, %get3A_649] {strides = array<i32>} : memref<200x128xf32, #tpu.memory_space<vmem>>, vector<1x16xf32>,
      %get3A_651 = vector.shape_cast %get3A_650 : vector<1x16xf32> to vector<16xf32>
      %add3A_652 = arith.addf %add3A_618, %get3A_651 : vector<16xf32>
      %add3A_653 = arith.constant 32 : i32
      %add3A_654 = arith.addi %squeeze3A_636, %add3A_653 : i32
      %get3A_655 = arith.constant 199 : i32
      %get3A_656 = arith.index_cast %get3A_655 : i32 to index
      %get3A_657 = arith.index_cast %add3A_654 : i32 to index
      %get3A_658 = tpu.vector_load %arg8[%get3A_656, %get3A_657] {strides = array<i32>} : memref<200x128xf32, #tpu.memory_space<vmem>>, vector<1x16xf32>,
      %get3A_659 = vector.shape_cast %get3A_658 : vector<1x16xf32> to vector<16xf32>
      %add3A_660 = arith.addf %add3A_626, %get3A_659 : vector<16xf32>
      %add3A_661 = arith.constant 48 : i32
      %add3A_662 = arith.addi %squeeze3A_636, %add3A_661 : i32
      %get3A_663 = arith.constant 199 : i32
      %get3A_664 = arith.index_cast %get3A_663 : i32 to index
      %get3A_665 = arith.index_cast %add3A_662 : i32 to index
      %get3A_666 = tpu.vector_load %arg8[%get3A_664, %get3A_665] {strides = array<i32>} : memref<200x128xf32, #tpu.memory_space<vmem>>, vector<1x16xf32>,
      %get3A_667 = vector.shape_cast %get3A_666 : vector<1x16xf32> to vector<16xf32>
      %add3A_668 = arith.addf %add3A_634, %get3A_667 : vector<16xf32>
      %mul3A_669 = arith.constant 64 : i32
      %mul3A_670 = arith.muli %add3A_375, %mul3A_669 : i32
      %add3A_671 = arith.constant 0 : i32
      %add3A_672 = arith.addi %mul3A_670, %add3A_671 : i32
      %swap3A_673 = arith.index_cast %add3A_672 : i32 to index
      %swap3A_674 = tpu.vector_load %arg9[%swap3A_673] {strides = array<i32>} : memref<8192xf32, #tpu.memory_space<vmem>>, vector<16xf32>,
      %swap3A_675 = vector.shape_cast %swap3A_674 : vector<16xf32> to vector<16xf32>
      %swap3A_676 = vector.shape_cast %add3A_644 : vector<16xf32> to vector<16xf32>
      tpu.vector_store %arg9[%swap3A_673], %swap3A_676 {strides = array<i32>} : memref<8192xf32, #tpu.memory_space<vmem>>, vector<16xf32>,
      %add3A_677 = arith.constant 16 : i32
      %add3A_678 = arith.addi %mul3A_670, %add3A_677 : i32
      %swap3A_679 = arith.index_cast %add3A_678 : i32 to index
      %swap3A_680 = tpu.vector_load %arg9[%swap3A_679] {strides = array<i32>} : memref<8192xf32, #tpu.memory_space<vmem>>, vector<16xf32>,
      %swap3A_681 = vector.shape_cast %swap3A_680 : vector<16xf32> to vector<16xf32>
      %swap3A_682 = vector.shape_cast %add3A_652 : vector<16xf32> to vector<16xf32>
      tpu.vector_store %arg9[%swap3A_679], %swap3A_682 {strides = array<i32>} : memref<8192xf32, #tpu.memory_space<vmem>>, vector<16xf32>,
      %add3A_683 = arith.constant 32 : i32
      %add3A_684 = arith.addi %mul3A_670, %add3A_683 : i32
      %swap3A_685 = arith.index_cast %add3A_684 : i32 to index
      %swap3A_686 = tpu.vector_load %arg9[%swap3A_685] {strides = array<i32>} : memref<8192xf32, #tpu.memory_space<vmem>>, vector<16xf32>,
      %swap3A_687 = vector.shape_cast %swap3A_686 : vector<16xf32> to vector<16xf32>
      %swap3A_688 = vector.shape_cast %add3A_660 : vector<16xf32> to vector<16xf32>
      tpu.vector_store %arg9[%swap3A_685], %swap3A_688 {strides = array<i32>} : memref<8192xf32, #tpu.memory_space<vmem>>, vector<16xf32>,
      %add3A_689 = arith.constant 48 : i32
      %add3A_690 = arith.addi %mul3A_670, %add3A_689 : i32
      %swap3A_691 = arith.index_cast %add3A_690 : i32 to index
      %swap3A_692 = tpu.vector_load %arg9[%swap3A_691] {strides = array<i32>} : memref<8192xf32, #tpu.memory_space<vmem>>, vector<16xf32>,
      %swap3A_693 = vector.shape_cast %swap3A_692 : vector<16xf32> to vector<16xf32>
      %swap3A_694 = vector.shape_cast %add3A_668 : vector<16xf32> to vector<16xf32>
      tpu.vector_store %arg9[%swap3A_691], %swap3A_694 {strides = array<i32>} : memref<8192xf32, #tpu.memory_space<vmem>>, vector<16xf32>,
      %scan3A_695 = arith.constant 0 : i32
      scf.yield %scan3A_695 : i32
    }
    %scan3A_30 = arith.constant 64 : i32
    %mul3A_31 = arith.constant 128 : i32
    %mul3A_32 = arith.muli %add3A, %mul3A_31 : i32
    %mul3A_33 = arith.constant 64 : i32
    %mul3A_34 = arith.muli %mul3A_32, %mul3A_33 : i32
    "tpu.region"() ({
      %run_scoped3A = tpu.sem_alloc : memref<!tpu.dma_semaphore, #tpu.memory_space<semaphore_mem>>
      %dma_start3A_35 = tpu.memref_slice %arg4[%mul3A_34] : memref<262144xf32, #tpu.memory_space<hbm>> -> memref<8192xf32, #tpu.memory_space<hbm>>
      %dma_start3A_36 = tpu.memref_slice %arg4[%mul3A_34] : memref<262144xf32, #tpu.memory_space<hbm>> -> memref<8192xf32, #tpu.memory_space<hbm>>
      tpu.enqueue_dma source(%arg9 : memref<8192xf32, #tpu.memory_space<vmem>>) target(%dma_start3A_36 : memref<8192xf32, #tpu.memory_space<hbm>>) target_semaphore(%run_scoped3A : memref<!tpu.dma_semaphore, #tpu.memory_space<semaphore_mem>>)
      %dma_wait3A = tpu.memref_slice %arg4[%mul3A_34] : memref<262144xf32, #tpu.memory_space<hbm>> -> memref<8192xf32, #tpu.memory_space<hbm>>
      %dma_wait3A_37 = tpu.memref_slice %arg4[%mul3A_34] : memref<262144xf32, #tpu.memory_space<hbm>> -> memref<8192xf32, #tpu.memory_space<hbm>>
      tpu.wait_dma2 semaphore(%run_scoped3A : memref<!tpu.dma_semaphore, #tpu.memory_space<semaphore_mem>>) src(%arg9 : memref<8192xf32, #tpu.memory_space<vmem>>) dst(%dma_wait3A_37 : memref<8192xf32, #tpu.memory_space<hbm>>)
      tpu.yield
    }) : () -> ()
    return
  }
}

module attributes {stable_mosaic.version = 14 : i64} {
  func.func @_pair_body(%arg0: i32, %arg1: memref<64x4096xf32, #tpu.memory_space<vmem>>, %arg2: memref<64x4096xf32, #tpu.memory_space<vmem>>, %arg3: memref<64x64xf32, #tpu.memory_space<vmem>>, %arg4: memref<4096x128xf32, #tpu.memory_space<vmem>>) attributes {dimension_semantics = [#tpu.dimension_semantics<arbitrary>], iteration_bounds = array<i64: 123>, scalar_prefetch = 0 : i64, scratch_operands = 0 : i64, tpu.core_type = #tpu.core_type<tc>, window_params = [{transform_indices = @transform_0, window_bounds = array<i64: 64, 4096>}, {transform_indices = @transform_1, window_bounds = array<i64: 64, 4096>}, {pipeline_mode = #tpu.pipeline_mode<synchronous>, transform_indices = @transform_2, window_bounds = array<i64: 64, 64>}, {transform_indices = @transform_3, window_bounds = array<i64: 4096, 128>}]} {
    %get3A = arith.constant 0 : index
    %get3A_0 = arith.constant 0 : index
    %get3A_1 = vector.load %arg3[%get3A, %get3A_0] : memref<64x64xf32, #tpu.memory_space<vmem>>, vector<64x64xf32>
    %get3A_2 = arith.constant 0 : index
    %get3A_3 = arith.constant 0 : index
    %get3A_4 = vector.load %arg1[%get3A_2, %get3A_3] : memref<64x4096xf32, #tpu.memory_space<vmem>>, vector<64x4096xf32>
    %dot_general3A = arith.constant dense<0.000000e+00> : vector<4096x64xf32>
    %dot_general3A_5 = tpu.matmul %get3A_4, %get3A_1, %dot_general3A {dimension_numbers = #tpu.dot_dimension_numbers<[0], [0], [1], [1], [0, 1, 1, 1], [], []>, transpose_lhs_hint = false} : vector<64x4096xf32>, vector<64x64xf32>, vector<4096x64xf32> -> vector<4096x64xf32>
    %swap3A = arith.constant 0 : index
    %swap3A_6 = arith.constant 0 : index
    %swap3A_7 = vector.load %arg4[%swap3A, %swap3A_6] : memref<4096x128xf32, #tpu.memory_space<vmem>>, vector<4096x64xf32>
    tpu.vector_store %arg4[%swap3A, %swap3A_6], %dot_general3A_5 {strides = array<i32>} : memref<4096x128xf32, #tpu.memory_space<vmem>>, vector<4096x64xf32>,
    %get3A_8 = arith.constant 0 : index
    %get3A_9 = arith.constant 0 : index
    %get3A_10 = vector.load %arg2[%get3A_8, %get3A_9] : memref<64x4096xf32, #tpu.memory_space<vmem>>, vector<64x4096xf32>
    %dot_general3A_11 = arith.constant dense<0.000000e+00> : vector<4096x64xf32>
    %dot_general3A_12 = tpu.matmul %get3A_10, %get3A_1, %dot_general3A_11 {dimension_numbers = #tpu.dot_dimension_numbers<[0], [0], [1], [1], [0, 1, 1, 1], [], []>, transpose_lhs_hint = false} : vector<64x4096xf32>, vector<64x64xf32>, vector<4096x64xf32> -> vector<4096x64xf32>
    %swap3A_13 = arith.constant 0 : index
    %swap3A_14 = arith.constant 64 : index
    %swap3A_15 = vector.load %arg4[%swap3A_13, %swap3A_14] : memref<4096x128xf32, #tpu.memory_space<vmem>>, vector<4096x64xf32>
    tpu.vector_store %arg4[%swap3A_13, %swap3A_14], %dot_general3A_12 {strides = array<i32>} : memref<4096x128xf32, #tpu.memory_space<vmem>>, vector<4096x64xf32>,
    return
  }
  func.func @transform_0(%arg0: i32) -> (i32, i32) {
    %c0_i32 = arith.constant 0 : i32
    %c0_i32_0 = arith.constant 0 : i32
    return %c0_i32, %arg0 : i32, i32
  }
  func.func @transform_1(%arg0: i32) -> (i32, i32) {
    %add3A = arith.constant 123 : i32
    %add3A_0 = arith.addi %add3A, %arg0 : i32
    %min3A = arith.constant 244 : i32
    %min3A_1 = arith.minsi %add3A_0, %min3A : i32
    %c0_i32 = arith.constant 0 : i32
    %c0_i32_2 = arith.constant 0 : i32
    return %c0_i32, %min3A_1 : i32, i32
  }
  func.func @transform_2(%arg0: i32) -> (i32, i32) {
    %c0_i32 = arith.constant 0 : i32
    %c0_i32_0 = arith.constant 0 : i32
    %c0_i32_1 = arith.constant 0 : i32
    return %c0_i32, %c0_i32_0 : i32, i32
  }
  func.func @transform_3(%arg0: i32) -> (i32, i32) {
    %c0_i32 = arith.constant 0 : i32
    %c0_i32_0 = arith.constant 0 : i32
    return %arg0, %c0_i32 : i32, i32
  }
}

module attributes {stable_mosaic.version = 14 : i64} {
  func.func @_mlp_body(%arg0: i32, %arg1: memref<512x64xf32, #tpu.memory_space<vmem>>, %arg2: memref<64x1024xf32, #tpu.memory_space<vmem>>, %arg3: memref<1x1024xf32, #tpu.memory_space<vmem>>, %arg4: memref<1024x128xf32, #tpu.memory_space<vmem>>, %arg5: memref<1x128xf32, #tpu.memory_space<vmem>>, %arg6: memref<512x128xf32, #tpu.memory_space<vmem>>) attributes {dimension_semantics = [#tpu.dimension_semantics<arbitrary>], iteration_bounds = array<i64: 8>, scalar_prefetch = 0 : i64, scratch_operands = 0 : i64, tpu.core_type = #tpu.core_type<tc>, window_params = [{transform_indices = @transform_0, window_bounds = array<i64: 512, 64>}, {pipeline_mode = #tpu.pipeline_mode<synchronous>, transform_indices = @transform_1, window_bounds = array<i64: 64, 1024>}, {pipeline_mode = #tpu.pipeline_mode<synchronous>, transform_indices = @transform_2, window_bounds = array<i64: 1, 1024>}, {pipeline_mode = #tpu.pipeline_mode<synchronous>, transform_indices = @transform_3, window_bounds = array<i64: 1024, 128>}, {pipeline_mode = #tpu.pipeline_mode<synchronous>, transform_indices = @transform_4, window_bounds = array<i64: 1, 128>}, {transform_indices = @transform_5, window_bounds = array<i64: 512, 128>}]} {
    %get3A = arith.constant 0 : index
    %get3A_0 = arith.constant 0 : index
    %get3A_1 = vector.load %arg1[%get3A, %get3A_0] : memref<512x64xf32, #tpu.memory_space<vmem>>, vector<512x64xf32>
    %mul3A = arith.constant 5.000000e-03 : f32
    %mul3A_2 = vector.broadcast %mul3A : f32 to vector<512x64xf32>
    %mul3A_3 = arith.mulf %get3A_1, %mul3A_2 : vector<512x64xf32>
    %get3A_4 = arith.constant 0 : index
    %get3A_5 = arith.constant 0 : index
    %get3A_6 = vector.load %arg2[%get3A_4, %get3A_5] : memref<64x1024xf32, #tpu.memory_space<vmem>>, vector<64x1024xf32>
    %dot_general3A = arith.constant dense<0.000000e+00> : vector<512x1024xf32>
    %dot_general3A_7 = tpu.matmul %mul3A_3, %get3A_6, %dot_general3A {dimension_numbers = #tpu.dot_dimension_numbers<[1], [0], [0], [1], [0, 0, 1, 1], [], []>, transpose_lhs_hint = false} : vector<512x64xf32>, vector<64x1024xf32>, vector<512x1024xf32> -> vector<512x1024xf32>
    %get3A_8 = arith.constant 0 : index
    %get3A_9 = arith.constant 0 : index
    %get3A_10 = vector.load %arg3[%get3A_8, %get3A_9] : memref<1x1024xf32, #tpu.memory_space<vmem>>, vector<1x1024xf32>
    %add3A = vector.broadcast %get3A_10 : vector<1x1024xf32> to vector<512x1024xf32>
    %add3A_11 = arith.addf %dot_general3A_7, %add3A : vector<512x1024xf32>
    %max3A = arith.constant 0.000000e+00 : f32
    %max3A_12 = vector.broadcast %max3A : f32 to vector<512x1024xf32>
    %max3A_13 = arith.maximumf %add3A_11, %max3A_12 : vector<512x1024xf32>
    %get3A_14 = arith.constant 0 : index
    %get3A_15 = arith.constant 0 : index
    %get3A_16 = vector.load %arg4[%get3A_14, %get3A_15] : memref<1024x128xf32, #tpu.memory_space<vmem>>, vector<1024x128xf32>
    %dot_general3A_17 = arith.constant dense<0.000000e+00> : vector<512x128xf32>
    %dot_general3A_18 = tpu.matmul %max3A_13, %get3A_16, %dot_general3A_17 {dimension_numbers = #tpu.dot_dimension_numbers<[1], [0], [0], [1], [0, 0, 1, 1], [], []>, transpose_lhs_hint = false} : vector<512x1024xf32>, vector<1024x128xf32>, vector<512x128xf32> -> vector<512x128xf32>
    %get3A_19 = arith.constant 0 : index
    %get3A_20 = arith.constant 0 : index
    %get3A_21 = vector.load %arg5[%get3A_19, %get3A_20] : memref<1x128xf32, #tpu.memory_space<vmem>>, vector<1x128xf32>
    %add3A_22 = vector.broadcast %get3A_21 : vector<1x128xf32> to vector<512x128xf32>
    %add3A_23 = arith.addf %dot_general3A_18, %add3A_22 : vector<512x128xf32>
    %swap3A = arith.constant 0 : index
    %swap3A_24 = arith.constant 0 : index
    %swap3A_25 = vector.load %arg6[%swap3A, %swap3A_24] : memref<512x128xf32, #tpu.memory_space<vmem>>, vector<512x128xf32>
    tpu.vector_store %arg6[%swap3A, %swap3A_24], %add3A_23 {strides = array<i32>} : memref<512x128xf32, #tpu.memory_space<vmem>>, vector<512x128xf32>,
    return
  }
  func.func @transform_0(%arg0: i32) -> (i32, i32) {
    %c0_i32 = arith.constant 0 : i32
    %c0_i32_0 = arith.constant 0 : i32
    return %arg0, %c0_i32 : i32, i32
  }
  func.func @transform_1(%arg0: i32) -> (i32, i32) {
    %c0_i32 = arith.constant 0 : i32
    %c0_i32_0 = arith.constant 0 : i32
    %c0_i32_1 = arith.constant 0 : i32
    return %c0_i32, %c0_i32_0 : i32, i32
  }
  func.func @transform_2(%arg0: i32) -> (i32, i32) {
    %c0_i32 = arith.constant 0 : i32
    %c0_i32_0 = arith.constant 0 : i32
    %c0_i32_1 = arith.constant 0 : i32
    return %c0_i32, %c0_i32_0 : i32, i32
  }
  func.func @transform_3(%arg0: i32) -> (i32, i32) {
    %c0_i32 = arith.constant 0 : i32
    %c0_i32_0 = arith.constant 0 : i32
    %c0_i32_1 = arith.constant 0 : i32
    return %c0_i32, %c0_i32_0 : i32, i32
  }
  func.func @transform_4(%arg0: i32) -> (i32, i32) {
    %c0_i32 = arith.constant 0 : i32
    %c0_i32_0 = arith.constant 0 : i32
    %c0_i32_1 = arith.constant 0 : i32
    return %c0_i32, %c0_i32_0 : i32, i32
  }
  func.func @transform_5(%arg0: i32) -> (i32, i32) {
    %c0_i32 = arith.constant 0 : i32
    %c0_i32_0 = arith.constant 0 : i32
    return %arg0, %c0_i32 : i32, i32
  }
}

</mosaic_0001>

<sc_bundles>
// kernel: kernel.5.cloned.1.call-start
scs
__scs_entry_jumppad:
0x0: {  	(pc) =	sbr.rel $0x88, $3  }
0x1: {  	(tag) =	ssettag $0x0;
	lr =	simm.s32 $0x1  }
0x2: {  	[smem:$0x3F9B] =	sst lr;
	_ =	strace $0xD0000000  }
0x3: {  	_ = 	snop  }
0x4: {  	_ = 	snop  }
0x5: {  	_ = 	snop  }
0x6: {  	_ = 	snop  }
0x7: {  	_ = 	snop  }
__scs_overlays_trampoline_lowered:
0x8: {  	[smem:$0x3FAA] =	sst s0  }
0x9: {  	[smem:$0x3FAB] =	sst s1  }
0xa: {  	[smem:$0x3FAC] =	sst s2  }
0xb: {  	[smem:$0x3FAD] =	sst s3  }
0xc: {  	[smem:$0x3FAE] =	sst s4  }
0xd: {  	[smem:$0x3FAF] =	sst s5  }
0xe: {  	[smem:$0x3FB0] =	sst s6  }
0xf: {  	[smem:$0x3FB1] =	sst s7  }
0x10: {  	[smem:$0x3FB2] =	sst s8  }
0x11: {  	[smem:$0x3FB3] =	sst s9;
	s0 =	simm.s32 @!p0 $0x0  }
0x12: {  	s1 =	sld [smem:$0x3F99];
	s0 =	simm.s32 @p0 $0x1  }
0x13: {  	[smem:$0x3FB4] =	sst s0;
	s0 =	simm.s32 @!p1 $0x0  }
0x14: {  	s2 =	sld [smem:$0x3F98];
	s0 =	simm.s32 @p1 $0x1  }
0x15: {  	[smem:$0x3FB5] =	sst s0;
	s0 =	simm.s32 @!p2 $0x0  }
0x16: {  	s3 =	sld [smem:$0x3FDB];
	s0 =	simm.s32 @p2 $0x1  }
0x17: {  	s4 =	simm.s32 $0x1BF5;
	[smem:$0x3FB7] =	sst s0  }
0x18: {  	s0 =	sld [smem:$0x3F9A];
	_ =	swait.ge [sflag:s4], $0x0  }
0x19: {  	s7 =	sld [smem:$0x3F9B]  }
0x1a: {  	s8 =	sadd.s32 $0xFFFFE003, lr  }
0x1b: {  	s9 =	sadd.s32 $0xFFFFFEF7, lr;
	s5 =	simm.s32 $0xFFFFFFFF;
	p2 =	slt.u32 s8, $0xFFFFF086  }
0x1c: {  	p1 =	slt.u32 s9, $0xF7A;
	s5 =	simm.s32 @!p2 $0x0  }
0x1d: {  	s5 =	simm.s32 @p1 $0x1;
	p0 =	seq.s32 s7, s2  }
0x1e: {  	s7 =	smul.u32 @!p0 $0xF7A, s2;
	p2 =	seq.s32 @!p0 s5, $0x0  }
0x1f: {  	s9 =	smul.u32 $0xF7A, s1;
	s8 =	simm.s32 @!p0 $0x1BF5;
	p2 =	por !p2, p0  }
0x20: {  	[sflag:s8] =	ssyncset.s32 @!p0 $0xFFFFF086;
	s6 =	sadd.s32 @!p0 s3, s7;
	s7 =	simm.s32 @!p0 $0x108  }
0x21: {  	s3 =	sadd.s32 s3, s9;
	s6 =	sadd.s32 @!p0 $0x88, s6;
	s7 =	simm.s32 @p2 $0x1082  }
0x22: {  	[simem:s7], [sflag:s8] =	dma.local @!p0 [hbm:s6], $0xF7A  }
0x23: {  	s9 =	sor.u32 $0xD0000000, s2;
	s6 =	simm.s32 $0x108;
	_ =	swait.ge @!p0 [sflag:s8], $0x0  }
0x24: {  	s3 =	sadd.s32 $0x88, s3;
	s6 =	simm.s32 @!p1 $0x1082;
	[sflag:s4] =	ssyncset.s32 $0xFFFFF086  }
0x25: {  	[simem:s6], [sflag:s4] =	dma.local [hbm:s3], $0xF7A  }
0x26: {  	[smem:$0x3F9B] =	sst s1;
	(tag) =	ssettag s2;
	_ =	strace s9  }
0x27: {  	s1 =	sld [smem:$0x3FAB]  }
0x28: {  	s2 =	sld [smem:$0x3FAC]  }
0x29: {  	s4 =	sld [smem:$0x3FAE]  }
0x2a: {  	p0 =	seq.s32 s5, $0x0;
	s5 =	sld [smem:$0x3FAF]  }
0x2b: {  	s6 =	sld [smem:$0x3FB0]  }
0x2c: {  	s7 =	sld [smem:$0x3FB1]  }
0x2d: {  	s3 =	simm.s32 $0x108;
	s8 =	sld [smem:$0x3FB2]  }
0x2e: {  	s3 =	simm.s32 @!p0 $0x1082;
	s9 =	sld [smem:$0x3FB3]  }
0x2f: {  	lr =	sadd.s32 s0, s3;
	s0 =	sld [smem:$0x3FAA]  }
0x30: {  	s3 =	sld [smem:$0x3FAD]  }
0x31: {  	[smem:$0x3FB6] =	sst s10  }
0x32: {  	s10 =	sld [smem:$0x3FB4];
	_ =	sdelay $0x3  }
0x33: {  	p0 =	seq.s32 s10, $0x1;
	s10 =	sld [smem:$0x3FB6];
	_ =	sdelay $0x3  }
0x34: {  	[smem:$0x3FB6] =	sst s10  }
0x35: {  	s10 =	sld [smem:$0x3FB5];
	_ =	sdelay $0x3  }
0x36: {  	p1 =	seq.s32 s10, $0x1;
	s10 =	sld [smem:$0x3FB6];
	_ =	sdelay $0x3  }
0x37: {  	[smem:$0x3FB6] =	sst s10  }
0x38: {  	s10 =	sld [smem:$0x3FB7]  }
0x39: {  	_ = 	snop;
	(pc) =	sbr.ind lr, $3  }
0x3a: {  	_ = 	snop  }
0x3b: {  	_ = 	snop  }
0x3c: {  	p2 =	seq.s32 s10, $0x1;
	s10 =	sld [smem:$0x3FB6]  }
0x3d: {  	_ =	shalt  }
0x3e: {  	_ =	shalt  }
0x3f: {  	_ =	shalt  }
0x40: {  	_ =	shalt  }
0x41: {  	_ =	shalt  }
0x42: {  	_ =	shalt  }
0x43: {  	_ =	shalt  }
0x44: {  	_ =	shalt  }
0x45: {  	_ =	shalt  }
0x46: {  	_ =	shalt  }
0x47: {  	_ =	shalt  }
0x48: {  	_ =	shalt  }
0x49: {  	_ =	shalt  }
0x4a: {  	_ =	shalt  }
0x4b: {  	_ =	shalt  }
0x4c: {  	_ =	shalt  }
0x4d: {  	_ =	shalt  }
0x4e: {  	_ =	shalt  }
0x4f: {  	_ =	shalt  }
0x50: {  	_ =	shalt  }
0x51: {  	_ =	shalt  }
0x52: {  	_ =	shalt  }
0x53: {  	_ =	shalt  }
0x54: {  	_ =	shalt  }
0x55: {  	_ =	shalt  }
0x56: {  	_ =	shalt  }
0x57: {  	_ =	shalt  }
0x58: {  	_ =	shalt  }
0x59: {  	_ =	shalt  }
0x5a: {  	_ =	shalt  }
0x5b: {  	_ =	shalt  }
0x5c: {  	_ =	shalt  }
0x5d: {  	_ =	shalt  }
0x5e: {  	_ =	shalt  }
0x5f: {  	_ =	shalt  }
0x60: {  	_ =	shalt  }
0x61: {  	_ =	shalt  }
0x62: {  	_ =	shalt  }
0x63: {  	_ =	shalt  }
0x64: {  	_ =	shalt  }
0x65: {  	_ =	shalt  }
0x66: {  	_ =	shalt  }
0x67: {  	_ =	shalt  }
0x68: {  	_ =	shalt  }
0x69: {  	_ =	shalt  }
0x6a: {  	_ =	shalt  }
0x6b: {  	_ =	shalt  }
0x6c: {  	_ =	shalt  }
0x6d: {  	_ =	shalt  }
0x6e: {  	_ =	shalt  }
0x6f: {  	_ =	shalt  }
0x70: {  	_ =	shalt  }
0x71: {  	_ =	shalt  }
0x72: {  	_ =	shalt  }
0x73: {  	_ =	shalt  }
0x74: {  	_ =	shalt  }
0x75: {  	_ =	shalt  }
0x76: {  	_ =	shalt  }
0x77: {  	_ =	shalt  }
0x78: {  	_ =	shalt  }
0x79: {  	_ =	shalt  }
0x7a: {  	_ =	shalt  }
0x7b: {  	_ =	shalt  }
0x7c: {  	_ =	shalt  }
0x7d: {  	_ =	shalt  }
0x7e: {  	_ =	shalt  }
0x7f: {  	_ =	shalt  }
0x80: {  	_ =	shalt  }
0x81: {  	_ =	shalt  }
0x82: {  	_ =	shalt  }
0x83: {  	_ =	shalt  }
0x84: {  	_ =	shalt  }
0x85: {  	_ =	shalt  }
0x86: {  	_ =	shalt  }
0x87: {  	_ =	shalt  }
.Lfunc_end0:
.L_simem_size_0:
called_computation_lowered:
.L_overlay_start_0:
0x88: {  	s2 =	sld [smem:$0x3FD9]  }
0x89: {  	s3 =	sld [smem:$0x3FFE];
	_ =	sdelay $0x1  }
0x8a: {  	s1 =	srdreg.scid  }
0x8b: {  	s0 =	sand.u32 $0x1, s1  }
0x8c: {  	s16 =	sshll.u32 s0, $0xA;
	s2 =	sadd.s32 s3, s2  }
0x8d: {  	s2 =	sadd.s32 s2, s16  }
0x8e: {  	[smem:$0x3FC2] =	sst s2  }
0x8f: {  	_ = 	snop  }
0x90: {  	(tm) =	ssettm $0x1  }
0x91: {  	s17 =	sld [smem:$0x3FFB];
	_ =	sdelay $0x3  }
0x92: {  	_ =	strace s17  }
0x93: {  	s2 =	sld [smem:$0x3FFC];
	_ =	sdelay $0x3  }
0x94: {  	_ =	strace s2  }
0x95: {  	s2 =	sld [smem:$0x3FFD];
	_ =	sdelay $0x3  }
0x96: {  	_ =	strace s2  }
0x97: {  	_ =	strace $0x8FFFFFFF  }
0x98: {  	s18 =	sld [smem:$0x3FDB];
	_ =	sdelay $0x1  }
0x99: {  	s19 =	simm.s32 $_scs_section_size  }
0x9a: {  	s4 =	simm.s32 $_size__tile_overlayer_lowered;
	s5 =	simm.s32 $_tile_overlayer_lowered  }
0x9b: {  	s22 =	simm.s32 $0x1BFF;
	s21 =	sshll.u32 s5, $0x1;
	s2 =	sadd.s32 s19, s18  }
0x9c: {  	s6 =	simm.s32 $0x0;
	s20 =	sshll.u32 s4, $0x1;
	s4 =	sadd.s32 s21, s2  }
0x9d: {  	[timem:s6], [sflag:s22] =	dma.local [hbm:s4], s20  }
0x9e: {  	_ =	swait.ge [sflag:s22], s20  }
0x9f: {  	s3 =	ssub.s32 $0x0, s20;
	[sflag:s22] =	ssyncset.done $0x0  }
0xa0: {  	[sflag:s22] =	ssyncadd.s32 s3;
	_ =	sdelay $0x1  }
0xa1: {  	s23 =	simm.s32 $0x1B8B  }
0xa2: {  	_ =	swait.ge [sflag:s23], $0x1  }
0xa3: {  	[sflag:s23] =	ssyncset.done $0x0  }
0xa4: {  	s25 =	simm.s32 $0x1B8E;
	s24 =	sld [smem:$0x3FFE];
	[sflag:s23] =	ssyncadd.s32 $0xFFFFFFFF  }
0xa5: {  	s26 =	simm.s32 $execute0_lowered;
	[smem:$0x3FD2] =	sst s25  }
0xa6: {  	s4 =	sshll.u32 s26, $0x1;
	_ =	strace $0x80000046;
	[dreg:$0x1] =	wrdreg $0xFFFFFFFF  }
0xa7: {  	s28 =	simm.s32 $_size_execute0_lowered;
	s2 =	sadd.s32 s2, s4;
	[dreg:$0x0] =	wrdreg $0x0  }
0xa8: {  	s4 =	sshll.u32 s28, $0x1;
	[dreg:$0x2] =	wrdreg s2  }
0xa9: {  	[dreg:$0x3] =	wrdreg s4  }
0xaa: {  	[dreg:$0x4] =	wrdreg $0xC0  }
0xab: {  	_ =	task [dreg:s6], $0x5FFFF  }
0xac: {  	[dreg:$0x1] =	wrdreg $0xFFFFFFFF  }
0xad: {  	[dreg:$0x0] =	wrdreg $0x60  }
0xae: {  	[dreg:$0x2] =	wrdreg s24  }
0xaf: {  	[dreg:$0x3] =	wrdreg $0x9  }
0xb0: {  	_ =	task.clear_ibuf [dreg:s6], $0x4FFFF;
	_ =	strace $0x90000046  }
0xb1: {  	s29 =	simm.s32 $0x9;
	_ =	strace $0x80000048  }
0xb2: {  	_ =	swait.ge [sflag:s29], $0x1  }
0xb3: {  	[sflag:s29] =	ssyncadd.s32 $0xFFFFFFFF  }
0xb4: {  	_ =	strace $0x90000048  }
0xb5: {  	_ =	sfence  }
0xb6: {  	s30 =	sld [smem:$0x0];
	_ =	sdelay $0x2  }
0xb7: {  	s31 =	sshll.u32 s1, $0xD;
	s1 =	sshrl.u32 s1, $0x2  }
0xb8: {  	s3 =	sand.u32 $0x4000, s31;
	s1 =	sadd.s32 s1, s30  }
0xb9: {  	s0 =	sor.u32 s3, s0;
	s1 =	sshll.u32 s1, $0x11  }
0xba: {  	s0 =	sor.u32 s1, s0  }
0xbb: {  	s0 =	sadd.s32 $0x8F2B, s0  }
0xbc: {  	[sflag:s0] =	ssyncadd.remote.s32 $0x1  }
0xbd: {  	_ =	sfence.sel $0xFFFF  }
0xbe: {  	[dreg:$0x0] =	wrdreg $0xFFFFFFFF;
	(pc) =	sbr.abs _section_cstart, $3  }
0xbf: {  	[dreg:$0x1] =	wrdreg $0xFFFFFFFF  }
0xc0: {  	_ =	task.clear_ibuf [dreg:s6], $0x2FFFF;
	_ =	strace $0x9FFFFFFF  }
0xc1: {  	(tm) =	ssettm $0x7FFFFFFF  }
tec
execute0_lowered:
.L_overlay_start_1:
0x0: {  	(tag) =	ssettag $0x1  }
0x1: {  	s0 =	srdreg.scid;
	s2 =	stileid.u32  }
0x2: {  	s1 =	rddreg [dreg:$0x0];
	s7 =	simm.s32 $0x3;
	s8 =	simm.s32 $0x60  }
0x3: {  	s10 =	simm.s32 $0x68;
	s12 =	simm.s32 $0x12C80;
	s13 =	simm.s32 $0x15C80  }
0x4: {  	s14 =	simm.s32 $0x1;
	s15 =	simm.s32 $0x2;
	s16 =	simm.s32 $0x19080  }
0x5: {  	s0 =	sand.u32 $0x1, s0;
	s3 =	sshll.u32 s2, $0x1;
	s2 =	simm.s32 $0x0  }
0x6: {  	s17 =	simm.s32 $0x0;
	s3 =	sor.u32 s0, s3;
	[smem:$0x7FF] =	sst s2  }
0x7: {  	s0 =	ssub.s32 $0x2, s0;
	s4 =	smul.u32 $0xC80, s3;
	_ =	strace $0x80000047  }
0x8: {  	s5 =	sshll.u32 s3, $0xA;
	s3 =	sadd.s32 $0x19C00, s1;
	s31 =	sshrl.u32 s0, $0x1  }
0x9: {  	s0 =	ssub.s32 s0, s31;
	s4 =	sadd.s32 s4, s1;
	s1 =	sadd.s32 s5, s1  }
0xa: {  	s6 =	smax.u32 s0, $0x1;
	s4 =	sadd.s32 $0xC00, s4;
	s5 =	sadd.s32 $0x7C9C00, s1  }
.LBB2_1:
0xb: {  	[tilespmem:s2], [sflag:$0x3] =	stream.linear.gather [hbm4b:s4+s2], $0x6400, $0x38;
	[tilespmem:$0x1B080] =	vst v63  }
0xc: {  	_ =	swait.ge [sflag:s7], $0x6400  }
0xd: {  	[sflag:s7] =	ssyncset.done $0x0  }
0xe: {  	s18 =	simm.s32 $0x0;
	[sflag:s7] =	ssyncadd.s32 $0xFFFF9C00  }
0xf: {  	v1 =	vld [tilespmem:s18+$0x0]  }
0x10: {  	v2 =	vld [tilespmem:s18+$0x10]  }
0x11: {  	v3 =	vld [tilespmem:s18+$0x20]  }
0x12: {  	v5 =	vld [tilespmem:s18+$0x30];
	_ =	sdelay $0x3  }
0x13: {  	v0 =	vadd.s32 $0xFFF85000, v1;
	v4 =	vadd.s32 $0xFFF85000, v2  }
0x14: {  	v6 =	vadd.s32 $0xFFF85000, v3;
	v7 =	vadd.s32 $0xFFF85000, v5;
	vm0 =	vlt.s32 v0, $0x0  }
0x15: {  	v8 =	vsub.s32 $0x7AFFF, v2;
	vm13 =	vlt.s32 v4, $0x0;
	v0 =	vsel vm0, v1, v0  }
0x16: {  	s1 =	simm.s32 $0x40;
	v9 =	vsub.s32 $0x7AFFF, v5;
	vm14 =	vlt.s32 v6, $0x0;
	v4 =	vsel vm13, v2, v4;
	[tilespmem:s18+$0x0] =	vst v0  }
0x17: {  	vm15 =	vlt.s32 v7, $0x0;
	v6 =	vsel vm14, v3, v6;
	v3 =	vsub.s32 $0x7AFFF, v3;
	v0 =	vld [tilespmem:s1+$0x0];
	[tilespmem:s18+$0x10] =	vst v4  }
0x18: {  	v7 =	vsel vm15, v5, v7;
	v5 =	vshrl.u32 v3, $0x1F;
	v4 =	vsub.s32 $0x7AFFF, v1;
	v1 =	vld [tilespmem:s1+$0x10];
	[tilespmem:s18+$0x20] =	vst v6  }
0x19: {  	s0 =	simm.s32 $0x200;
	v3 =	vshrl.u32 v9, $0x1F;
	v4 =	vshrl.u32 v4, $0x1F;
	v6 =	vshrl.u32 v8, $0x1F;
	v2 =	vld [tilespmem:s1+$0x20];
	[tilespmem:s18+$0x30] =	vst v7  }
.LBB2_2:
0x1a: {  	p0 =	sne.s32 s0, $0x18F00;
	v7 =	vld [tilespmem:s1+$0x30];
	[tilespmem:s18+$0x6400] =	vst v4  }
0x1b: {  	[tilespmem:s18+$0x6410] =	vst v6  }
0x1c: {  	v4 =	vadd.s32 $0xFFF85000, v0;
	v6 =	vsub.s32 $0x7AFFF, v0;
	[tilespmem:s18+$0x6420] =	vst v5  }
0x1d: {  	vm0 =	vlt.s32 v4, $0x0;
	v5 =	vadd.s32 $0xFFF85000, v1;
	v8 =	vsub.s32 $0x7AFFF, v1;
	[tilespmem:s18+$0x6430] =	vst v3;
	s18 =	smov.u32 s1  }
.Ltmp0:
0x1e: {  	v0 =	vsel vm0, v0, v4;
	vm0 =	vlt.s32 v5, $0x0;
	v3 =	vadd.s32 $0xFFF85000, v2;
	(pc) =	sbr.rel @p0 .LBB2_2-.Ltmp0, $4  }
0x1f: {  	s1 =	sshra.s32 s0, $0x2;
	[tilespmem:s18+$0x0] =	vst v0;
	v1 =	vsel vm0, v1, v5;
	vm0 =	vlt.s32 v3, $0x0;
	v5 =	vadd.s32 $0xFFF85000, v7  }
0x20: {  	v9 =	vsub.s32 $0x7AFFF, v2;
	v0 =	vld [tilespmem:s1+$0x0];
	[tilespmem:s18+$0x10] =	vst v1;
	v2 =	vsel vm0, v2, v3;
	vm0 =	vlt.s32 v5, $0x0  }
0x21: {  	v4 =	vshrl.u32 v6, $0x1F;
	v3 =	vsub.s32 $0x7AFFF, v7;
	v1 =	vld [tilespmem:s1+$0x10];
	[tilespmem:s18+$0x20] =	vst v2;
	v7 =	vsel vm0, v7, v5  }
0x22: {  	s0 =	sadd.s32 $0x100, s0;
	v6 =	vshrl.u32 v8, $0x1F;
	v5 =	vshrl.u32 v9, $0x1F;
	v3 =	vshrl.u32 v3, $0x1F;
	v2 =	vld [tilespmem:s1+$0x20];
	[tilespmem:s18+$0x30] =	vst v7  }
0x23: {  	_ = 	snop  }
0x24: {  	v7 =	vld [tilespmem:s1+$0x30];
	[tilespmem:s18+$0x6400] =	vst v4  }
0x25: {  	[tilespmem:s18+$0x6410] =	vst v6;
	v52 =	vadd.s32 $0xFFF85000, v0  }
0x26: {  	[tilespmem:s18+$0x6420] =	vst v5;
	vm0 =	vlt.s32 v52, $0x0  }
0x27: {  	[tilespmem:s18+$0x6430] =	vst v3;
	v59 =	vsub.s32 $0x7AFFF, v0;
	v53 =	vadd.s32 $0xFFF85000, v1;
	v54 =	vsel vm0, v0, v52  }
0x28: {  	vm13 =	vlt.s32 v53, $0x0;
	v0 =	vshrl.u32 v59, $0x1F;
	[tilespmem:s1+$0x0] =	vst v54  }
0x29: {  	v61 =	vsub.s32 $0x7AFFF, v1;
	v55 =	vadd.s32 $0xFFF85000, v2;
	v56 =	vsel vm13, v1, v53;
	[tilespmem:s1+$0x6400] =	vst v0  }
0x2a: {  	vm14 =	vlt.s32 v55, $0x0;
	v1 =	vshrl.u32 v61, $0x1F;
	[tilespmem:s1+$0x10] =	vst v56  }
0x2b: {  	v62 =	vsub.s32 $0x7AFFF, v2;
	v58 =	vsel vm14, v2, v55;
	[tilespmem:s1+$0x6410] =	vst v1  }
0x2c: {  	v57 =	vadd.s32 $0xFFF85000, v7;
	v63 =	vsub.s32 $0x7AFFF, v7;
	v2 =	vshrl.u32 v62, $0x1F;
	[tilespmem:s1+$0x20] =	vst v58  }
0x2d: {  	vm15 =	vlt.s32 v57, $0x0;
	v0 =	vshrl.u32 v63, $0x1F;
	[tilespmem:s1+$0x6420] =	vst v2  }
0x2e: {  	v60 =	vsel vm15, v7, v57;
	[tilespmem:s1+$0x6430] =	vst v0  }
0x2f: {  	s18 =	simm.s32 $0x0;
	s0 =	simm.s32 $0xC880;
	[tilespmem:s1+$0x30] =	vst v60  }
0x30: {  	[tilespmem:s0], [sflag:$0x1] =	stream.indirect.gather [hbm4b:s3+s8], $0x80, s18, s8, $0xb8;
	[tilespmem:$0x1B080] =	vst v63  }
0x31: {  	s31 =	simm.s32 $0xF880;
	s19 =	simm.s32 $0x6400;
	s20 =	simm.s32 $0x64C8  }
0x32: {  	[tilespmem:s31], [sflag:$0x1] =	stream.indirect.gather [hbm4b:s3+s10], $0x80, s8, s10, $0xb8;
	[tilespmem:$0x1B080] =	vst v63  }
.LBB2_4:
0x33: {  	s21 =	sshllo.u32 s18, $0x1  }
0x34: {  	s22 =	smul.u32 $0xC8, s21;
	_ =	sdelay $0x1  }
0x35: {  	[tilespmem:s12], [sflag:$0x2] =	stream.indirect.gather [hbm4b:s3+s8], $0x80, s22, s8, $0xb8;
	[tilespmem:$0x1B080] =	vst v63  }
0x36: {  	s0 =	sadd.s32 $0x60, s22  }
0x37: {  	[tilespmem:s13], [sflag:$0x2] =	stream.indirect.gather [hbm4b:s3+s10], $0x80, s0, s10, $0xb8;
	[tilespmem:$0x1B080] =	vst v63  }
0x38: {  	_ =	swait.ge [sflag:s14], $0x6400  }
0x39: {  	[sflag:s14] =	ssyncset.done $0x0  }
0x3a: {  	[sflag:s14] =	ssyncadd.s32 $0xFFFF9C00  }
0x3b: {  	v0 =	vld [tilespmem:s19+$0x0];
	_ =	sdelay $0x4  }
0x3c: {  	v0 =	vshll.u32 v0, $0x6  }
0x3d: {  	s24 =	simm.s32 $0x0;
	v0 =	vand.u32 $0x40, v0  }
0x3e: {  	v13 =	vadd.s32 s24, v0  }
0x3f: {  	(v2sf) =	vpush v13, $0xF  }
0x40: {  	(v2sf) =	vpush v13, $0x9;
	_ =	sdelay $0x2  }
0x41: {  	(v2sf) =	vpush v13, $0x6;
	_ =	sdelay $0x3  }
0x42: {  	(v2sf) =	vpush v13, $0x8;
	_ =	sdelay $0x1  }
0x43: {  	(v2sf) =	vpush v13, $0x4;
	_ =	sdelay $0x3  }
0x44: {  	(v2sf) =	vpush v13, $0x1  }
0x45: {  	s24 =	spop (v2sf)  }
0x46: {  	s30 =	spop (v2sf)  }
0x47: {  	v1 =	vld [tilespmem:s30+$0xCD30]  }
0x48: {  	(v2sf) =	vpush v13, $0x3;
	v0 =	vld [tilespmem:s30+$0xCD10]  }
0x49: {  	s25 =	spop (v2sf);
	v6 =	vld [tilespmem:s30+$0xCD20]  }
0x4a: {  	v4 =	vld [tilespmem:s25+$0xCB90]  }
0x4b: {  	(v2sf) =	vpush v13, $0x2;
	v5 =	vld [tilespmem:s25+$0xCBB0]  }
0x4c: {  	(v2sf) =	vpush v13, $0x5;
	v9 =	vld [tilespmem:s25+$0xCB80]  }
0x4d: {  	(v2sf) =	vpush v13, $0x0;
	s28 =	spop (v2sf);
	v8 =	vld [tilespmem:s25+$0xCBA0]  }
0x4e: {  	(v2sf) =	vpush v13, $0x7;
	v2 =	vld [tilespmem:s28+$0xCCB0]  }
0x4f: {  	v3 =	vld [tilespmem:s28+$0xCC90];
	s1 =	spop (v2sf)  }
0x50: {  	v11 =	vld [tilespmem:s1+$0xCA90]  }
0x51: {  	v15 =	vld [tilespmem:s1+$0xCAA0]  }
0x52: {  	v17 =	vld [tilespmem:s1+$0xCA80]  }
0x53: {  	s26 =	spop (v2sf);
	v10 =	vld [tilespmem:s1+$0xCAB0]  }
0x54: {  	v32 =	vld [tilespmem:s26+$0xC910]  }
0x55: {  	v27 =	vld [tilespmem:s26+$0xC930]  }
0x56: {  	v24 =	vld [tilespmem:s26+$0xC920]  }
0x57: {  	s9 =	spop (v2sf);
	v34 =	vld [tilespmem:s26+$0xC900]  }
0x58: {  	v18 =	vld [tilespmem:s9+$0xCA10]  }
0x59: {  	(v2sf) =	vpush v13, $0xA;
	v25 =	vld [tilespmem:s9+$0xCA20]  }
0x5a: {  	s23 =	spop (v2sf);
	v28 =	vld [tilespmem:s9+$0xCA00]  }
0x5b: {  	v20 =	vld [tilespmem:s9+$0xCA30];
	s31 =	spop (v2sf)  }
0x5c: {  	v23 =	vld [tilespmem:s23+$0xC990];
	s1 =	spop (v2sf)  }
0x5d: {  	v21 =	vld [tilespmem:s23+$0xC9B0];
	s9 =	spop (v2sf);
	(v2sf) =	vpush v13, $0xB  }
0x5e: {  	v29 =	vld [tilespmem:s23+$0xC9A0]  }
0x5f: {  	v30 =	vld [tilespmem:s23+$0xC980];
	(v2sf) =	vpush v13, $0xC  }
0x60: {  	v7 =	vld [tilespmem:s31+$0xCB30]  }
0x61: {  	v16 =	vld [tilespmem:s31+$0xCB00]  }
0x62: {  	v19 =	vld [tilespmem:s31+$0xCB20]  }
0x63: {  	v22 =	vld [tilespmem:s1+$0xC8B0];
	(v2sf) =	vpush v13, $0xE  }
0x64: {  	v35 =	vld [tilespmem:s1+$0xC8A0]  }
0x65: {  	v36 =	vld [tilespmem:s1+$0xC880];
	(v2sf) =	vpush v13, $0xD  }
0x66: {  	v14 =	vld [tilespmem:s9+$0xCC20]  }
0x67: {  	v26 =	vimm.f32 $0.0e+00;
	s25 =	simm.s32 $0x2000;
	v12 =	vld [tilespmem:s9+$0xCC10]  }
0x68: {  	v31 =	vimm.f32 $0.0e+00;
	v33 =	vimm.f32 $0.0e+00;
	s26 =	smov.u32 s19;
	s23 =	smul.u32 $0x190, s18;
	s29 =	spop (v2sf);
	v13 =	vld [tilespmem:s9+$0xCC30];
	v22 =	vadd.f32 v22, v26  }
.LBB2_5:
0x69: {  	p0 =	sne.s32 s25, $0x16000  }
0x6a: {  	v37 =	vld [tilespmem:s29+$0xCDA0];
	s26 =	sadd.s32 $0x10, s26;
	s11 =	smov.u32 s25;
	s25 =	sadd.s32 $0x2000, s25  }
0x6b: {  	v38 =	vld [tilespmem:s1+$0xC890]  }
0x6c: {  	v35 =	vadd.f32 v35, v26;
	v39 =	vld [tilespmem:s9+$0xCC00];
	s9 =	spop (v2sf)  }
0x6d: {  	v31 =	vadd.f32 v36, v31;
	v26 =	vld [tilespmem:s9+$0xCE30]  }
0x6e: {  	v35 =	vadd.f32 v24, v35;
	v36 =	vld [tilespmem:s30+$0xCD00];
	s1 =	spop (v2sf)  }
0x6f: {  	v31 =	vadd.f32 v34, v31;
	v24 =	vld [tilespmem:s1+$0xCEB0]  }
0x70: {  	v34 =	vld [tilespmem:s26+$0x0];
	v33 =	vadd.f32 v38, v33;
	v29 =	vadd.f32 v29, v35  }
0x71: {  	v30 =	vadd.f32 v30, v31;
	v31 =	vld [tilespmem:s31+$0xCB10]  }
0x72: {  	v32 =	vadd.f32 v32, v33;
	v33 =	vld [tilespmem:s29+$0xCD80];
	s0 =	spop (v2sf)  }
0x73: {  	v25 =	vadd.f32 v25, v29;
	v28 =	vadd.f32 v28, v30;
	v29 =	vld [tilespmem:s0+$0xCF80]  }
0x74: {  	v30 =	vadd.f32 v23, v32;
	v23 =	vld [tilespmem:s24+$0xD030];
	s30 =	spop (v2sf)  }
0x75: {  	v15 =	vadd.f32 v15, v25;
	v32 =	vshll.u32 v34, $0x6;
	v17 =	vadd.f32 v17, v28;
	v25 =	vld [tilespmem:s30+$0xCF00]  }
0x76: {  	v27 =	vadd.f32 v27, v22;
	s11 =	sshra.s32 s11, $0x2;
	v28 =	vand.u32 $0x40, v32;
	v30 =	vadd.f32 v18, v30;
	v18 =	vld [tilespmem:s0+$0xCFB0]  }
0x77: {  	v15 =	vadd.f32 v19, v15;
	v22 =	vadd.s32 s11, v28;
	v16 =	vadd.f32 v16, v17;
	v17 =	vld [tilespmem:s28+$0xCC80]  }
0x78: {  	v19 =	vadd.f32 v21, v27;
	(v2sf) =	vpush v22, $0xF;
	v21 =	vld [tilespmem:s28+$0xCCA0]  }
0x79: {  	v11 =	vadd.f32 v11, v30;
	(v2sf) =	vpush v22, $0x9;
	v27 =	vld [tilespmem:s1+$0xCE80]  }
0x7a: {  	v19 =	vadd.f32 v20, v19;
	(v2sf) =	vpush v22, $0x6;
	v20 =	vld [tilespmem:s9+$0xCE00]  }
0x7b: {  	v9 =	vadd.f32 v9, v16;
	(v2sf) =	vpush v22, $0x8;
	v16 =	vld [tilespmem:s29+$0xCD90]  }
0x7c: {  	v8 =	vadd.f32 v8, v15;
	(v2sf) =	vpush v22, $0x4;
	v15 =	vld [tilespmem:s30+$0xCF30]  }
0x7d: {  	v9 =	vadd.f32 v39, v9;
	(v2sf) =	vpush v22, $0x1;
	v28 =	vld [tilespmem:s9+$0xCE10]  }
0x7e: {  	v11 =	vadd.f32 v31, v11;
	(v2sf) =	vpush v22, $0x3;
	v30 =	vld [tilespmem:s9+$0xCE20]  }
0x7f: {  	v8 =	vadd.f32 v14, v8;
	(v2sf) =	vpush v22, $0x2;
	v14 =	vld [tilespmem:s1+$0xCE90]  }
0x80: {  	v10 =	vadd.f32 v10, v19;
	v9 =	vadd.f32 v17, v9;
	v17 =	vld [tilespmem:s1+$0xCEA0]  }
0x81: {  	v8 =	vadd.f32 v21, v8;
	(v2sf) =	vpush v22, $0x5;
	v19 =	vld [tilespmem:s30+$0xCF10]  }
0x82: {  	v7 =	vadd.f32 v7, v10;
	(v2sf) =	vpush v22, $0x0;
	v10 =	vld [tilespmem:s30+$0xCF20]  }
0x83: {  	v9 =	vadd.f32 v36, v9;
	v6 =	vadd.f32 v6, v8;
	v21 =	vld [tilespmem:s0+$0xCF90]  }
0x84: {  	v4 =	vadd.f32 v4, v11;
	v5 =	vadd.f32 v5, v7;
	v7 =	vld [tilespmem:s0+$0xCFA0]  }
0x85: {  	v8 =	vadd.f32 v33, v9;
	v6 =	vadd.f32 v37, v6;
	v32 =	vld [tilespmem:s24+$0xD010]  }
0x86: {  	v4 =	vadd.f32 v12, v4;
	v5 =	vadd.f32 v13, v5;
	v11 =	vld [tilespmem:s24+$0xD020]  }
0x87: {  	v8 =	vadd.f32 v20, v8;
	v6 =	vadd.f32 v30, v6;
	s0 =	spop (v2sf);
	v9 =	vld [tilespmem:s29+$0xCDB0]  }
0x88: {  	v3 =	vadd.f32 v3, v4;
	v2 =	vadd.f32 v2, v5;
	s30 =	spop (v2sf);
	v12 =	vld [tilespmem:s24+$0xD000];
	s24 =	smov.u32 s0  }
0x89: {  	v5 =	vadd.f32 v27, v8;
	v6 =	vadd.f32 v17, v6;
	v13 =	vld [tilespmem:s30+$0xCD30];
	s1 =	spop (v2sf)  }
0x8a: {  	v3 =	vadd.f32 v0, v3;
	v1 =	vadd.f32 v1, v2;
	s28 =	spop (v2sf);
	v0 =	vld [tilespmem:s30+$0xCD10]  }
0x8b: {  	v8 =	vadd.f32 v25, v5;
	v6 =	vadd.f32 v10, v6;
	v4 =	vld [tilespmem:s1+$0xCB90];
	s9 =	spop (v2sf)  }
0x8c: {  	v10 =	vadd.f32 v16, v3;
	v5 =	vld [tilespmem:s1+$0xCBB0];
	s0 =	spop (v2sf);
	v9 =	vadd.f32 v9, v1  }
0x8d: {  	v8 =	vadd.f32 v29, v8;
	v6 =	vadd.f32 v7, v6;
	v2 =	vld [tilespmem:s28+$0xCCB0];
	s11 =	spop (v2sf)  }
0x8e: {  	v7 =	vadd.f32 v28, v10;
	v3 =	vld [tilespmem:s28+$0xCC90];
	s29 =	spop (v2sf);
	v10 =	vadd.f32 v26, v9;
	v1 =	vmov v13  }
0x8f: {  	v31 =	vadd.f32 v12, v8;
	v26 =	vadd.f32 v11, v6;
	v9 =	vld [tilespmem:s1+$0xCB80]  }
0x90: {  	v7 =	vadd.f32 v14, v7;
	v8 =	vld [tilespmem:s1+$0xCBA0];
	s31 =	spop (v2sf);
	v10 =	vadd.f32 v24, v10  }
0x91: {  	v11 =	vld [tilespmem:s9+$0xCA90];
	s1 =	spop (v2sf);
	(v2sf) =	vpush v22, $0x7  }
0x92: {  	v7 =	vadd.f32 v19, v7;
	v6 =	vld [tilespmem:s30+$0xCD20];
	v10 =	vadd.f32 v15, v10  }
0x93: {  	v15 =	vld [tilespmem:s9+$0xCAA0]  }
0x94: {  	v12 =	vadd.f32 v21, v7;
	v17 =	vld [tilespmem:s9+$0xCA80];
	v13 =	vadd.f32 v18, v10  }
0x95: {  	v7 =	vld [tilespmem:s31+$0xCB30]  }
0x96: {  	v33 =	vadd.f32 v32, v12;
	v10 =	vld [tilespmem:s9+$0xCAB0];
	v13 =	vadd.f32 v23, v13  }
0x97: {  	v18 =	vld [tilespmem:s11+$0xCA10];
	(v2sf) =	vpush v22, $0xA  }
0x98: {  	v16 =	vld [tilespmem:s31+$0xCB00]  }
0x99: {  	v23 =	vld [tilespmem:s29+$0xC990]  }
0x9a: {  	v19 =	vld [tilespmem:s31+$0xCB20]  }
0x9b: {  	v25 =	vld [tilespmem:s11+$0xCA20]  }
0x9c: {  	v21 =	vld [tilespmem:s29+$0xC9B0]  }
0x9d: {  	v29 =	vld [tilespmem:s29+$0xC9A0]  }
0x9e: {  	v28 =	vld [tilespmem:s11+$0xCA00];
	(v2sf) =	vpush v22, $0xB  }
0x9f: {  	v30 =	vld [tilespmem:s29+$0xC980]  }
0xa0: {  	v20 =	vld [tilespmem:s11+$0xCA30];
	s9 =	spop (v2sf);
	(v2sf) =	vpush v22, $0xC  }
0xa1: {  	v32 =	vld [tilespmem:s0+$0xC910]  }
0xa2: {  	v27 =	vld [tilespmem:s0+$0xC930]  }
0xa3: {  	v14 =	vld [tilespmem:s9+$0xCC20]  }
0xa4: {  	v37 =	vld [tilespmem:s1+$0xC8B0];
	(v2sf) =	vpush v22, $0xE  }
0xa5: {  	v24 =	vld [tilespmem:s0+$0xC920]  }
.Ltmp1:
0xa6: {  	v12 =	vld [tilespmem:s9+$0xCC10];
	s29 =	spop (v2sf);
	(v2sf) =	vpush v22, $0xD;
	(pc) =	sbr.rel @p0 .LBB2_5-.Ltmp1, $4  }
0xa7: {  	v34 =	vld [tilespmem:s0+$0xC900]  }
0xa8: {  	v35 =	vld [tilespmem:s1+$0xC8A0]  }
0xa9: {  	v36 =	vld [tilespmem:s1+$0xC880];
	v22 =	vadd.f32 v37, v13  }
0xaa: {  	v13 =	vld [tilespmem:s9+$0xCC30]  }
0xab: {  	v37 =	vld [tilespmem:s29+$0xCDA0]  }
0xac: {  	v38 =	vld [tilespmem:s1+$0xC890]  }
0xad: {  	v39 =	vld [tilespmem:s9+$0xCC00]  }
0xae: {  	v41 =	vld [tilespmem:s30+$0xCD00]  }
0xaf: {  	v43 =	vld [tilespmem:s31+$0xCB10]  }
0xb0: {  	v44 =	vld [tilespmem:s29+$0xCD80]  }
0xb1: {  	v45 =	vld [tilespmem:s23+$0x64C0]  }
0xb2: {  	v47 =	vld [tilespmem:s24+$0xD030]  }
0xb3: {  	v50 =	vld [tilespmem:s28+$0xCC80]  }
0xb4: {  	v59 =	vld [tilespmem:s28+$0xCCA0]  }
0xb5: {  	v62 =	vld [tilespmem:s29+$0xCD90];
	s0 =	spop (v2sf);
	v26 =	vadd.f32 v35, v26  }
0xb6: {  	v40 =	vld [tilespmem:s0+$0xCE30]  }
0xb7: {  	v63 =	vld [tilespmem:s0+$0xCE10];
	s9 =	spop (v2sf);
	v24 =	vadd.f32 v24, v26  }
0xb8: {  	v31 =	vadd.f32 v36, v31;
	v42 =	vld [tilespmem:s9+$0xCEB0];
	v45 =	vshll.u32 v45, $0x6  }
0xb9: {  	v61 =	vld [tilespmem:s9+$0xCE80];
	v60 =	vand.u32 $0x40, v45;
	v24 =	vadd.f32 v29, v24  }
0xba: {  	v26 =	vadd.f32 v34, v31;
	v31 =	vld [tilespmem:s0+$0xCE00];
	s25 =	spop (v2sf);
	(v2sf) =	vpush v60, $0x0  }
0xbb: {  	v33 =	vadd.f32 v38, v33;
	v24 =	vadd.f32 v25, v24;
	v25 =	vld [tilespmem:s9+$0xCE90]  }
0xbc: {  	v26 =	vadd.f32 v30, v26;
	v46 =	vld [tilespmem:s25+$0xCF80]  }
0xbd: {  	v22 =	vadd.f32 v27, v22;
	v30 =	vadd.f32 v32, v33;
	v49 =	vld [tilespmem:s25+$0xCFB0]  }
0xbe: {  	(v2sf) =	vpush v60, $0x1;
	v26 =	vadd.f32 v28, v26;
	v28 =	vld [tilespmem:s0+$0xCE20];
	s11 =	spop (v2sf)  }
0xbf: {  	v48 =	vld [tilespmem:s11+$0xCF00]  }
0xc0: {  	v21 =	vadd.f32 v21, v22;
	v23 =	vadd.f32 v23, v30;
	v29 =	vld [tilespmem:s11+$0xCF30]  }
0xc1: {  	v15 =	vadd.f32 v15, v24;
	v17 =	vadd.f32 v17, v26;
	v26 =	vld [tilespmem:s9+$0xCEA0]  }
0xc2: {  	(v2sf) =	vpush v60, $0x2;
	v24 =	vld [tilespmem:s11+$0xCF10];
	v18 =	vadd.f32 v18, v23  }
0xc3: {  	v22 =	vld [tilespmem:s11+$0xCF20];
	(v2sf) =	vpush v60, $0x3;
	v15 =	vadd.f32 v19, v15  }
0xc4: {  	v19 =	vld [tilespmem:s25+$0xCFA0];
	(v2sf) =	vpush v60, $0x4;
	v16 =	vadd.f32 v16, v17  }
0xc5: {  	v17 =	vld [tilespmem:s25+$0xCF90];
	v11 =	vadd.f32 v11, v18;
	v18 =	vadd.f32 v20, v21  }
0xc6: {  	(v2sf) =	vpush v60, $0x5;
	v8 =	vadd.f32 v8, v15;
	v15 =	vld [tilespmem:s24+$0xD020]  }
0xc7: {  	v9 =	vadd.f32 v9, v16;
	v16 =	vld [tilespmem:s24+$0xD010];
	v10 =	vadd.f32 v10, v18  }
0xc8: {  	(v2sf) =	vpush v60, $0x6;
	v11 =	vadd.f32 v43, v11;
	v18 =	vld [tilespmem:s29+$0xCDB0]  }
0xc9: {  	v8 =	vadd.f32 v14, v8;
	v7 =	vadd.f32 v7, v10;
	v10 =	vld [tilespmem:s24+$0xD000];
	s26 =	spop (v2sf)  }
0xca: {  	v9 =	vadd.f32 v39, v9;
	v4 =	vadd.f32 v4, v11;
	v11 =	vld [tilespmem:s26+$0x12880]  }
0xcb: {  	v8 =	vadd.f32 v59, v8;
	v5 =	vadd.f32 v5, v7;
	v7 =	vld [tilespmem:s26+$0x12890]  }
0xcc: {  	v9 =	vadd.f32 v50, v9;
	v4 =	vadd.f32 v12, v4;
	v12 =	vld [tilespmem:s26+$0x128A0]  }
0xcd: {  	v6 =	vadd.f32 v6, v8;
	v5 =	vadd.f32 v13, v5;
	v13 =	vld [tilespmem:s26+$0x128B0];
	s30 =	spop (v2sf)  }
0xce: {  	v9 =	vadd.f32 v41, v9;
	v3 =	vadd.f32 v3, v4;
	v4 =	vld [tilespmem:s30+$0x12900]  }
0xcf: {  	v6 =	vadd.f32 v37, v6;
	v2 =	vadd.f32 v2, v5;
	v5 =	vld [tilespmem:s30+$0x12910]  }
0xd0: {  	v8 =	vadd.f32 v44, v9;
	v0 =	vadd.f32 v0, v3;
	v3 =	vld [tilespmem:s30+$0x12920]  }
0xd1: {  	v6 =	vadd.f32 v28, v6;
	v1 =	vadd.f32 v1, v2;
	v2 =	vld [tilespmem:s30+$0x12930];
	s31 =	spop (v2sf)  }
0xd2: {  	(v2sf) =	vpush v60, $0x7;
	v0 =	vadd.f32 v62, v0;
	v9 =	vld [tilespmem:s31+$0x12980]  }
0xd3: {  	v8 =	vadd.f32 v31, v8;
	v14 =	vld [tilespmem:s31+$0x12990];
	v6 =	vadd.f32 v26, v6  }
0xd4: {  	v20 =	vld [tilespmem:s31+$0x129B0];
	v1 =	vadd.f32 v18, v1;
	v0 =	vadd.f32 v63, v0  }
0xd5: {  	s1 =	spop (v2sf);
	v18 =	vld [tilespmem:s31+$0x129A0];
	v8 =	vadd.f32 v61, v8;
	v6 =	vadd.f32 v22, v6  }
0xd6: {  	v21 =	vld [tilespmem:s1+$0x12A00];
	v1 =	vadd.f32 v40, v1;
	v0 =	vadd.f32 v25, v0  }
0xd7: {  	v23 =	vld [tilespmem:s1+$0x12A10];
	v8 =	vadd.f32 v48, v8;
	v6 =	vadd.f32 v19, v6  }
0xd8: {  	v22 =	vld [tilespmem:s1+$0x12A30];
	v1 =	vadd.f32 v42, v1;
	v0 =	vadd.f32 v24, v0  }
0xd9: {  	s9 =	spop (v2sf);
	v24 =	vld [tilespmem:s1+$0x12A20];
	v8 =	vadd.f32 v46, v8;
	v6 =	vadd.f32 v15, v6  }
0xda: {  	s11 =	spop (v2sf);
	v1 =	vadd.f32 v29, v1;
	v0 =	vadd.f32 v17, v0;
	v17 =	vld [tilespmem:s9+$0x12A80]  }
0xdb: {  	s24 =	spop (v2sf);
	v8 =	vadd.f32 v10, v8;
	v10 =	vld [tilespmem:s9+$0x12A90];
	v6 =	vadd.f32 v12, v6  }
0xdc: {  	v12 =	vld [tilespmem:s24+$0x12BA0];
	v1 =	vadd.f32 v49, v1;
	v0 =	vadd.f32 v16, v0  }
0xdd: {  	v16 =	vld [tilespmem:s9+$0x12AA0];
	v8 =	vadd.f32 v11, v8  }
0xde: {  	v11 =	vld [tilespmem:s9+$0x12AB0];
	v1 =	vadd.f32 v47, v1;
	v0 =	vadd.f32 v7, v0  }
0xdf: {  	v3 =	vadd.f32 v3, v6;
	v6 =	vld [tilespmem:s11+$0x12B30];
	v4 =	vadd.f32 v4, v8  }
0xe0: {  	v7 =	vld [tilespmem:s11+$0x12B00];
	v1 =	vadd.f32 v13, v1;
	v0 =	vadd.f32 v5, v0  }
0xe1: {  	v8 =	vld [tilespmem:s11+$0x12B10];
	v4 =	vadd.f32 v9, v4  }
0xe2: {  	v5 =	vld [tilespmem:s11+$0x12B20];
	v1 =	vadd.f32 v2, v1;
	v0 =	vadd.f32 v14, v0  }
0xe3: {  	v3 =	vadd.f32 v18, v3;
	v9 =	vld [tilespmem:s24+$0x12B90];
	v4 =	vadd.f32 v21, v4  }
0xe4: {  	v2 =	vld [tilespmem:s24+$0x12B80];
	v1 =	vadd.f32 v20, v1;
	v0 =	vadd.f32 v23, v0  }
0xe5: {  	s25 =	spop (v2sf);
	v13 =	vld [tilespmem:s24+$0x12BB0];
	v3 =	vadd.f32 v24, v3;
	v4 =	vadd.f32 v17, v4  }
0xe6: {  	v1 =	vadd.f32 v22, v1;
	v0 =	vadd.f32 v10, v0;
	v10 =	vld [tilespmem:s25+$0x12C00]  }
0xe7: {  	v3 =	vadd.f32 v16, v3;
	v4 =	vadd.f32 v7, v4;
	v7 =	vld [tilespmem:s25+$0x12C10]  }
0xe8: {  	v1 =	vadd.f32 v11, v1;
	v0 =	vadd.f32 v8, v0;
	v8 =	vld [tilespmem:s25+$0x12C20]  }
0xe9: {  	v3 =	vadd.f32 v5, v3;
	v2 =	vadd.f32 v2, v4;
	v4 =	vld [tilespmem:s25+$0x12C30]  }
0xea: {  	v1 =	vadd.f32 v6, v1;
	v0 =	vadd.f32 v9, v0  }
0xeb: {  	s26 =	sshll.u32 s18, $0x7;
	v3 =	vadd.f32 v12, v3;
	v2 =	vadd.f32 v10, v2  }
0xec: {  	s0 =	sand.u32 $0x3FFFFF80, s26;
	v1 =	vadd.f32 v13, v1;
	v0 =	vadd.f32 v7, v0  }
0xed: {  	v3 =	vadd.f32 v8, v3;
	[tilespmem:s0+$0x19080] =	vst v2  }
0xee: {  	v1 =	vadd.f32 v4, v1;
	[tilespmem:s0+$0x19090] =	vst v0  }
0xef: {  	p0 =	seq.s32 s18, $0x3F;
	[tilespmem:s0+$0x190A0] =	vst v3  }
0xf0: {  	s1 =	simm.s32 @!p0 $0x60;
	s9 =	simm.s32 @!p0 $0xC880;
	[tilespmem:s0+$0x190B0] =	vst v1;
	s0 =	sadd.s32 @!p0 $0x190, s23  }
0xf1: {  	[tilespmem:s9], [sflag:$0x1] =	stream.indirect.gather @!p0 [hbm4b:s3+s1], $0x80, s0, s1, $0xb8;
	[tilespmem:$0x1B080] =	vst v63  }
0xf2: {  	s0 =	sadd.s32 @!p0 $0x1F0, s23;
	s1 =	simm.s32 @!p0 $0x68;
	s9 =	simm.s32 @!p0 $0xF880  }
0xf3: {  	[tilespmem:s9], [sflag:$0x1] =	stream.indirect.gather @!p0 [hbm4b:s3+s1], $0x80, s0, s1, $0xb8;
	[tilespmem:$0x1B080] =	vst v63  }
0xf4: {  	_ =	swait.ge [sflag:s15], $0x6400  }
0xf5: {  	[sflag:s15] =	ssyncset.done $0x0  }
0xf6: {  	[sflag:s15] =	ssyncadd.s32 $0xFFFF9C00  }
0xf7: {  	v0 =	vld [tilespmem:s20+$0x0];
	_ =	sdelay $0x4  }
0xf8: {  	v0 =	vshll.u32 v0, $0x6  }
0xf9: {  	s30 =	simm.s32 $0x0;
	v0 =	vand.u32 $0x40, v0  }
0xfa: {  	v0 =	vadd.s32 s30, v0  }
0xfb: {  	v15 =	vadd.s32 $0x12C80, v0  }
0xfc: {  	(v2sf) =	vpush v15, $0xA  }
0xfd: {  	(v2sf) =	vpush v15, $0xF  }
0xfe: {  	(v2sf) =	vpush v15, $0x6;
	_ =	sdelay $0x2  }
0xff: {  	(v2sf) =	vpush v15, $0x1;
	_ =	sdelay $0x3  }
0x100: {  	(v2sf) =	vpush v15, $0x3;
	_ =	sdelay $0x3  }
0x101: {  	(v2sf) =	vpush v15, $0x2;
	_ =	sdelay $0x1  }
0x102: {  	s24 =	spop (v2sf)  }
0x103: {  	v1 =	vld [tilespmem:s24+$0x520];
	s23 =	spop (v2sf)  }
0x104: {  	(v2sf) =	vpush v15, $0x8;
	v0 =	vld [tilespmem:s23+$0x780];
	s29 =	spop (v2sf)  }
0x105: {  	v3 =	vld [tilespmem:s29+$0x310]  }
0x106: {  	(v2sf) =	vpush v15, $0x4;
	v4 =	vld [tilespmem:s29+$0x300]  }
0x107: {  	s0 =	spop (v2sf);
	v10 =	vld [tilespmem:s29+$0x330]  }
0x108: {  	v24 =	vld [tilespmem:s0+$0x90]  }
0x109: {  	(v2sf) =	vpush v15, $0x5;
	v22 =	vld [tilespmem:s0+$0xB0]  }
0x10a: {  	(v2sf) =	vpush v15, $0x0;
	v28 =	vld [tilespmem:s0+$0xA0]  }
0x10b: {  	(v2sf) =	vpush v15, $0x7;
	s31 =	spop (v2sf);
	v30 =	vld [tilespmem:s0+$0x80]  }
0x10c: {  	v7 =	vld [tilespmem:s31+$0x190]  }
0x10d: {  	v14 =	vld [tilespmem:s31+$0x1A0]  }
0x10e: {  	v19 =	vld [tilespmem:s31+$0x180]  }
0x10f: {  	s26 =	spop (v2sf);
	v31 =	vld [tilespmem:s31+$0x1B0]  }
0x110: {  	v20 =	vld [tilespmem:s26+$0x110]  }
0x111: {  	v16 =	vld [tilespmem:s26+$0x130]  }
0x112: {  	v18 =	vld [tilespmem:s26+$0x120]  }
0x113: {  	s28 =	spop (v2sf);
	v23 =	vld [tilespmem:s26+$0x100]  }
0x114: {  	v2 =	vld [tilespmem:s28+$0x420]  }
0x115: {  	(v2sf) =	vpush v15, $0x9;
	s30 =	spop (v2sf);
	v5 =	vld [tilespmem:s28+$0x430]  }
0x116: {  	v8 =	vld [tilespmem:s30+$0x200]  }
0x117: {  	v21 =	vld [tilespmem:s30+$0x230]  }
0x118: {  	s25 =	spop (v2sf);
	v13 =	vld [tilespmem:s30+$0x210]  }
0x119: {  	v12 =	vld [tilespmem:s30+$0x220];
	s31 =	spop (v2sf)  }
0x11a: {  	v17 =	vld [tilespmem:s25+$0x2B0];
	s1 =	spop (v2sf);
	(v2sf) =	vpush v15, $0xB  }
0x11b: {  	v6 =	vld [tilespmem:s25+$0x290]  }
0x11c: {  	v26 =	vld [tilespmem:s31+$0x30]  }
0x11d: {  	v9 =	vld [tilespmem:s25+$0x2A0]  }
0x11e: {  	v32 =	vld [tilespmem:s31+$0x20];
	(v2sf) =	vpush v15, $0xC  }
0x11f: {  	v33 =	vld [tilespmem:s31+$0x0]  }
0x120: {  	v25 =	vimm.f32 $0.0e+00;
	v34 =	vld [tilespmem:s31+$0x10]  }
0x121: {  	v11 =	vld [tilespmem:s1+$0x390];
	v26 =	vadd.f32 v26, v25  }
0x122: {  	v27 =	vld [tilespmem:s1+$0x3B0];
	(v2sf) =	vpush v15, $0xD  }
0x123: {  	(v2sf) =	vpush v15, $0xE;
	v15 =	vld [tilespmem:s1+$0x3A0];
	v26 =	vadd.f32 v22, v26  }
0x124: {  	s9 =	spop (v2sf);
	v22 =	vld [tilespmem:s25+$0x280]  }
0x125: {  	v29 =	vimm.f32 $0.0e+00;
	s26 =	smov.u32 s20;
	s25 =	simm.s32 $0x2000;
	v35 =	vadd.f32 v16, v26;
	v16 =	vld [tilespmem:s9+$0x4B0];
	v26 =	vimm.f32 $0.0e+00  }
.LBB2_7:
0x126: {  	p0 =	sne.s32 s25, $0x16000  }
0x127: {  	v31 =	vadd.f32 v31, v35;
	v35 =	vld [tilespmem:s9+$0x4A0];
	s26 =	sadd.s32 $0x10, s26;
	s11 =	smov.u32 s25;
	s25 =	sadd.s32 $0x2000, s25  }
0x128: {  	v25 =	vadd.f32 v33, v25;
	v33 =	vld [tilespmem:s24+$0x530]  }
0x129: {  	v29 =	vadd.f32 v34, v29;
	v21 =	vadd.f32 v21, v31;
	v31 =	vld [tilespmem:s1+$0x380];
	s0 =	spop (v2sf)  }
0x12a: {  	v26 =	vadd.f32 v32, v26;
	v25 =	vadd.f32 v30, v25;
	v30 =	vld [tilespmem:s0+$0x5B0]  }
0x12b: {  	v24 =	vadd.f32 v24, v29;
	v17 =	vadd.f32 v17, v21;
	v21 =	vld [tilespmem:s9+$0x490]  }
0x12c: {  	v26 =	vadd.f32 v28, v26;
	v23 =	vadd.f32 v23, v25;
	v29 =	vld [tilespmem:s26+$0x0]  }
0x12d: {  	v20 =	vadd.f32 v20, v24;
	v10 =	vadd.f32 v10, v17;
	v17 =	vld [tilespmem:s9+$0x480];
	s9 =	spop (v2sf)  }
0x12e: {  	v18 =	vadd.f32 v18, v26;
	v19 =	vadd.f32 v19, v23;
	v23 =	vld [tilespmem:s9+$0x630]  }
0x12f: {  	v7 =	vadd.f32 v7, v20;
	v10 =	vadd.f32 v27, v10;
	v20 =	vld [tilespmem:s24+$0x500]  }
0x130: {  	v14 =	vadd.f32 v14, v18;
	v8 =	vadd.f32 v8, v19;
	v18 =	vld [tilespmem:s23+$0x7B0]  }
0x131: {  	v7 =	vadd.f32 v13, v7;
	v19 =	vshll.u32 v29, $0x6;
	v13 =	vld [tilespmem:s29+$0x320];
	v5 =	vadd.f32 v5, v10;
	s29 =	spop (v2sf)  }
0x132: {  	s11 =	sshra.s32 s11, $0x2;
	v12 =	vadd.f32 v12, v14;
	v10 =	vand.u32 $0x40, v19;
	v14 =	vld [tilespmem:s29+$0x680];
	s1 =	spop (v2sf)  }
0x133: {  	v8 =	vadd.f32 v22, v8;
	v10 =	vadd.s32 s11, v10;
	v5 =	vadd.f32 v16, v5;
	v19 =	vld [tilespmem:s1+$0x730]  }
0x134: {  	v6 =	vadd.f32 v6, v7;
	v7 =	vadd.f32 v9, v12;
	v16 =	vadd.s32 $0x12C80, v10;
	v9 =	vld [tilespmem:s28+$0x400]  }
0x135: {  	v4 =	vadd.f32 v4, v8;
	(v2sf) =	vpush v16, $0xA;
	v8 =	vld [tilespmem:s28+$0x410]  }
0x136: {  	(v2sf) =	vpush v16, $0xF;
	v7 =	vadd.f32 v13, v7;
	v10 =	vld [tilespmem:s9+$0x600]  }
0x137: {  	v3 =	vadd.f32 v3, v6;
	(v2sf) =	vpush v16, $0x6;
	v6 =	vld [tilespmem:s0+$0x580]  }
0x138: {  	(v2sf) =	vpush v16, $0x1;
	v7 =	vadd.f32 v15, v7;
	v12 =	vld [tilespmem:s24+$0x510]  }
0x139: {  	v3 =	vadd.f32 v11, v3;
	(v2sf) =	vpush v16, $0x3;
	v11 =	vld [tilespmem:s29+$0x6B0]  }
0x13a: {  	v5 =	vadd.f32 v33, v5;
	(v2sf) =	vpush v16, $0x2;
	v13 =	vld [tilespmem:s0+$0x590]  }
0x13b: {  	v4 =	vadd.f32 v31, v4;
	(v2sf) =	vpush v16, $0x8;
	v15 =	vld [tilespmem:s0+$0x5A0]  }
0x13c: {  	v5 =	vadd.f32 v30, v5;
	(v2sf) =	vpush v16, $0x4;
	v22 =	vld [tilespmem:s9+$0x610]  }
0x13d: {  	v2 =	vadd.f32 v2, v7;
	(v2sf) =	vpush v16, $0x5;
	v7 =	vld [tilespmem:s9+$0x620]  }
0x13e: {  	v5 =	vadd.f32 v23, v5;
	v23 =	vld [tilespmem:s29+$0x690]  }
0x13f: {  	v4 =	vadd.f32 v9, v4;
	(v2sf) =	vpush v16, $0x0;
	v9 =	vld [tilespmem:s29+$0x6A0]  }
0x140: {  	v2 =	vadd.f32 v35, v2;
	v5 =	vadd.f32 v11, v5;
	v11 =	vld [tilespmem:s1+$0x710]  }
0x141: {  	v4 =	vadd.f32 v17, v4;
	v17 =	vld [tilespmem:s1+$0x720]  }
0x142: {  	v3 =	vadd.f32 v8, v3;
	v1 =	vadd.f32 v1, v2;
	v24 =	vld [tilespmem:s23+$0x790]  }
0x143: {  	v2 =	vadd.f32 v20, v4;
	v4 =	vadd.f32 v19, v5;
	v5 =	vld [tilespmem:s23+$0x7A0]  }
0x144: {  	v3 =	vadd.f32 v21, v3;
	v8 =	vadd.f32 v15, v1;
	s24 =	spop (v2sf);
	v15 =	vld [tilespmem:s1+$0x700]  }
0x145: {  	v2 =	vadd.f32 v6, v2;
	v27 =	vadd.f32 v18, v4;
	v1 =	vld [tilespmem:s24+$0x520];
	s23 =	spop (v2sf)  }
0x146: {  	v12 =	vadd.f32 v12, v3;
	v7 =	vadd.f32 v7, v8;
	v6 =	vld [tilespmem:s23+$0x780];
	s29 =	spop (v2sf)  }
0x147: {  	v2 =	vadd.f32 v10, v2;
	v3 =	vld [tilespmem:s29+$0x310];
	s0 =	spop (v2sf)  }
0x148: {  	v8 =	vadd.f32 v13, v12;
	v9 =	vadd.f32 v9, v7;
	v4 =	vld [tilespmem:s29+$0x300];
	s1 =	spop (v2sf)  }
0x149: {  	v12 =	vadd.f32 v14, v2;
	v10 =	vld [tilespmem:s29+$0x330];
	s11 =	spop (v2sf)  }
0x14a: {  	v13 =	vadd.f32 v22, v8;
	v9 =	vadd.f32 v17, v9;
	v7 =	vld [tilespmem:s1+$0x190];
	s28 =	spop (v2sf)  }
0x14b: {  	v12 =	vadd.f32 v15, v12;
	v2 =	vld [tilespmem:s28+$0x420];
	s30 =	spop (v2sf)  }
0x14c: {  	v13 =	vadd.f32 v23, v13;
	v26 =	vadd.f32 v5, v9;
	v8 =	vld [tilespmem:s30+$0x200];
	s9 =	spop (v2sf)  }
0x14d: {  	v25 =	vadd.f32 v0, v12;
	v0 =	vmov v6;
	v5 =	vld [tilespmem:s28+$0x430]  }
0x14e: {  	v9 =	vadd.f32 v11, v13;
	v21 =	vld [tilespmem:s30+$0x230];
	s31 =	spop (v2sf);
	(v2sf) =	vpush v16, $0x7  }
0x14f: {  	v17 =	vld [tilespmem:s9+$0x2B0]  }
0x150: {  	v29 =	vadd.f32 v24, v9;
	v6 =	vld [tilespmem:s9+$0x290]  }
0x151: {  	v13 =	vld [tilespmem:s30+$0x210]  }
0x152: {  	v14 =	vld [tilespmem:s1+$0x1A0]  }
0x153: {  	v12 =	vld [tilespmem:s30+$0x220]  }
0x154: {  	v9 =	vld [tilespmem:s9+$0x2A0]  }
0x155: {  	v20 =	vld [tilespmem:s11+$0x110]  }
0x156: {  	v15 =	vld [tilespmem:s11+$0x130]  }
0x157: {  	v18 =	vld [tilespmem:s11+$0x120];
	(v2sf) =	vpush v16, $0x9  }
0x158: {  	v19 =	vld [tilespmem:s1+$0x180]  }
0x159: {  	v24 =	vld [tilespmem:s0+$0x90]  }
0x15a: {  	v23 =	vld [tilespmem:s11+$0x100]  }
0x15b: {  	v31 =	vld [tilespmem:s1+$0x1B0];
	(v2sf) =	vpush v16, $0xB  }
0x15c: {  	v22 =	vld [tilespmem:s0+$0xB0]  }
0x15d: {  	v34 =	vld [tilespmem:s31+$0x30];
	s1 =	spop (v2sf)  }
0x15e: {  	v28 =	vld [tilespmem:s0+$0xA0]  }
0x15f: {  	v11 =	vld [tilespmem:s1+$0x390];
	(v2sf) =	vpush v16, $0xC  }
0x160: {  	v30 =	vld [tilespmem:s0+$0x80]  }
0x161: {  	v32 =	vld [tilespmem:s31+$0x20]  }
0x162: {  	v33 =	vld [tilespmem:s31+$0x0];
	v35 =	vadd.f32 v34, v27  }
.Ltmp2:
0x163: {  	v27 =	vld [tilespmem:s1+$0x3B0];
	(v2sf) =	vpush v16, $0xD;
	(pc) =	sbr.rel @p0 .LBB2_7-.Ltmp2, $4  }
0x164: {  	v34 =	vld [tilespmem:s31+$0x10];
	v35 =	vadd.f32 v22, v35;
	(v2sf) =	vpush v16, $0xE  }
0x165: {  	v22 =	vld [tilespmem:s9+$0x280]  }
0x166: {  	v35 =	vadd.f32 v15, v35;
	v15 =	vld [tilespmem:s1+$0x3A0];
	s9 =	spop (v2sf)  }
0x167: {  	v16 =	vld [tilespmem:s9+$0x4B0]  }
0x168: {  	v36 =	vld [tilespmem:s9+$0x4A0]  }
0x169: {  	v37 =	vld [tilespmem:s24+$0x530]  }
0x16a: {  	v38 =	vld [tilespmem:s1+$0x380]  }
0x16b: {  	v40 =	vld [tilespmem:s9+$0x490]  }
0x16c: {  	v41 =	vld [tilespmem:s9+$0x480]  }
0x16d: {  	v43 =	vld [tilespmem:s22+$0x64C0]  }
0x16e: {  	v44 =	vld [tilespmem:s24+$0x500]  }
0x16f: {  	v45 =	vld [tilespmem:s23+$0x7B0]  }
0x170: {  	v46 =	vld [tilespmem:s29+$0x320]  }
0x171: {  	v49 =	vld [tilespmem:s28+$0x400]  }
0x172: {  	v50 =	vld [tilespmem:s28+$0x410]  }
0x173: {  	v31 =	vadd.f32 v31, v35;
	v55 =	vld [tilespmem:s23+$0x790];
	s0 =	spop (v2sf)  }
0x174: {  	v56 =	vld [tilespmem:s23+$0x7A0];
	v43 =	vshll.u32 v43, $0x6;
	s30 =	spop (v2sf)  }
0x175: {  	v21 =	vadd.f32 v21, v31;
	v31 =	vld [tilespmem:s24+$0x510];
	v43 =	vand.u32 $0x40, v43;
	s31 =	spop (v2sf)  }
0x176: {  	v29 =	vadd.f32 v34, v29;
	v39 =	vld [tilespmem:s0+$0x5B0];
	s11 =	spop (v2sf);
	(v2sf) =	vpush v43, $0x0  }
0x177: {  	v25 =	vadd.f32 v33, v25;
	v26 =	vadd.f32 v32, v26;
	v33 =	vld [tilespmem:s0+$0x580]  }
0x178: {  	v24 =	vadd.f32 v24, v29;
	v29 =	vld [tilespmem:s0+$0x590]  }
0x179: {  	v34 =	vadd.f32 v28, v26;
	v26 =	vld [tilespmem:s0+$0x5A0]  }
0x17a: {  	v42 =	vld [tilespmem:s30+$0x630];
	(v2sf) =	vpush v43, $0x1  }
0x17b: {  	v25 =	vadd.f32 v30, v25;
	v17 =	vadd.f32 v17, v21;
	v35 =	vld [tilespmem:s30+$0x600]  }
0x17c: {  	v20 =	vadd.f32 v20, v24;
	v24 =	vld [tilespmem:s30+$0x610]  }
0x17d: {  	v23 =	vadd.f32 v23, v25;
	v10 =	vadd.f32 v10, v17;
	v17 =	vld [tilespmem:s30+$0x620]  }
0x17e: {  	v18 =	vadd.f32 v18, v34;
	v47 =	vld [tilespmem:s31+$0x680];
	(v2sf) =	vpush v43, $0x2  }
0x17f: {  	v19 =	vadd.f32 v19, v23;
	v32 =	vld [tilespmem:s31+$0x6B0]  }
0x180: {  	v14 =	vadd.f32 v14, v18;
	v7 =	vadd.f32 v7, v20;
	v51 =	vld [tilespmem:s31+$0x690]  }
0x181: {  	v10 =	vadd.f32 v27, v10;
	v8 =	vadd.f32 v8, v19;
	v52 =	vld [tilespmem:s31+$0x6A0]  }
0x182: {  	v7 =	vadd.f32 v13, v7;
	v48 =	vld [tilespmem:s11+$0x730];
	(v2sf) =	vpush v43, $0x3  }
0x183: {  	v12 =	vadd.f32 v12, v14;
	v8 =	vadd.f32 v22, v8;
	v53 =	vld [tilespmem:s11+$0x710]  }
0x184: {  	v5 =	vadd.f32 v5, v10;
	v6 =	vadd.f32 v6, v7;
	v54 =	vld [tilespmem:s11+$0x720]  }
0x185: {  	v9 =	vadd.f32 v9, v12;
	v4 =	vadd.f32 v4, v8;
	v57 =	vld [tilespmem:s11+$0x700];
	s9 =	spop (v2sf)  }
0x186: {  	v3 =	vadd.f32 v3, v6;
	(v2sf) =	vpush v43, $0x4;
	v58 =	vld [tilespmem:s9+$0x18C80]  }
0x187: {  	v9 =	vadd.f32 v46, v9;
	v4 =	vadd.f32 v38, v4;
	v59 =	vld [tilespmem:s9+$0x18C90]  }
0x188: {  	v5 =	vadd.f32 v16, v5;
	v3 =	vadd.f32 v11, v3;
	v60 =	vld [tilespmem:s9+$0x18CA0]  }
0x189: {  	v9 =	vadd.f32 v15, v9;
	v4 =	vadd.f32 v49, v4;
	v61 =	vld [tilespmem:s9+$0x18CB0];
	s11 =	spop (v2sf)  }
0x18a: {  	v3 =	vadd.f32 v50, v3;
	(v2sf) =	vpush v43, $0x5;
	v62 =	vld [tilespmem:s11+$0x18D00]  }
0x18b: {  	v2 =	vadd.f32 v2, v9;
	v4 =	vadd.f32 v41, v4;
	v63 =	vld [tilespmem:s11+$0x18D10]  }
0x18c: {  	v5 =	vadd.f32 v37, v5;
	v3 =	vadd.f32 v40, v3;
	v28 =	vld [tilespmem:s11+$0x18D20]  }
0x18d: {  	v2 =	vadd.f32 v36, v2;
	v4 =	vadd.f32 v44, v4;
	v30 =	vld [tilespmem:s11+$0x18D30];
	s22 =	spop (v2sf)  }
0x18e: {  	v3 =	vadd.f32 v31, v3;
	(v2sf) =	vpush v43, $0x6;
	v34 =	vld [tilespmem:s22+$0x18D80]  }
0x18f: {  	v1 =	vadd.f32 v1, v2;
	v36 =	vadd.f32 v33, v4;
	v37 =	vld [tilespmem:s22+$0x18D90]  }
0x190: {  	v5 =	vadd.f32 v39, v5;
	v3 =	vadd.f32 v29, v3;
	v38 =	vld [tilespmem:s22+$0x18DA0]  }
0x191: {  	v1 =	vadd.f32 v26, v1;
	v2 =	vadd.f32 v35, v36;
	v39 =	vld [tilespmem:s22+$0x18DB0];
	s23 =	spop (v2sf)  }
0x192: {  	v3 =	vadd.f32 v24, v3;
	(v2sf) =	vpush v43, $0x7;
	v40 =	vld [tilespmem:s23+$0x18E00]  }
0x193: {  	v1 =	vadd.f32 v17, v1;
	v2 =	vadd.f32 v47, v2;
	v41 =	vld [tilespmem:s23+$0x18E10]  }
0x194: {  	v5 =	vadd.f32 v42, v5;
	v3 =	vadd.f32 v51, v3;
	v43 =	vld [tilespmem:s23+$0x18E20]  }
0x195: {  	v1 =	vadd.f32 v52, v1;
	v2 =	vadd.f32 v57, v2;
	v44 =	vld [tilespmem:s23+$0x18E30];
	s24 =	spop (v2sf)  }
0x196: {  	v5 =	vadd.f32 v32, v5;
	v3 =	vadd.f32 v53, v3;
	v46 =	vld [tilespmem:s24+$0x18E80]  }
0x197: {  	v1 =	vadd.f32 v54, v1;
	v0 =	vadd.f32 v0, v2;
	v47 =	vld [tilespmem:s24+$0x18E90]  }
0x198: {  	v5 =	vadd.f32 v48, v5;
	v3 =	vadd.f32 v55, v3;
	v48 =	vld [tilespmem:s24+$0x18EA0]  }
0x199: {  	v1 =	vadd.f32 v56, v1;
	v0 =	vadd.f32 v58, v0;
	v49 =	vld [tilespmem:s24+$0x18EB0];
	s25 =	spop (v2sf)  }
0x19a: {  	v5 =	vadd.f32 v45, v5;
	v3 =	vadd.f32 v59, v3;
	v50 =	vld [tilespmem:s25+$0x18F00]  }
0x19b: {  	v1 =	vadd.f32 v60, v1;
	v0 =	vadd.f32 v62, v0;
	v51 =	vld [tilespmem:s25+$0x18F10]  }
0x19c: {  	v5 =	vadd.f32 v61, v5;
	v3 =	vadd.f32 v63, v3;
	v52 =	vld [tilespmem:s25+$0x18F20]  }
0x19d: {  	v1 =	vadd.f32 v28, v1;
	v0 =	vadd.f32 v34, v0;
	v53 =	vld [tilespmem:s25+$0x18F30];
	s26 =	spop (v2sf)  }
0x19e: {  	v5 =	vadd.f32 v30, v5;
	v3 =	vadd.f32 v37, v3;
	v54 =	vld [tilespmem:s26+$0x18F80]  }
0x19f: {  	v1 =	vadd.f32 v38, v1;
	v0 =	vadd.f32 v40, v0;
	v55 =	vld [tilespmem:s26+$0x18F90]  }
0x1a0: {  	v5 =	vadd.f32 v39, v5;
	v3 =	vadd.f32 v41, v3;
	v56 =	vld [tilespmem:s26+$0x18FA0]  }
0x1a1: {  	v1 =	vadd.f32 v43, v1;
	v57 =	vld [tilespmem:s26+$0x18FB0];
	s28 =	spop (v2sf);
	v0 =	vadd.f32 v46, v0  }
0x1a2: {  	v5 =	vadd.f32 v44, v5;
	v58 =	vld [tilespmem:s28+$0x19000];
	v2 =	vadd.f32 v47, v3  }
0x1a3: {  	v59 =	vld [tilespmem:s28+$0x19010];
	v1 =	vadd.f32 v48, v1;
	v0 =	vadd.f32 v50, v0  }
0x1a4: {  	v60 =	vld [tilespmem:s28+$0x19020];
	v5 =	vadd.f32 v49, v5;
	v2 =	vadd.f32 v51, v2  }
0x1a5: {  	v61 =	vld [tilespmem:s28+$0x19030];
	v1 =	vadd.f32 v52, v1;
	v0 =	vadd.f32 v54, v0  }
0x1a6: {  	s18 =	sadd.s32 $0x1, s18;
	v5 =	vadd.f32 v53, v5;
	v2 =	vadd.f32 v55, v2  }
0x1a7: {  	p0 =	sne.s32 s18, $0x40;
	v1 =	vadd.f32 v56, v1;
	v0 =	vadd.f32 v58, v0  }
.Ltmp3:
0x1a8: {  	s29 =	sshll.u32 s21, $0x6;
	v62 =	vadd.f32 v57, v5;
	v2 =	vadd.f32 v59, v2;
	(pc) =	sbr.rel @p0 .LBB2_4-.Ltmp3, $4  }
0x1a9: {  	s30 =	sor.u32 $0x50, s29;
	v1 =	vadd.f32 v60, v1;
	[tilespmem:s29+$0x19080] =	vst v0  }
0x1aa: {  	s31 =	sor.u32 $0x60, s29;
	v63 =	vadd.f32 v61, v62;
	[tilespmem:s30+$0x19080] =	vst v2  }
0x1ab: {  	s0 =	sor.u32 $0x70, s29;
	[tilespmem:s31+$0x19080] =	vst v1  }
0x1ac: {  	s19 =	sadd.s32 $0x190, s19;
	s20 =	sadd.s32 $0x190, s20;
	[tilespmem:s0+$0x19080] =	vst v63  }
0x1ad: {  	s17 =	sadd.s32 $0x1, s17  }
0x1ae: {  	p0 =	sne.s32 s17, s6  }
.Ltmp4:
0x1af: {  	_ = 	snop;
	(pc) =	sbr.rel @p0 .LBB2_1-.Ltmp4, $4  }
0x1b0: {  	[hbm4b:s5+s2] =	stream.linear.scatter [tilespmem:s16], [sflag:$0x3], $0x2000, $0x38;
	[tilespmem:$0x1B080] =	vst v63  }
0x1b1: {  	_ =	swait.ge [sflag:s7], $0x2000  }
0x1b2: {  	[sflag:s7] =	ssyncset.done $0x0  }
0x1b3: {  	[sflag:s7] =	ssyncadd.s32 $0xFFFFE000  }
0x1b4: {  	_ =	sfence.sel $0x180000  }
0x1b5: {  	[bflag:$0x0] =	sbarrier.arrive $0xFFFF  }
0x1b6: {  	_ =	strace $0x90000047  }
0x1b7: {  	s0 =	stileid.u32;
	[bflag:$0x2] =	sbarrier.arrive $0xFFFF  }
0x1b8: {  	p0 =	sne.s32 s0, $0x0;
	s0 =	rddreg [dreg:$0x1]  }
0x1b9: {  	s0 =	sadd.s32 @!p0 $0x100000, s0  }
0x1ba: {  	[sflag:s0] =	ssyncadd.tile.s32 @!p0 $0x1;
	_ =	shalt  }
.Lfunc_end2:
_tile_overlayer_lowered:
.L_overlay_start_2:
0x1bb: {  	(tag) =	ssettag $0x2  }
0x1bc: {  	s0 =	rddreg [dreg:$0x0];
	s2 =	stileid.u32  }
0x1bd: {  	s1 =	rddreg [dreg:$0x1];
	p0 =	sne.s32 s2, $0x0  }
0x1be: {  	s3 =	rddreg [dreg:$0x2];
	[bflag:$0x3] =	sbarrier.arrive $0xFFFF;
	s2 =	simm.s32 @!p0 $0x1C03  }
0x1bf: {  	[timem:s3], [sflag:s2] =	dma.local @!p0 [hbm:s0], s1  }
0x1c0: {  	s0 =	simm.s32 @!p0 $0x3  }
0x1c1: {  	_ =	swait.ge @!p0 [sflag:s0], s1  }
0x1c2: {  	s1 =	ssub.s32 @!p0 $0x0, s1;
	[sflag:s0] =	ssyncset.done @!p0 $0x0  }
0x1c3: {  	[sflag:s0] =	ssyncadd.s32 @!p0 s1  }
0x1c4: {  	[bflag:$0x3] =	sbarrier.arrive $0xFFFF  }
0x1c5: {  	_ =	shalt  }

</sc_bundles>
